<compile_context>
chip_gen: v7x
topology: tpu7x:2x2x1
jax: 0.10.2.dev20260603
libtpu: 0.0.44.dev20260713+nightly
codegen_flags: <defaults>
</compile_context>

<pallas_src>
import jax
import jax.numpy as jnp
from jax import lax
from jax.experimental import pallas as pl
from jax.experimental.pallas import tpu as pltpu
from jax.experimental.pallas import tpu_sc as plsc

VOCAB = 100000
EMBED = 128
BATCH = 4096
HIST = 50

NC = 2
NS = 16
NW = NC * NS

B_PER_W = BATCH // NW
G = 2
CHUNKS = B_PER_W // G
RING = 8
H = RING // 2


def _gather_body(table_hbm, idx_hbm, out_hbm, idx_v, *ring):
    bufs = ring[:RING]
    gsems = ring[RING:2 * RING]
    wsems0 = ring[2 * RING:3 * RING]
    wsems1 = ring[3 * RING:]

    wid = lax.axis_index("s") * NC + lax.axis_index("c")
    batch_base = wid * B_PER_W

    pltpu.sync_copy(idx_hbm.at[wid], idx_v)

    def fire_gather(r, j):
        pltpu.async_copy(table_hbm.at[idx_v.at[j]], bufs[r], gsems[r])

    def wait_gather(r, j):
        pltpu.make_async_copy(table_hbm.at[idx_v.at[j]], bufs[r],
                              gsems[r]).wait()

    def fire_write(r, j):
        pltpu.async_copy(bufs[r].at[pl.ds(0, HIST)],
                         out_hbm.at[batch_base + j * G], wsems0[r])
        pltpu.async_copy(bufs[r].at[pl.ds(HIST, HIST)],
                         out_hbm.at[batch_base + j * G + 1], wsems1[r])

    def wait_write(r, j):
        pltpu.make_async_copy(bufs[r].at[pl.ds(0, HIST)],
                              out_hbm.at[batch_base + j * G],
                              wsems0[r]).wait()
        pltpu.make_async_copy(bufs[r].at[pl.ds(HIST, HIST)],
                              out_hbm.at[batch_base + j * G + 1],
                              wsems1[r]).wait()

    def retire(j, r):
        wait_gather(r, j)
        fire_write(r, j)
        wait_write((r + H) % RING, j - H)
        fire_gather((r + H) % RING, j + H)

    for k in range(RING):
        fire_gather(k, k)
    for j in range(H):
        wait_gather(j, j)
        fire_write(j, j)

    end = CHUNKS - H
    loop_start = min(-(-H // RING) * RING, end)
    for j in range(H, loop_start):
        retire(j, j % RING)

    n_iter = (end - loop_start) // RING

    def step(m, carry):
        j0 = loop_start + m * RING
        for r in range(RING):
            retire(j0 + r, r)
        return carry

    if n_iter > 0:
        lax.fori_loop(0, n_iter, step, 0)

    for j in range(loop_start + n_iter * RING, end):
        retire(j, j % RING)

    for j in range(max(end, H), CHUNKS):
        wait_gather(j % RING, j)
        fire_write(j % RING, j)
        wait_write((j + H) % RING, j - H)
    for j in range(max(end, H), CHUNKS):
        wait_write(j % RING, j)


@jax.jit
def _embed(indices, table):
    mesh = plsc.VectorSubcoreMesh(
        core_axis_name="c", subcore_axis_name="s", num_cores=NC, num_subcores=NS
    )
    idx3 = indices.reshape(NW, CHUNKS, G * HIST)
    return pl.kernel(
        _gather_body,
        out_type=jax.ShapeDtypeStruct((BATCH, HIST, EMBED), jnp.float32),
        mesh=mesh,
        scratch_types=(
            [pltpu.VMEM((CHUNKS, G * HIST), jnp.int32)]
            + [pltpu.VMEM((G * HIST, EMBED), jnp.float32) for _ in range(RING)]
            + [pltpu.SemaphoreType.DMA for _ in range(3 * RING)]
        ),
    )(table, idx3)


def kernel(indices, table):
    return _embed(indices, table)

# --- scband reference (transcript-rebuilt; emitter-appended) ---
"""Pipeline reference for scband-token-embedding-18287970746856 (READ-ONLY COPY).

The authoritative reference and input builder live on the scoring server;
editing this copy changes nothing except your own understanding.
"""

import jax, jax.numpy as jnp
import numpy as np

VOCAB = 100000
EMBED = 128
BATCH = 4096
HIST = 50

def setup_inputs(seed: int = 0) -> dict:
    key = jax.random.key(seed)
    k1, k2 = jax.random.split(key)
    indices = jax.random.randint(k1, (BATCH, HIST), 0, VOCAB)
    table = jax.random.normal(k2, (VOCAB, EMBED), dtype=jnp.float32)
    # padding_idx=0: row 0 is initialized to zeros in nn.Embedding
    table = table.at[0].set(0.0)
    return {"indices": indices, "table": table}

def reference(indices, table):
    # nn.Embedding forward: plain gather of rows from the table
    return jnp.take(table, indices, axis=0)

if __name__ == "__main__":
    import jax
    _d = setup_inputs()
    print(jax.jit(kernel)(*tuple(_d.values())))

</pallas_src>

<mosaic_0001>
#map = affine_map<(d0, d1) -> (0, 0)>
#map1 = affine_map<(d0, d1) -> (0, 0, 0)>
module attributes {stable_mosaic.version = 14 : i64} {
  func.func @_gather_body(%arg0: i32, %arg1: i32, %arg2: memref<100000x128xf32, #tpu.memory_space<hbm>>, %arg3: memref<32x64x100xi32, #tpu.memory_space<hbm>>, %arg4: memref<4096x50x128xf32, #tpu.memory_space<hbm>>, %arg5: memref<64x100xi32, #tpu.memory_space<vmem>>, %arg6: memref<100x128xf32, #tpu.memory_space<vmem>>, %arg7: memref<100x128xf32, #tpu.memory_space<vmem>>, %arg8: memref<100x128xf32, #tpu.memory_space<vmem>>, %arg9: memref<100x128xf32, #tpu.memory_space<vmem>>, %arg10: memref<100x128xf32, #tpu.memory_space<vmem>>, %arg11: memref<100x128xf32, #tpu.memory_space<vmem>>, %arg12: memref<100x128xf32, #tpu.memory_space<vmem>>, %arg13: memref<100x128xf32, #tpu.memory_space<vmem>>, %arg14: memref<!tpu.dma_semaphore, #tpu.memory_space<semaphore_mem>>, %arg15: memref<!tpu.dma_semaphore, #tpu.memory_space<semaphore_mem>>, %arg16: memref<!tpu.dma_semaphore, #tpu.memory_space<semaphore_mem>>, %arg17: memref<!tpu.dma_semaphore, #tpu.memory_space<semaphore_mem>>, %arg18: memref<!tpu.dma_semaphore, #tpu.memory_space<semaphore_mem>>, %arg19: memref<!tpu.dma_semaphore, #tpu.memory_space<semaphore_mem>>, %arg20: memref<!tpu.dma_semaphore, #tpu.memory_space<semaphore_mem>>, %arg21: memref<!tpu.dma_semaphore, #tpu.memory_space<semaphore_mem>>, %arg22: memref<!tpu.dma_semaphore, #tpu.memory_space<semaphore_mem>>, %arg23: memref<!tpu.dma_semaphore, #tpu.memory_space<semaphore_mem>>, %arg24: memref<!tpu.dma_semaphore, #tpu.memory_space<semaphore_mem>>, %arg25: memref<!tpu.dma_semaphore, #tpu.memory_space<semaphore_mem>>, %arg26: memref<!tpu.dma_semaphore, #tpu.memory_space<semaphore_mem>>, %arg27: memref<!tpu.dma_semaphore, #tpu.memory_space<semaphore_mem>>, %arg28: memref<!tpu.dma_semaphore, #tpu.memory_space<semaphore_mem>>, %arg29: memref<!tpu.dma_semaphore, #tpu.memory_space<semaphore_mem>>, %arg30: memref<!tpu.dma_semaphore, #tpu.memory_space<semaphore_mem>>, %arg31: memref<!tpu.dma_semaphore, #tpu.memory_space<semaphore_mem>>, %arg32: memref<!tpu.dma_semaphore, #tpu.memory_space<semaphore_mem>>, %arg33: memref<!tpu.dma_semaphore, #tpu.memory_space<semaphore_mem>>, %arg34: memref<!tpu.dma_semaphore, #tpu.memory_space<semaphore_mem>>, %arg35: memref<!tpu.dma_semaphore, #tpu.memory_space<semaphore_mem>>, %arg36: memref<!tpu.dma_semaphore, #tpu.memory_space<semaphore_mem>>, %arg37: memref<!tpu.dma_semaphore, #tpu.memory_space<semaphore_mem>>) attributes {dimension_semantics = [#tpu.dimension_semantics<core_parallel>, #tpu.dimension_semantics<subcore_parallel>], iteration_bounds = array<i64: 2, 16>, scalar_prefetch = 0 : i64, scratch_operands = 33 : i64, tpu.core_type = #tpu.core_type<sc_vector_subcore>, window_params = [{transform_indices = #map}, {transform_indices = #map1}, {transform_indices = #map1}]} {
    %mul3A = arith.constant 2 : i32
    %mul3A_0 = arith.muli %arg1, %mul3A : i32
    %add3A = arith.addi %mul3A_0, %arg0 : i32
    %mul3A_1 = arith.constant 128 : i32
    %mul3A_2 = arith.muli %add3A, %mul3A_1 : i32
    "tpu.region"() ({
      %run_scoped3A = tpu.sem_alloc : memref<!tpu.dma_semaphore, #tpu.memory_space<semaphore_mem>>
      %dma_start3A_1318 = arith.constant 0 : i32
      %dma_start3A_1319 = arith.constant 0 : i32
      %dma_start3A_1320 = tpu.memref_slice %arg3[%add3A, %dma_start3A_1318, %dma_start3A_1319] : memref<32x64x100xi32, #tpu.memory_space<hbm>> -> memref<1x64x100xi32, #tpu.memory_space<hbm>>
      %dma_start3A_1321 = tpu.memref_squeeze %dma_start3A_1320 : memref<1x64x100xi32, #tpu.memory_space<hbm>> -> memref<64x100xi32, #tpu.memory_space<hbm>>
      %dma_start3A_1322 = arith.constant 0 : i32
      %dma_start3A_1323 = arith.constant 0 : i32
      %dma_start3A_1324 = tpu.memref_slice %arg3[%add3A, %dma_start3A_1322, %dma_start3A_1323] : memref<32x64x100xi32, #tpu.memory_space<hbm>> -> memref<1x64x100xi32, #tpu.memory_space<hbm>>
      %dma_start3A_1325 = tpu.memref_squeeze %dma_start3A_1324 : memref<1x64x100xi32, #tpu.memory_space<hbm>> -> memref<64x100xi32, #tpu.memory_space<hbm>>
      tpu.enqueue_dma source(%dma_start3A_1325 : memref<64x100xi32, #tpu.memory_space<hbm>>) target(%arg5 : memref<64x100xi32, #tpu.memory_space<vmem>>) target_semaphore(%run_scoped3A : memref<!tpu.dma_semaphore, #tpu.memory_space<semaphore_mem>>)
      %dma_wait3A_1326 = arith.constant 0 : i32
      %dma_wait3A_1327 = arith.constant 0 : i32
      %dma_wait3A_1328 = tpu.memref_slice %arg3[%add3A, %dma_wait3A_1326, %dma_wait3A_1327] : memref<32x64x100xi32, #tpu.memory_space<hbm>> -> memref<1x64x100xi32, #tpu.memory_space<hbm>>
      %dma_wait3A_1329 = tpu.memref_squeeze %dma_wait3A_1328 : memref<1x64x100xi32, #tpu.memory_space<hbm>> -> memref<64x100xi32, #tpu.memory_space<hbm>>
      %dma_wait3A_1330 = arith.constant 0 : i32
      %dma_wait3A_1331 = arith.constant 0 : i32
      %dma_wait3A_1332 = tpu.memref_slice %arg3[%add3A, %dma_wait3A_1330, %dma_wait3A_1331] : memref<32x64x100xi32, #tpu.memory_space<hbm>> -> memref<1x64x100xi32, #tpu.memory_space<hbm>>
      %dma_wait3A_1333 = tpu.memref_squeeze %dma_wait3A_1332 : memref<1x64x100xi32, #tpu.memory_space<hbm>> -> memref<64x100xi32, #tpu.memory_space<hbm>>
      tpu.wait_dma2 semaphore(%run_scoped3A : memref<!tpu.dma_semaphore, #tpu.memory_space<semaphore_mem>>) src(%dma_wait3A_1333 : memref<64x100xi32, #tpu.memory_space<hbm>>) dst(%arg5 : memref<64x100xi32, #tpu.memory_space<vmem>>)
      tpu.yield
    }) : () -> ()
    %dma_start3A = arith.constant 0 : i32
    %dma_start3A_3 = arith.constant 0 : i32
    %dma_start3A_4 = tpu.memref_slice %arg5[%dma_start3A, %dma_start3A_3] : memref<64x100xi32, #tpu.memory_space<vmem>> -> memref<1x100xi32, #tpu.memory_space<vmem>>
    %dma_start3A_5 = tpu.memref_squeeze %dma_start3A_4 : memref<1x100xi32, #tpu.memory_space<vmem>> -> memref<100xi32, #tpu.memory_space<vmem>>
    %dma_start3A_6 = arith.constant 0 : i32
    %dma_start3A_7 = arith.constant 0 : i32
    %dma_start3A_8 = tpu.memref_slice %arg2[%dma_start3A_6, %dma_start3A_7] : memref<100000x128xf32, #tpu.memory_space<hbm>> -> memref<100000x128xf32, #tpu.memory_space<hbm>>
    tpu.enqueue_indirect_dma source(%dma_start3A_8 : memref<100000x128xf32, #tpu.memory_space<hbm>>) target(%arg6 : memref<100x128xf32, #tpu.memory_space<vmem>>) offsets(%dma_start3A_5 : memref<100xi32, #tpu.memory_space<vmem>>) semaphore(%arg14 : memref<!tpu.dma_semaphore, #tpu.memory_space<semaphore_mem>>)
    %dma_start3A_9 = arith.constant 1 : i32
    %dma_start3A_10 = arith.constant 0 : i32
    %dma_start3A_11 = tpu.memref_slice %arg5[%dma_start3A_9, %dma_start3A_10] : memref<64x100xi32, #tpu.memory_space<vmem>> -> memref<1x100xi32, #tpu.memory_space<vmem>>
    %dma_start3A_12 = tpu.memref_squeeze %dma_start3A_11 : memref<1x100xi32, #tpu.memory_space<vmem>> -> memref<100xi32, #tpu.memory_space<vmem>>
    %dma_start3A_13 = arith.constant 0 : i32
    %dma_start3A_14 = arith.constant 0 : i32
    %dma_start3A_15 = tpu.memref_slice %arg2[%dma_start3A_13, %dma_start3A_14] : memref<100000x128xf32, #tpu.memory_space<hbm>> -> memref<100000x128xf32, #tpu.memory_space<hbm>>
    tpu.enqueue_indirect_dma source(%dma_start3A_15 : memref<100000x128xf32, #tpu.memory_space<hbm>>) target(%arg7 : memref<100x128xf32, #tpu.memory_space<vmem>>) offsets(%dma_start3A_12 : memref<100xi32, #tpu.memory_space<vmem>>) semaphore(%arg15 : memref<!tpu.dma_semaphore, #tpu.memory_space<semaphore_mem>>)
    %dma_start3A_16 = arith.constant 2 : i32
    %dma_start3A_17 = arith.constant 0 : i32
    %dma_start3A_18 = tpu.memref_slice %arg5[%dma_start3A_16, %dma_start3A_17] : memref<64x100xi32, #tpu.memory_space<vmem>> -> memref<1x100xi32, #tpu.memory_space<vmem>>
    %dma_start3A_19 = tpu.memref_squeeze %dma_start3A_18 : memref<1x100xi32, #tpu.memory_space<vmem>> -> memref<100xi32, #tpu.memory_space<vmem>>
    %dma_start3A_20 = arith.constant 0 : i32
    %dma_start3A_21 = arith.constant 0 : i32
    %dma_start3A_22 = tpu.memref_slice %arg2[%dma_start3A_20, %dma_start3A_21] : memref<100000x128xf32, #tpu.memory_space<hbm>> -> memref<100000x128xf32, #tpu.memory_space<hbm>>
    tpu.enqueue_indirect_dma source(%dma_start3A_22 : memref<100000x128xf32, #tpu.memory_space<hbm>>) target(%arg8 : memref<100x128xf32, #tpu.memory_space<vmem>>) offsets(%dma_start3A_19 : memref<100xi32, #tpu.memory_space<vmem>>) semaphore(%arg16 : memref<!tpu.dma_semaphore, #tpu.memory_space<semaphore_mem>>)
    %dma_start3A_23 = arith.constant 3 : i32
    %dma_start3A_24 = arith.constant 0 : i32
    %dma_start3A_25 = tpu.memref_slice %arg5[%dma_start3A_23, %dma_start3A_24] : memref<64x100xi32, #tpu.memory_space<vmem>> -> memref<1x100xi32, #tpu.memory_space<vmem>>
    %dma_start3A_26 = tpu.memref_squeeze %dma_start3A_25 : memref<1x100xi32, #tpu.memory_space<vmem>> -> memref<100xi32, #tpu.memory_space<vmem>>
    %dma_start3A_27 = arith.constant 0 : i32
    %dma_start3A_28 = arith.constant 0 : i32
    %dma_start3A_29 = tpu.memref_slice %arg2[%dma_start3A_27, %dma_start3A_28] : memref<100000x128xf32, #tpu.memory_space<hbm>> -> memref<100000x128xf32, #tpu.memory_space<hbm>>
    tpu.enqueue_indirect_dma source(%dma_start3A_29 : memref<100000x128xf32, #tpu.memory_space<hbm>>) target(%arg9 : memref<100x128xf32, #tpu.memory_space<vmem>>) offsets(%dma_start3A_26 : memref<100xi32, #tpu.memory_space<vmem>>) semaphore(%arg17 : memref<!tpu.dma_semaphore, #tpu.memory_space<semaphore_mem>>)
    %dma_start3A_30 = arith.constant 4 : i32
    %dma_start3A_31 = arith.constant 0 : i32
    %dma_start3A_32 = tpu.memref_slice %arg5[%dma_start3A_30, %dma_start3A_31] : memref<64x100xi32, #tpu.memory_space<vmem>> -> memref<1x100xi32, #tpu.memory_space<vmem>>
    %dma_start3A_33 = tpu.memref_squeeze %dma_start3A_32 : memref<1x100xi32, #tpu.memory_space<vmem>> -> memref<100xi32, #tpu.memory_space<vmem>>
    %dma_start3A_34 = arith.constant 0 : i32
    %dma_start3A_35 = arith.constant 0 : i32
    %dma_start3A_36 = tpu.memref_slice %arg2[%dma_start3A_34, %dma_start3A_35] : memref<100000x128xf32, #tpu.memory_space<hbm>> -> memref<100000x128xf32, #tpu.memory_space<hbm>>
    tpu.enqueue_indirect_dma source(%dma_start3A_36 : memref<100000x128xf32, #tpu.memory_space<hbm>>) target(%arg10 : memref<100x128xf32, #tpu.memory_space<vmem>>) offsets(%dma_start3A_33 : memref<100xi32, #tpu.memory_space<vmem>>) semaphore(%arg18 : memref<!tpu.dma_semaphore, #tpu.memory_space<semaphore_mem>>)
    %dma_start3A_37 = arith.constant 5 : i32
    %dma_start3A_38 = arith.constant 0 : i32
    %dma_start3A_39 = tpu.memref_slice %arg5[%dma_start3A_37, %dma_start3A_38] : memref<64x100xi32, #tpu.memory_space<vmem>> -> memref<1x100xi32, #tpu.memory_space<vmem>>
    %dma_start3A_40 = tpu.memref_squeeze %dma_start3A_39 : memref<1x100xi32, #tpu.memory_space<vmem>> -> memref<100xi32, #tpu.memory_space<vmem>>
    %dma_start3A_41 = arith.constant 0 : i32
    %dma_start3A_42 = arith.constant 0 : i32
    %dma_start3A_43 = tpu.memref_slice %arg2[%dma_start3A_41, %dma_start3A_42] : memref<100000x128xf32, #tpu.memory_space<hbm>> -> memref<100000x128xf32, #tpu.memory_space<hbm>>
    tpu.enqueue_indirect_dma source(%dma_start3A_43 : memref<100000x128xf32, #tpu.memory_space<hbm>>) target(%arg11 : memref<100x128xf32, #tpu.memory_space<vmem>>) offsets(%dma_start3A_40 : memref<100xi32, #tpu.memory_space<vmem>>) semaphore(%arg19 : memref<!tpu.dma_semaphore, #tpu.memory_space<semaphore_mem>>)
    %dma_start3A_44 = arith.constant 6 : i32
    %dma_start3A_45 = arith.constant 0 : i32
    %dma_start3A_46 = tpu.memref_slice %arg5[%dma_start3A_44, %dma_start3A_45] : memref<64x100xi32, #tpu.memory_space<vmem>> -> memref<1x100xi32, #tpu.memory_space<vmem>>
    %dma_start3A_47 = tpu.memref_squeeze %dma_start3A_46 : memref<1x100xi32, #tpu.memory_space<vmem>> -> memref<100xi32, #tpu.memory_space<vmem>>
    %dma_start3A_48 = arith.constant 0 : i32
    %dma_start3A_49 = arith.constant 0 : i32
    %dma_start3A_50 = tpu.memref_slice %arg2[%dma_start3A_48, %dma_start3A_49] : memref<100000x128xf32, #tpu.memory_space<hbm>> -> memref<100000x128xf32, #tpu.memory_space<hbm>>
    tpu.enqueue_indirect_dma source(%dma_start3A_50 : memref<100000x128xf32, #tpu.memory_space<hbm>>) target(%arg12 : memref<100x128xf32, #tpu.memory_space<vmem>>) offsets(%dma_start3A_47 : memref<100xi32, #tpu.memory_space<vmem>>) semaphore(%arg20 : memref<!tpu.dma_semaphore, #tpu.memory_space<semaphore_mem>>)
    %dma_start3A_51 = arith.constant 7 : i32
    %dma_start3A_52 = arith.constant 0 : i32
    %dma_start3A_53 = tpu.memref_slice %arg5[%dma_start3A_51, %dma_start3A_52] : memref<64x100xi32, #tpu.memory_space<vmem>> -> memref<1x100xi32, #tpu.memory_space<vmem>>
    %dma_start3A_54 = tpu.memref_squeeze %dma_start3A_53 : memref<1x100xi32, #tpu.memory_space<vmem>> -> memref<100xi32, #tpu.memory_space<vmem>>
    %dma_start3A_55 = arith.constant 0 : i32
    %dma_start3A_56 = arith.constant 0 : i32
    %dma_start3A_57 = tpu.memref_slice %arg2[%dma_start3A_55, %dma_start3A_56] : memref<100000x128xf32, #tpu.memory_space<hbm>> -> memref<100000x128xf32, #tpu.memory_space<hbm>>
    tpu.enqueue_indirect_dma source(%dma_start3A_57 : memref<100000x128xf32, #tpu.memory_space<hbm>>) target(%arg13 : memref<100x128xf32, #tpu.memory_space<vmem>>) offsets(%dma_start3A_54 : memref<100xi32, #tpu.memory_space<vmem>>) semaphore(%arg21 : memref<!tpu.dma_semaphore, #tpu.memory_space<semaphore_mem>>)
    %dma_wait3A = arith.constant 0 : i32
    %dma_wait3A_58 = arith.constant 0 : i32
    %dma_wait3A_59 = tpu.memref_slice %arg5[%dma_wait3A, %dma_wait3A_58] : memref<64x100xi32, #tpu.memory_space<vmem>> -> memref<1x100xi32, #tpu.memory_space<vmem>>
    %dma_wait3A_60 = tpu.memref_squeeze %dma_wait3A_59 : memref<1x100xi32, #tpu.memory_space<vmem>> -> memref<100xi32, #tpu.memory_space<vmem>>
    %dma_wait3A_61 = arith.constant 0 : i32
    %dma_wait3A_62 = arith.constant 0 : i32
    %dma_wait3A_63 = tpu.memref_slice %arg2[%dma_wait3A_61, %dma_wait3A_62] : memref<100000x128xf32, #tpu.memory_space<hbm>> -> memref<100000x128xf32, #tpu.memory_space<hbm>>
    tpu.wait_indirect_dma semaphore(%arg14 : memref<!tpu.dma_semaphore, #tpu.memory_space<semaphore_mem>>) src(%dma_wait3A_63 : memref<100000x128xf32, #tpu.memory_space<hbm>>) dst(%arg6 : memref<100x128xf32, #tpu.memory_space<vmem>>)
    %add3A_64 = arith.constant 0 : i32
    %add3A_65 = arith.addi %mul3A_2, %add3A_64 : i32
    %dma_start3A_66 = arith.constant 0 : i32
    %dma_start3A_67 = arith.constant 0 : i32
    %dma_start3A_68 = tpu.memref_slice %arg6[%dma_start3A_66, %dma_start3A_67] : memref<100x128xf32, #tpu.memory_space<vmem>> -> memref<50x128xf32, #tpu.memory_space<vmem>>
    %dma_start3A_69 = arith.constant 0 : i32
    %dma_start3A_70 = arith.constant 0 : i32
    %dma_start3A_71 = tpu.memref_slice %arg4[%add3A_65, %dma_start3A_69, %dma_start3A_70] : memref<4096x50x128xf32, #tpu.memory_space<hbm>> -> memref<1x50x128xf32, #tpu.memory_space<hbm>>
    %dma_start3A_72 = tpu.memref_squeeze %dma_start3A_71 : memref<1x50x128xf32, #tpu.memory_space<hbm>> -> memref<50x128xf32, #tpu.memory_space<hbm>>
    %dma_start3A_73 = arith.constant 0 : i32
    %dma_start3A_74 = arith.constant 0 : i32
    %dma_start3A_75 = tpu.memref_slice %arg4[%add3A_65, %dma_start3A_73, %dma_start3A_74] : memref<4096x50x128xf32, #tpu.memory_space<hbm>> -> memref<1x50x128xf32, #tpu.memory_space<hbm>>
    %dma_start3A_76 = tpu.memref_squeeze %dma_start3A_75 : memref<1x50x128xf32, #tpu.memory_space<hbm>> -> memref<50x128xf32, #tpu.memory_space<hbm>>
    %dma_start3A_77 = arith.constant 0 : i32
    %dma_start3A_78 = arith.constant 0 : i32
    %dma_start3A_79 = tpu.memref_slice %arg6[%dma_start3A_77, %dma_start3A_78] : memref<100x128xf32, #tpu.memory_space<vmem>> -> memref<50x128xf32, #tpu.memory_space<vmem>>
    tpu.enqueue_dma source(%dma_start3A_79 : memref<50x128xf32, #tpu.memory_space<vmem>>) target(%dma_start3A_76 : memref<50x128xf32, #tpu.memory_space<hbm>>) target_semaphore(%arg22 : memref<!tpu.dma_semaphore, #tpu.memory_space<semaphore_mem>>)
    %add3A_80 = arith.constant 0 : i32
    %add3A_81 = arith.addi %mul3A_2, %add3A_80 : i32
    %add3A_82 = arith.constant 1 : i32
    %add3A_83 = arith.addi %add3A_81, %add3A_82 : i32
    %dma_start3A_84 = arith.constant 50 : i32
    %dma_start3A_85 = arith.constant 0 : i32
    %dma_start3A_86 = tpu.memref_slice %arg6[%dma_start3A_84, %dma_start3A_85] : memref<100x128xf32, #tpu.memory_space<vmem>> -> memref<50x128xf32, #tpu.memory_space<vmem>>
    %dma_start3A_87 = arith.constant 0 : i32
    %dma_start3A_88 = arith.constant 0 : i32
    %dma_start3A_89 = tpu.memref_slice %arg4[%add3A_83, %dma_start3A_87, %dma_start3A_88] : memref<4096x50x128xf32, #tpu.memory_space<hbm>> -> memref<1x50x128xf32, #tpu.memory_space<hbm>>
    %dma_start3A_90 = tpu.memref_squeeze %dma_start3A_89 : memref<1x50x128xf32, #tpu.memory_space<hbm>> -> memref<50x128xf32, #tpu.memory_space<hbm>>
    %dma_start3A_91 = arith.constant 0 : i32
    %dma_start3A_92 = arith.constant 0 : i32
    %dma_start3A_93 = tpu.memref_slice %arg4[%add3A_83, %dma_start3A_91, %dma_start3A_92] : memref<4096x50x128xf32, #tpu.memory_space<hbm>> -> memref<1x50x128xf32, #tpu.memory_space<hbm>>
    %dma_start3A_94 = tpu.memref_squeeze %dma_start3A_93 : memref<1x50x128xf32, #tpu.memory_space<hbm>> -> memref<50x128xf32, #tpu.memory_space<hbm>>
    %dma_start3A_95 = arith.constant 50 : i32
    %dma_start3A_96 = arith.constant 0 : i32
    %dma_start3A_97 = tpu.memref_slice %arg6[%dma_start3A_95, %dma_start3A_96] : memref<100x128xf32, #tpu.memory_space<vmem>> -> memref<50x128xf32, #tpu.memory_space<vmem>>
    tpu.enqueue_dma source(%dma_start3A_97 : memref<50x128xf32, #tpu.memory_space<vmem>>) target(%dma_start3A_94 : memref<50x128xf32, #tpu.memory_space<hbm>>) target_semaphore(%arg30 : memref<!tpu.dma_semaphore, #tpu.memory_space<semaphore_mem>>)
    %dma_wait3A_98 = arith.constant 1 : i32
    %dma_wait3A_99 = arith.constant 0 : i32
    %dma_wait3A_100 = tpu.memref_slice %arg5[%dma_wait3A_98, %dma_wait3A_99] : memref<64x100xi32, #tpu.memory_space<vmem>> -> memref<1x100xi32, #tpu.memory_space<vmem>>
    %dma_wait3A_101 = tpu.memref_squeeze %dma_wait3A_100 : memref<1x100xi32, #tpu.memory_space<vmem>> -> memref<100xi32, #tpu.memory_space<vmem>>
    %dma_wait3A_102 = arith.constant 0 : i32
    %dma_wait3A_103 = arith.constant 0 : i32
    %dma_wait3A_104 = tpu.memref_slice %arg2[%dma_wait3A_102, %dma_wait3A_103] : memref<100000x128xf32, #tpu.memory_space<hbm>> -> memref<100000x128xf32, #tpu.memory_space<hbm>>
    tpu.wait_indirect_dma semaphore(%arg15 : memref<!tpu.dma_semaphore, #tpu.memory_space<semaphore_mem>>) src(%dma_wait3A_104 : memref<100000x128xf32, #tpu.memory_space<hbm>>) dst(%arg7 : memref<100x128xf32, #tpu.memory_space<vmem>>)
    %add3A_105 = arith.constant 2 : i32
    %add3A_106 = arith.addi %mul3A_2, %add3A_105 : i32
    %dma_start3A_107 = arith.constant 0 : i32
    %dma_start3A_108 = arith.constant 0 : i32
    %dma_start3A_109 = tpu.memref_slice %arg7[%dma_start3A_107, %dma_start3A_108] : memref<100x128xf32, #tpu.memory_space<vmem>> -> memref<50x128xf32, #tpu.memory_space<vmem>>
    %dma_start3A_110 = arith.constant 0 : i32
    %dma_start3A_111 = arith.constant 0 : i32
    %dma_start3A_112 = tpu.memref_slice %arg4[%add3A_106, %dma_start3A_110, %dma_start3A_111] : memref<4096x50x128xf32, #tpu.memory_space<hbm>> -> memref<1x50x128xf32, #tpu.memory_space<hbm>>
    %dma_start3A_113 = tpu.memref_squeeze %dma_start3A_112 : memref<1x50x128xf32, #tpu.memory_space<hbm>> -> memref<50x128xf32, #tpu.memory_space<hbm>>
    %dma_start3A_114 = arith.constant 0 : i32
    %dma_start3A_115 = arith.constant 0 : i32
    %dma_start3A_116 = tpu.memref_slice %arg4[%add3A_106, %dma_start3A_114, %dma_start3A_115] : memref<4096x50x128xf32, #tpu.memory_space<hbm>> -> memref<1x50x128xf32, #tpu.memory_space<hbm>>
    %dma_start3A_117 = tpu.memref_squeeze %dma_start3A_116 : memref<1x50x128xf32, #tpu.memory_space<hbm>> -> memref<50x128xf32, #tpu.memory_space<hbm>>
    %dma_start3A_118 = arith.constant 0 : i32
    %dma_start3A_119 = arith.constant 0 : i32
    %dma_start3A_120 = tpu.memref_slice %arg7[%dma_start3A_118, %dma_start3A_119] : memref<100x128xf32, #tpu.memory_space<vmem>> -> memref<50x128xf32, #tpu.memory_space<vmem>>
    tpu.enqueue_dma source(%dma_start3A_120 : memref<50x128xf32, #tpu.memory_space<vmem>>) target(%dma_start3A_117 : memref<50x128xf32, #tpu.memory_space<hbm>>) target_semaphore(%arg23 : memref<!tpu.dma_semaphore, #tpu.memory_space<semaphore_mem>>)
    %add3A_121 = arith.constant 2 : i32
    %add3A_122 = arith.addi %mul3A_2, %add3A_121 : i32
    %add3A_123 = arith.constant 1 : i32
    %add3A_124 = arith.addi %add3A_122, %add3A_123 : i32
    %dma_start3A_125 = arith.constant 50 : i32
    %dma_start3A_126 = arith.constant 0 : i32
    %dma_start3A_127 = tpu.memref_slice %arg7[%dma_start3A_125, %dma_start3A_126] : memref<100x128xf32, #tpu.memory_space<vmem>> -> memref<50x128xf32, #tpu.memory_space<vmem>>
    %dma_start3A_128 = arith.constant 0 : i32
    %dma_start3A_129 = arith.constant 0 : i32
    %dma_start3A_130 = tpu.memref_slice %arg4[%add3A_124, %dma_start3A_128, %dma_start3A_129] : memref<4096x50x128xf32, #tpu.memory_space<hbm>> -> memref<1x50x128xf32, #tpu.memory_space<hbm>>
    %dma_start3A_131 = tpu.memref_squeeze %dma_start3A_130 : memref<1x50x128xf32, #tpu.memory_space<hbm>> -> memref<50x128xf32, #tpu.memory_space<hbm>>
    %dma_start3A_132 = arith.constant 0 : i32
    %dma_start3A_133 = arith.constant 0 : i32
    %dma_start3A_134 = tpu.memref_slice %arg4[%add3A_124, %dma_start3A_132, %dma_start3A_133] : memref<4096x50x128xf32, #tpu.memory_space<hbm>> -> memref<1x50x128xf32, #tpu.memory_space<hbm>>
    %dma_start3A_135 = tpu.memref_squeeze %dma_start3A_134 : memref<1x50x128xf32, #tpu.memory_space<hbm>> -> memref<50x128xf32, #tpu.memory_space<hbm>>
    %dma_start3A_136 = arith.constant 50 : i32
    %dma_start3A_137 = arith.constant 0 : i32
    %dma_start3A_138 = tpu.memref_slice %arg7[%dma_start3A_136, %dma_start3A_137] : memref<100x128xf32, #tpu.memory_space<vmem>> -> memref<50x128xf32, #tpu.memory_space<vmem>>
    tpu.enqueue_dma source(%dma_start3A_138 : memref<50x128xf32, #tpu.memory_space<vmem>>) target(%dma_start3A_135 : memref<50x128xf32, #tpu.memory_space<hbm>>) target_semaphore(%arg31 : memref<!tpu.dma_semaphore, #tpu.memory_space<semaphore_mem>>)
    %dma_wait3A_139 = arith.constant 2 : i32
    %dma_wait3A_140 = arith.constant 0 : i32
    %dma_wait3A_141 = tpu.memref_slice %arg5[%dma_wait3A_139, %dma_wait3A_140] : memref<64x100xi32, #tpu.memory_space<vmem>> -> memref<1x100xi32, #tpu.memory_space<vmem>>
    %dma_wait3A_142 = tpu.memref_squeeze %dma_wait3A_141 : memref<1x100xi32, #tpu.memory_space<vmem>> -> memref<100xi32, #tpu.memory_space<vmem>>
    %dma_wait3A_143 = arith.constant 0 : i32
    %dma_wait3A_144 = arith.constant 0 : i32
    %dma_wait3A_145 = tpu.memref_slice %arg2[%dma_wait3A_143, %dma_wait3A_144] : memref<100000x128xf32, #tpu.memory_space<hbm>> -> memref<100000x128xf32, #tpu.memory_space<hbm>>
    tpu.wait_indirect_dma semaphore(%arg16 : memref<!tpu.dma_semaphore, #tpu.memory_space<semaphore_mem>>) src(%dma_wait3A_145 : memref<100000x128xf32, #tpu.memory_space<hbm>>) dst(%arg8 : memref<100x128xf32, #tpu.memory_space<vmem>>)
    %add3A_146 = arith.constant 4 : i32
    %add3A_147 = arith.addi %mul3A_2, %add3A_146 : i32
    %dma_start3A_148 = arith.constant 0 : i32
    %dma_start3A_149 = arith.constant 0 : i32
    %dma_start3A_150 = tpu.memref_slice %arg8[%dma_start3A_148, %dma_start3A_149] : memref<100x128xf32, #tpu.memory_space<vmem>> -> memref<50x128xf32, #tpu.memory_space<vmem>>
    %dma_start3A_151 = arith.constant 0 : i32
    %dma_start3A_152 = arith.constant 0 : i32
    %dma_start3A_153 = tpu.memref_slice %arg4[%add3A_147, %dma_start3A_151, %dma_start3A_152] : memref<4096x50x128xf32, #tpu.memory_space<hbm>> -> memref<1x50x128xf32, #tpu.memory_space<hbm>>
    %dma_start3A_154 = tpu.memref_squeeze %dma_start3A_153 : memref<1x50x128xf32, #tpu.memory_space<hbm>> -> memref<50x128xf32, #tpu.memory_space<hbm>>
    %dma_start3A_155 = arith.constant 0 : i32
    %dma_start3A_156 = arith.constant 0 : i32
    %dma_start3A_157 = tpu.memref_slice %arg4[%add3A_147, %dma_start3A_155, %dma_start3A_156] : memref<4096x50x128xf32, #tpu.memory_space<hbm>> -> memref<1x50x128xf32, #tpu.memory_space<hbm>>
    %dma_start3A_158 = tpu.memref_squeeze %dma_start3A_157 : memref<1x50x128xf32, #tpu.memory_space<hbm>> -> memref<50x128xf32, #tpu.memory_space<hbm>>
    %dma_start3A_159 = arith.constant 0 : i32
    %dma_start3A_160 = arith.constant 0 : i32
    %dma_start3A_161 = tpu.memref_slice %arg8[%dma_start3A_159, %dma_start3A_160] : memref<100x128xf32, #tpu.memory_space<vmem>> -> memref<50x128xf32, #tpu.memory_space<vmem>>
    tpu.enqueue_dma source(%dma_start3A_161 : memref<50x128xf32, #tpu.memory_space<vmem>>) target(%dma_start3A_158 : memref<50x128xf32, #tpu.memory_space<hbm>>) target_semaphore(%arg24 : memref<!tpu.dma_semaphore, #tpu.memory_space<semaphore_mem>>)
    %add3A_162 = arith.constant 4 : i32
    %add3A_163 = arith.addi %mul3A_2, %add3A_162 : i32
    %add3A_164 = arith.constant 1 : i32
    %add3A_165 = arith.addi %add3A_163, %add3A_164 : i32
    %dma_start3A_166 = arith.constant 50 : i32
    %dma_start3A_167 = arith.constant 0 : i32
    %dma_start3A_168 = tpu.memref_slice %arg8[%dma_start3A_166, %dma_start3A_167] : memref<100x128xf32, #tpu.memory_space<vmem>> -> memref<50x128xf32, #tpu.memory_space<vmem>>
    %dma_start3A_169 = arith.constant 0 : i32
    %dma_start3A_170 = arith.constant 0 : i32
    %dma_start3A_171 = tpu.memref_slice %arg4[%add3A_165, %dma_start3A_169, %dma_start3A_170] : memref<4096x50x128xf32, #tpu.memory_space<hbm>> -> memref<1x50x128xf32, #tpu.memory_space<hbm>>
    %dma_start3A_172 = tpu.memref_squeeze %dma_start3A_171 : memref<1x50x128xf32, #tpu.memory_space<hbm>> -> memref<50x128xf32, #tpu.memory_space<hbm>>
    %dma_start3A_173 = arith.constant 0 : i32
    %dma_start3A_174 = arith.constant 0 : i32
    %dma_start3A_175 = tpu.memref_slice %arg4[%add3A_165, %dma_start3A_173, %dma_start3A_174] : memref<4096x50x128xf32, #tpu.memory_space<hbm>> -> memref<1x50x128xf32, #tpu.memory_space<hbm>>
    %dma_start3A_176 = tpu.memref_squeeze %dma_start3A_175 : memref<1x50x128xf32, #tpu.memory_space<hbm>> -> memref<50x128xf32, #tpu.memory_space<hbm>>
    %dma_start3A_177 = arith.constant 50 : i32
    %dma_start3A_178 = arith.constant 0 : i32
    %dma_start3A_179 = tpu.memref_slice %arg8[%dma_start3A_177, %dma_start3A_178] : memref<100x128xf32, #tpu.memory_space<vmem>> -> memref<50x128xf32, #tpu.memory_space<vmem>>
    tpu.enqueue_dma source(%dma_start3A_179 : memref<50x128xf32, #tpu.memory_space<vmem>>) target(%dma_start3A_176 : memref<50x128xf32, #tpu.memory_space<hbm>>) target_semaphore(%arg32 : memref<!tpu.dma_semaphore, #tpu.memory_space<semaphore_mem>>)
    %dma_wait3A_180 = arith.constant 3 : i32
    %dma_wait3A_181 = arith.constant 0 : i32
    %dma_wait3A_182 = tpu.memref_slice %arg5[%dma_wait3A_180, %dma_wait3A_181] : memref<64x100xi32, #tpu.memory_space<vmem>> -> memref<1x100xi32, #tpu.memory_space<vmem>>
    %dma_wait3A_183 = tpu.memref_squeeze %dma_wait3A_182 : memref<1x100xi32, #tpu.memory_space<vmem>> -> memref<100xi32, #tpu.memory_space<vmem>>
    %dma_wait3A_184 = arith.constant 0 : i32
    %dma_wait3A_185 = arith.constant 0 : i32
    %dma_wait3A_186 = tpu.memref_slice %arg2[%dma_wait3A_184, %dma_wait3A_185] : memref<100000x128xf32, #tpu.memory_space<hbm>> -> memref<100000x128xf32, #tpu.memory_space<hbm>>
    tpu.wait_indirect_dma semaphore(%arg17 : memref<!tpu.dma_semaphore, #tpu.memory_space<semaphore_mem>>) src(%dma_wait3A_186 : memref<100000x128xf32, #tpu.memory_space<hbm>>) dst(%arg9 : memref<100x128xf32, #tpu.memory_space<vmem>>)
    %add3A_187 = arith.constant 6 : i32
    %add3A_188 = arith.addi %mul3A_2, %add3A_187 : i32
    %dma_start3A_189 = arith.constant 0 : i32
    %dma_start3A_190 = arith.constant 0 : i32
    %dma_start3A_191 = tpu.memref_slice %arg9[%dma_start3A_189, %dma_start3A_190] : memref<100x128xf32, #tpu.memory_space<vmem>> -> memref<50x128xf32, #tpu.memory_space<vmem>>
    %dma_start3A_192 = arith.constant 0 : i32
    %dma_start3A_193 = arith.constant 0 : i32
    %dma_start3A_194 = tpu.memref_slice %arg4[%add3A_188, %dma_start3A_192, %dma_start3A_193] : memref<4096x50x128xf32, #tpu.memory_space<hbm>> -> memref<1x50x128xf32, #tpu.memory_space<hbm>>
    %dma_start3A_195 = tpu.memref_squeeze %dma_start3A_194 : memref<1x50x128xf32, #tpu.memory_space<hbm>> -> memref<50x128xf32, #tpu.memory_space<hbm>>
    %dma_start3A_196 = arith.constant 0 : i32
    %dma_start3A_197 = arith.constant 0 : i32
    %dma_start3A_198 = tpu.memref_slice %arg4[%add3A_188, %dma_start3A_196, %dma_start3A_197] : memref<4096x50x128xf32, #tpu.memory_space<hbm>> -> memref<1x50x128xf32, #tpu.memory_space<hbm>>
    %dma_start3A_199 = tpu.memref_squeeze %dma_start3A_198 : memref<1x50x128xf32, #tpu.memory_space<hbm>> -> memref<50x128xf32, #tpu.memory_space<hbm>>
    %dma_start3A_200 = arith.constant 0 : i32
    %dma_start3A_201 = arith.constant 0 : i32
    %dma_start3A_202 = tpu.memref_slice %arg9[%dma_start3A_200, %dma_start3A_201] : memref<100x128xf32, #tpu.memory_space<vmem>> -> memref<50x128xf32, #tpu.memory_space<vmem>>
    tpu.enqueue_dma source(%dma_start3A_202 : memref<50x128xf32, #tpu.memory_space<vmem>>) target(%dma_start3A_199 : memref<50x128xf32, #tpu.memory_space<hbm>>) target_semaphore(%arg25 : memref<!tpu.dma_semaphore, #tpu.memory_space<semaphore_mem>>)
    %add3A_203 = arith.constant 6 : i32
    %add3A_204 = arith.addi %mul3A_2, %add3A_203 : i32
    %add3A_205 = arith.constant 1 : i32
    %add3A_206 = arith.addi %add3A_204, %add3A_205 : i32
    %dma_start3A_207 = arith.constant 50 : i32
    %dma_start3A_208 = arith.constant 0 : i32
    %dma_start3A_209 = tpu.memref_slice %arg9[%dma_start3A_207, %dma_start3A_208] : memref<100x128xf32, #tpu.memory_space<vmem>> -> memref<50x128xf32, #tpu.memory_space<vmem>>
    %dma_start3A_210 = arith.constant 0 : i32
    %dma_start3A_211 = arith.constant 0 : i32
    %dma_start3A_212 = tpu.memref_slice %arg4[%add3A_206, %dma_start3A_210, %dma_start3A_211] : memref<4096x50x128xf32, #tpu.memory_space<hbm>> -> memref<1x50x128xf32, #tpu.memory_space<hbm>>
    %dma_start3A_213 = tpu.memref_squeeze %dma_start3A_212 : memref<1x50x128xf32, #tpu.memory_space<hbm>> -> memref<50x128xf32, #tpu.memory_space<hbm>>
    %dma_start3A_214 = arith.constant 0 : i32
    %dma_start3A_215 = arith.constant 0 : i32
    %dma_start3A_216 = tpu.memref_slice %arg4[%add3A_206, %dma_start3A_214, %dma_start3A_215] : memref<4096x50x128xf32, #tpu.memory_space<hbm>> -> memref<1x50x128xf32, #tpu.memory_space<hbm>>
    %dma_start3A_217 = tpu.memref_squeeze %dma_start3A_216 : memref<1x50x128xf32, #tpu.memory_space<hbm>> -> memref<50x128xf32, #tpu.memory_space<hbm>>
    %dma_start3A_218 = arith.constant 50 : i32
    %dma_start3A_219 = arith.constant 0 : i32
    %dma_start3A_220 = tpu.memref_slice %arg9[%dma_start3A_218, %dma_start3A_219] : memref<100x128xf32, #tpu.memory_space<vmem>> -> memref<50x128xf32, #tpu.memory_space<vmem>>
    tpu.enqueue_dma source(%dma_start3A_220 : memref<50x128xf32, #tpu.memory_space<vmem>>) target(%dma_start3A_217 : memref<50x128xf32, #tpu.memory_space<hbm>>) target_semaphore(%arg33 : memref<!tpu.dma_semaphore, #tpu.memory_space<semaphore_mem>>)
    %dma_wait3A_221 = arith.constant 4 : i32
    %dma_wait3A_222 = arith.constant 0 : i32
    %dma_wait3A_223 = tpu.memref_slice %arg5[%dma_wait3A_221, %dma_wait3A_222] : memref<64x100xi32, #tpu.memory_space<vmem>> -> memref<1x100xi32, #tpu.memory_space<vmem>>
    %dma_wait3A_224 = tpu.memref_squeeze %dma_wait3A_223 : memref<1x100xi32, #tpu.memory_space<vmem>> -> memref<100xi32, #tpu.memory_space<vmem>>
    %dma_wait3A_225 = arith.constant 0 : i32
    %dma_wait3A_226 = arith.constant 0 : i32
    %dma_wait3A_227 = tpu.memref_slice %arg2[%dma_wait3A_225, %dma_wait3A_226] : memref<100000x128xf32, #tpu.memory_space<hbm>> -> memref<100000x128xf32, #tpu.memory_space<hbm>>
    tpu.wait_indirect_dma semaphore(%arg18 : memref<!tpu.dma_semaphore, #tpu.memory_space<semaphore_mem>>) src(%dma_wait3A_227 : memref<100000x128xf32, #tpu.memory_space<hbm>>) dst(%arg10 : memref<100x128xf32, #tpu.memory_space<vmem>>)
    %add3A_228 = arith.constant 8 : i32
    %add3A_229 = arith.addi %mul3A_2, %add3A_228 : i32
    %dma_start3A_230 = arith.constant 0 : i32
    %dma_start3A_231 = arith.constant 0 : i32
    %dma_start3A_232 = tpu.memref_slice %arg10[%dma_start3A_230, %dma_start3A_231] : memref<100x128xf32, #tpu.memory_space<vmem>> -> memref<50x128xf32, #tpu.memory_space<vmem>>
    %dma_start3A_233 = arith.constant 0 : i32
    %dma_start3A_234 = arith.constant 0 : i32
    %dma_start3A_235 = tpu.memref_slice %arg4[%add3A_229, %dma_start3A_233, %dma_start3A_234] : memref<4096x50x128xf32, #tpu.memory_space<hbm>> -> memref<1x50x128xf32, #tpu.memory_space<hbm>>
    %dma_start3A_236 = tpu.memref_squeeze %dma_start3A_235 : memref<1x50x128xf32, #tpu.memory_space<hbm>> -> memref<50x128xf32, #tpu.memory_space<hbm>>
    %dma_start3A_237 = arith.constant 0 : i32
    %dma_start3A_238 = arith.constant 0 : i32
    %dma_start3A_239 = tpu.memref_slice %arg4[%add3A_229, %dma_start3A_237, %dma_start3A_238] : memref<4096x50x128xf32, #tpu.memory_space<hbm>> -> memref<1x50x128xf32, #tpu.memory_space<hbm>>
    %dma_start3A_240 = tpu.memref_squeeze %dma_start3A_239 : memref<1x50x128xf32, #tpu.memory_space<hbm>> -> memref<50x128xf32, #tpu.memory_space<hbm>>
    %dma_start3A_241 = arith.constant 0 : i32
    %dma_start3A_242 = arith.constant 0 : i32
    %dma_start3A_243 = tpu.memref_slice %arg10[%dma_start3A_241, %dma_start3A_242] : memref<100x128xf32, #tpu.memory_space<vmem>> -> memref<50x128xf32, #tpu.memory_space<vmem>>
    tpu.enqueue_dma source(%dma_start3A_243 : memref<50x128xf32, #tpu.memory_space<vmem>>) target(%dma_start3A_240 : memref<50x128xf32, #tpu.memory_space<hbm>>) target_semaphore(%arg26 : memref<!tpu.dma_semaphore, #tpu.memory_space<semaphore_mem>>)
    %add3A_244 = arith.constant 8 : i32
    %add3A_245 = arith.addi %mul3A_2, %add3A_244 : i32
    %add3A_246 = arith.constant 1 : i32
    %add3A_247 = arith.addi %add3A_245, %add3A_246 : i32
    %dma_start3A_248 = arith.constant 50 : i32
    %dma_start3A_249 = arith.constant 0 : i32
    %dma_start3A_250 = tpu.memref_slice %arg10[%dma_start3A_248, %dma_start3A_249] : memref<100x128xf32, #tpu.memory_space<vmem>> -> memref<50x128xf32, #tpu.memory_space<vmem>>
    %dma_start3A_251 = arith.constant 0 : i32
    %dma_start3A_252 = arith.constant 0 : i32
    %dma_start3A_253 = tpu.memref_slice %arg4[%add3A_247, %dma_start3A_251, %dma_start3A_252] : memref<4096x50x128xf32, #tpu.memory_space<hbm>> -> memref<1x50x128xf32, #tpu.memory_space<hbm>>
    %dma_start3A_254 = tpu.memref_squeeze %dma_start3A_253 : memref<1x50x128xf32, #tpu.memory_space<hbm>> -> memref<50x128xf32, #tpu.memory_space<hbm>>
    %dma_start3A_255 = arith.constant 0 : i32
    %dma_start3A_256 = arith.constant 0 : i32
    %dma_start3A_257 = tpu.memref_slice %arg4[%add3A_247, %dma_start3A_255, %dma_start3A_256] : memref<4096x50x128xf32, #tpu.memory_space<hbm>> -> memref<1x50x128xf32, #tpu.memory_space<hbm>>
    %dma_start3A_258 = tpu.memref_squeeze %dma_start3A_257 : memref<1x50x128xf32, #tpu.memory_space<hbm>> -> memref<50x128xf32, #tpu.memory_space<hbm>>
    %dma_start3A_259 = arith.constant 50 : i32
    %dma_start3A_260 = arith.constant 0 : i32
    %dma_start3A_261 = tpu.memref_slice %arg10[%dma_start3A_259, %dma_start3A_260] : memref<100x128xf32, #tpu.memory_space<vmem>> -> memref<50x128xf32, #tpu.memory_space<vmem>>
    tpu.enqueue_dma source(%dma_start3A_261 : memref<50x128xf32, #tpu.memory_space<vmem>>) target(%dma_start3A_258 : memref<50x128xf32, #tpu.memory_space<hbm>>) target_semaphore(%arg34 : memref<!tpu.dma_semaphore, #tpu.memory_space<semaphore_mem>>)
    %add3A_262 = arith.constant 0 : i32
    %add3A_263 = arith.addi %mul3A_2, %add3A_262 : i32
    %dma_wait3A_264 = arith.constant 0 : i32
    %dma_wait3A_265 = arith.constant 0 : i32
    %dma_wait3A_266 = tpu.memref_slice %arg6[%dma_wait3A_264, %dma_wait3A_265] : memref<100x128xf32, #tpu.memory_space<vmem>> -> memref<50x128xf32, #tpu.memory_space<vmem>>
    %dma_wait3A_267 = arith.constant 0 : i32
    %dma_wait3A_268 = arith.constant 0 : i32
    %dma_wait3A_269 = tpu.memref_slice %arg4[%add3A_263, %dma_wait3A_267, %dma_wait3A_268] : memref<4096x50x128xf32, #tpu.memory_space<hbm>> -> memref<1x50x128xf32, #tpu.memory_space<hbm>>
    %dma_wait3A_270 = tpu.memref_squeeze %dma_wait3A_269 : memref<1x50x128xf32, #tpu.memory_space<hbm>> -> memref<50x128xf32, #tpu.memory_space<hbm>>
    %dma_wait3A_271 = arith.constant 0 : i32
    %dma_wait3A_272 = arith.constant 0 : i32
    %dma_wait3A_273 = tpu.memref_slice %arg4[%add3A_263, %dma_wait3A_271, %dma_wait3A_272] : memref<4096x50x128xf32, #tpu.memory_space<hbm>> -> memref<1x50x128xf32, #tpu.memory_space<hbm>>
    %dma_wait3A_274 = tpu.memref_squeeze %dma_wait3A_273 : memref<1x50x128xf32, #tpu.memory_space<hbm>> -> memref<50x128xf32, #tpu.memory_space<hbm>>
    %dma_wait3A_275 = arith.constant 0 : i32
    %dma_wait3A_276 = arith.constant 0 : i32
    %dma_wait3A_277 = tpu.memref_slice %arg6[%dma_wait3A_275, %dma_wait3A_276] : memref<100x128xf32, #tpu.memory_space<vmem>> -> memref<50x128xf32, #tpu.memory_space<vmem>>
    tpu.wait_dma2 semaphore(%arg22 : memref<!tpu.dma_semaphore, #tpu.memory_space<semaphore_mem>>) src(%dma_wait3A_277 : memref<50x128xf32, #tpu.memory_space<vmem>>) dst(%dma_wait3A_274 : memref<50x128xf32, #tpu.memory_space<hbm>>)
    %add3A_278 = arith.constant 0 : i32
    %add3A_279 = arith.addi %mul3A_2, %add3A_278 : i32
    %add3A_280 = arith.constant 1 : i32
    %add3A_281 = arith.addi %add3A_279, %add3A_280 : i32
    %dma_wait3A_282 = arith.constant 50 : i32
    %dma_wait3A_283 = arith.constant 0 : i32
    %dma_wait3A_284 = tpu.memref_slice %arg6[%dma_wait3A_282, %dma_wait3A_283] : memref<100x128xf32, #tpu.memory_space<vmem>> -> memref<50x128xf32, #tpu.memory_space<vmem>>
    %dma_wait3A_285 = arith.constant 0 : i32
    %dma_wait3A_286 = arith.constant 0 : i32
    %dma_wait3A_287 = tpu.memref_slice %arg4[%add3A_281, %dma_wait3A_285, %dma_wait3A_286] : memref<4096x50x128xf32, #tpu.memory_space<hbm>> -> memref<1x50x128xf32, #tpu.memory_space<hbm>>
    %dma_wait3A_288 = tpu.memref_squeeze %dma_wait3A_287 : memref<1x50x128xf32, #tpu.memory_space<hbm>> -> memref<50x128xf32, #tpu.memory_space<hbm>>
    %dma_wait3A_289 = arith.constant 0 : i32
    %dma_wait3A_290 = arith.constant 0 : i32
    %dma_wait3A_291 = tpu.memref_slice %arg4[%add3A_281, %dma_wait3A_289, %dma_wait3A_290] : memref<4096x50x128xf32, #tpu.memory_space<hbm>> -> memref<1x50x128xf32, #tpu.memory_space<hbm>>
    %dma_wait3A_292 = tpu.memref_squeeze %dma_wait3A_291 : memref<1x50x128xf32, #tpu.memory_space<hbm>> -> memref<50x128xf32, #tpu.memory_space<hbm>>
    %dma_wait3A_293 = arith.constant 50 : i32
    %dma_wait3A_294 = arith.constant 0 : i32
    %dma_wait3A_295 = tpu.memref_slice %arg6[%dma_wait3A_293, %dma_wait3A_294] : memref<100x128xf32, #tpu.memory_space<vmem>> -> memref<50x128xf32, #tpu.memory_space<vmem>>
    tpu.wait_dma2 semaphore(%arg30 : memref<!tpu.dma_semaphore, #tpu.memory_space<semaphore_mem>>) src(%dma_wait3A_295 : memref<50x128xf32, #tpu.memory_space<vmem>>) dst(%dma_wait3A_292 : memref<50x128xf32, #tpu.memory_space<hbm>>)
    %dma_start3A_296 = arith.constant 8 : i32
    %dma_start3A_297 = arith.constant 0 : i32
    %dma_start3A_298 = tpu.memref_slice %arg5[%dma_start3A_296, %dma_start3A_297] : memref<64x100xi32, #tpu.memory_space<vmem>> -> memref<1x100xi32, #tpu.memory_space<vmem>>
    %dma_start3A_299 = tpu.memref_squeeze %dma_start3A_298 : memref<1x100xi32, #tpu.memory_space<vmem>> -> memref<100xi32, #tpu.memory_space<vmem>>
    %dma_start3A_300 = arith.constant 0 : i32
    %dma_start3A_301 = arith.constant 0 : i32
    %dma_start3A_302 = tpu.memref_slice %arg2[%dma_start3A_300, %dma_start3A_301] : memref<100000x128xf32, #tpu.memory_space<hbm>> -> memref<100000x128xf32, #tpu.memory_space<hbm>>
    tpu.enqueue_indirect_dma source(%dma_start3A_302 : memref<100000x128xf32, #tpu.memory_space<hbm>>) target(%arg6 : memref<100x128xf32, #tpu.memory_space<vmem>>) offsets(%dma_start3A_299 : memref<100xi32, #tpu.memory_space<vmem>>) semaphore(%arg14 : memref<!tpu.dma_semaphore, #tpu.memory_space<semaphore_mem>>)
    %dma_wait3A_303 = arith.constant 5 : i32
    %dma_wait3A_304 = arith.constant 0 : i32
    %dma_wait3A_305 = tpu.memref_slice %arg5[%dma_wait3A_303, %dma_wait3A_304] : memref<64x100xi32, #tpu.memory_space<vmem>> -> memref<1x100xi32, #tpu.memory_space<vmem>>
    %dma_wait3A_306 = tpu.memref_squeeze %dma_wait3A_305 : memref<1x100xi32, #tpu.memory_space<vmem>> -> memref<100xi32, #tpu.memory_space<vmem>>
    %dma_wait3A_307 = arith.constant 0 : i32
    %dma_wait3A_308 = arith.constant 0 : i32
    %dma_wait3A_309 = tpu.memref_slice %arg2[%dma_wait3A_307, %dma_wait3A_308] : memref<100000x128xf32, #tpu.memory_space<hbm>> -> memref<100000x128xf32, #tpu.memory_space<hbm>>
    tpu.wait_indirect_dma semaphore(%arg19 : memref<!tpu.dma_semaphore, #tpu.memory_space<semaphore_mem>>) src(%dma_wait3A_309 : memref<100000x128xf32, #tpu.memory_space<hbm>>) dst(%arg11 : memref<100x128xf32, #tpu.memory_space<vmem>>)
    %add3A_310 = arith.constant 10 : i32
    %add3A_311 = arith.addi %mul3A_2, %add3A_310 : i32
    %dma_start3A_312 = arith.constant 0 : i32
    %dma_start3A_313 = arith.constant 0 : i32
    %dma_start3A_314 = tpu.memref_slice %arg11[%dma_start3A_312, %dma_start3A_313] : memref<100x128xf32, #tpu.memory_space<vmem>> -> memref<50x128xf32, #tpu.memory_space<vmem>>
    %dma_start3A_315 = arith.constant 0 : i32
    %dma_start3A_316 = arith.constant 0 : i32
    %dma_start3A_317 = tpu.memref_slice %arg4[%add3A_311, %dma_start3A_315, %dma_start3A_316] : memref<4096x50x128xf32, #tpu.memory_space<hbm>> -> memref<1x50x128xf32, #tpu.memory_space<hbm>>
    %dma_start3A_318 = tpu.memref_squeeze %dma_start3A_317 : memref<1x50x128xf32, #tpu.memory_space<hbm>> -> memref<50x128xf32, #tpu.memory_space<hbm>>
    %dma_start3A_319 = arith.constant 0 : i32
    %dma_start3A_320 = arith.constant 0 : i32
    %dma_start3A_321 = tpu.memref_slice %arg4[%add3A_311, %dma_start3A_319, %dma_start3A_320] : memref<4096x50x128xf32, #tpu.memory_space<hbm>> -> memref<1x50x128xf32, #tpu.memory_space<hbm>>
    %dma_start3A_322 = tpu.memref_squeeze %dma_start3A_321 : memref<1x50x128xf32, #tpu.memory_space<hbm>> -> memref<50x128xf32, #tpu.memory_space<hbm>>
    %dma_start3A_323 = arith.constant 0 : i32
    %dma_start3A_324 = arith.constant 0 : i32
    %dma_start3A_325 = tpu.memref_slice %arg11[%dma_start3A_323, %dma_start3A_324] : memref<100x128xf32, #tpu.memory_space<vmem>> -> memref<50x128xf32, #tpu.memory_space<vmem>>
    tpu.enqueue_dma source(%dma_start3A_325 : memref<50x128xf32, #tpu.memory_space<vmem>>) target(%dma_start3A_322 : memref<50x128xf32, #tpu.memory_space<hbm>>) target_semaphore(%arg27 : memref<!tpu.dma_semaphore, #tpu.memory_space<semaphore_mem>>)
    %add3A_326 = arith.constant 10 : i32
    %add3A_327 = arith.addi %mul3A_2, %add3A_326 : i32
    %add3A_328 = arith.constant 1 : i32
    %add3A_329 = arith.addi %add3A_327, %add3A_328 : i32
    %dma_start3A_330 = arith.constant 50 : i32
    %dma_start3A_331 = arith.constant 0 : i32
    %dma_start3A_332 = tpu.memref_slice %arg11[%dma_start3A_330, %dma_start3A_331] : memref<100x128xf32, #tpu.memory_space<vmem>> -> memref<50x128xf32, #tpu.memory_space<vmem>>
    %dma_start3A_333 = arith.constant 0 : i32
    %dma_start3A_334 = arith.constant 0 : i32
    %dma_start3A_335 = tpu.memref_slice %arg4[%add3A_329, %dma_start3A_333, %dma_start3A_334] : memref<4096x50x128xf32, #tpu.memory_space<hbm>> -> memref<1x50x128xf32, #tpu.memory_space<hbm>>
    %dma_start3A_336 = tpu.memref_squeeze %dma_start3A_335 : memref<1x50x128xf32, #tpu.memory_space<hbm>> -> memref<50x128xf32, #tpu.memory_space<hbm>>
    %dma_start3A_337 = arith.constant 0 : i32
    %dma_start3A_338 = arith.constant 0 : i32
    %dma_start3A_339 = tpu.memref_slice %arg4[%add3A_329, %dma_start3A_337, %dma_start3A_338] : memref<4096x50x128xf32, #tpu.memory_space<hbm>> -> memref<1x50x128xf32, #tpu.memory_space<hbm>>
    %dma_start3A_340 = tpu.memref_squeeze %dma_start3A_339 : memref<1x50x128xf32, #tpu.memory_space<hbm>> -> memref<50x128xf32, #tpu.memory_space<hbm>>
    %dma_start3A_341 = arith.constant 50 : i32
    %dma_start3A_342 = arith.constant 0 : i32
    %dma_start3A_343 = tpu.memref_slice %arg11[%dma_start3A_341, %dma_start3A_342] : memref<100x128xf32, #tpu.memory_space<vmem>> -> memref<50x128xf32, #tpu.memory_space<vmem>>
    tpu.enqueue_dma source(%dma_start3A_343 : memref<50x128xf32, #tpu.memory_space<vmem>>) target(%dma_start3A_340 : memref<50x128xf32, #tpu.memory_space<hbm>>) target_semaphore(%arg35 : memref<!tpu.dma_semaphore, #tpu.memory_space<semaphore_mem>>)
    %add3A_344 = arith.constant 2 : i32
    %add3A_345 = arith.addi %mul3A_2, %add3A_344 : i32
    %dma_wait3A_346 = arith.constant 0 : i32
    %dma_wait3A_347 = arith.constant 0 : i32
    %dma_wait3A_348 = tpu.memref_slice %arg7[%dma_wait3A_346, %dma_wait3A_347] : memref<100x128xf32, #tpu.memory_space<vmem>> -> memref<50x128xf32, #tpu.memory_space<vmem>>
    %dma_wait3A_349 = arith.constant 0 : i32
    %dma_wait3A_350 = arith.constant 0 : i32
    %dma_wait3A_351 = tpu.memref_slice %arg4[%add3A_345, %dma_wait3A_349, %dma_wait3A_350] : memref<4096x50x128xf32, #tpu.memory_space<hbm>> -> memref<1x50x128xf32, #tpu.memory_space<hbm>>
    %dma_wait3A_352 = tpu.memref_squeeze %dma_wait3A_351 : memref<1x50x128xf32, #tpu.memory_space<hbm>> -> memref<50x128xf32, #tpu.memory_space<hbm>>
    %dma_wait3A_353 = arith.constant 0 : i32
    %dma_wait3A_354 = arith.constant 0 : i32
    %dma_wait3A_355 = tpu.memref_slice %arg4[%add3A_345, %dma_wait3A_353, %dma_wait3A_354] : memref<4096x50x128xf32, #tpu.memory_space<hbm>> -> memref<1x50x128xf32, #tpu.memory_space<hbm>>
    %dma_wait3A_356 = tpu.memref_squeeze %dma_wait3A_355 : memref<1x50x128xf32, #tpu.memory_space<hbm>> -> memref<50x128xf32, #tpu.memory_space<hbm>>
    %dma_wait3A_357 = arith.constant 0 : i32
    %dma_wait3A_358 = arith.constant 0 : i32
    %dma_wait3A_359 = tpu.memref_slice %arg7[%dma_wait3A_357, %dma_wait3A_358] : memref<100x128xf32, #tpu.memory_space<vmem>> -> memref<50x128xf32, #tpu.memory_space<vmem>>
    tpu.wait_dma2 semaphore(%arg23 : memref<!tpu.dma_semaphore, #tpu.memory_space<semaphore_mem>>) src(%dma_wait3A_359 : memref<50x128xf32, #tpu.memory_space<vmem>>) dst(%dma_wait3A_356 : memref<50x128xf32, #tpu.memory_space<hbm>>)
    %add3A_360 = arith.constant 2 : i32
    %add3A_361 = arith.addi %mul3A_2, %add3A_360 : i32
    %add3A_362 = arith.constant 1 : i32
    %add3A_363 = arith.addi %add3A_361, %add3A_362 : i32
    %dma_wait3A_364 = arith.constant 50 : i32
    %dma_wait3A_365 = arith.constant 0 : i32
    %dma_wait3A_366 = tpu.memref_slice %arg7[%dma_wait3A_364, %dma_wait3A_365] : memref<100x128xf32, #tpu.memory_space<vmem>> -> memref<50x128xf32, #tpu.memory_space<vmem>>
    %dma_wait3A_367 = arith.constant 0 : i32
    %dma_wait3A_368 = arith.constant 0 : i32
    %dma_wait3A_369 = tpu.memref_slice %arg4[%add3A_363, %dma_wait3A_367, %dma_wait3A_368] : memref<4096x50x128xf32, #tpu.memory_space<hbm>> -> memref<1x50x128xf32, #tpu.memory_space<hbm>>
    %dma_wait3A_370 = tpu.memref_squeeze %dma_wait3A_369 : memref<1x50x128xf32, #tpu.memory_space<hbm>> -> memref<50x128xf32, #tpu.memory_space<hbm>>
    %dma_wait3A_371 = arith.constant 0 : i32
    %dma_wait3A_372 = arith.constant 0 : i32
    %dma_wait3A_373 = tpu.memref_slice %arg4[%add3A_363, %dma_wait3A_371, %dma_wait3A_372] : memref<4096x50x128xf32, #tpu.memory_space<hbm>> -> memref<1x50x128xf32, #tpu.memory_space<hbm>>
    %dma_wait3A_374 = tpu.memref_squeeze %dma_wait3A_373 : memref<1x50x128xf32, #tpu.memory_space<hbm>> -> memref<50x128xf32, #tpu.memory_space<hbm>>
    %dma_wait3A_375 = arith.constant 50 : i32
    %dma_wait3A_376 = arith.constant 0 : i32
    %dma_wait3A_377 = tpu.memref_slice %arg7[%dma_wait3A_375, %dma_wait3A_376] : memref<100x128xf32, #tpu.memory_space<vmem>> -> memref<50x128xf32, #tpu.memory_space<vmem>>
    tpu.wait_dma2 semaphore(%arg31 : memref<!tpu.dma_semaphore, #tpu.memory_space<semaphore_mem>>) src(%dma_wait3A_377 : memref<50x128xf32, #tpu.memory_space<vmem>>) dst(%dma_wait3A_374 : memref<50x128xf32, #tpu.memory_space<hbm>>)
    %dma_start3A_378 = arith.constant 9 : i32
    %dma_start3A_379 = arith.constant 0 : i32
    %dma_start3A_380 = tpu.memref_slice %arg5[%dma_start3A_378, %dma_start3A_379] : memref<64x100xi32, #tpu.memory_space<vmem>> -> memref<1x100xi32, #tpu.memory_space<vmem>>
    %dma_start3A_381 = tpu.memref_squeeze %dma_start3A_380 : memref<1x100xi32, #tpu.memory_space<vmem>> -> memref<100xi32, #tpu.memory_space<vmem>>
    %dma_start3A_382 = arith.constant 0 : i32
    %dma_start3A_383 = arith.constant 0 : i32
    %dma_start3A_384 = tpu.memref_slice %arg2[%dma_start3A_382, %dma_start3A_383] : memref<100000x128xf32, #tpu.memory_space<hbm>> -> memref<100000x128xf32, #tpu.memory_space<hbm>>
    tpu.enqueue_indirect_dma source(%dma_start3A_384 : memref<100000x128xf32, #tpu.memory_space<hbm>>) target(%arg7 : memref<100x128xf32, #tpu.memory_space<vmem>>) offsets(%dma_start3A_381 : memref<100xi32, #tpu.memory_space<vmem>>) semaphore(%arg15 : memref<!tpu.dma_semaphore, #tpu.memory_space<semaphore_mem>>)
    %dma_wait3A_385 = arith.constant 6 : i32
    %dma_wait3A_386 = arith.constant 0 : i32
    %dma_wait3A_387 = tpu.memref_slice %arg5[%dma_wait3A_385, %dma_wait3A_386] : memref<64x100xi32, #tpu.memory_space<vmem>> -> memref<1x100xi32, #tpu.memory_space<vmem>>
    %dma_wait3A_388 = tpu.memref_squeeze %dma_wait3A_387 : memref<1x100xi32, #tpu.memory_space<vmem>> -> memref<100xi32, #tpu.memory_space<vmem>>
    %dma_wait3A_389 = arith.constant 0 : i32
    %dma_wait3A_390 = arith.constant 0 : i32
    %dma_wait3A_391 = tpu.memref_slice %arg2[%dma_wait3A_389, %dma_wait3A_390] : memref<100000x128xf32, #tpu.memory_space<hbm>> -> memref<100000x128xf32, #tpu.memory_space<hbm>>
    tpu.wait_indirect_dma semaphore(%arg20 : memref<!tpu.dma_semaphore, #tpu.memory_space<semaphore_mem>>) src(%dma_wait3A_391 : memref<100000x128xf32, #tpu.memory_space<hbm>>) dst(%arg12 : memref<100x128xf32, #tpu.memory_space<vmem>>)
    %add3A_392 = arith.constant 12 : i32
    %add3A_393 = arith.addi %mul3A_2, %add3A_392 : i32
    %dma_start3A_394 = arith.constant 0 : i32
    %dma_start3A_395 = arith.constant 0 : i32
    %dma_start3A_396 = tpu.memref_slice %arg12[%dma_start3A_394, %dma_start3A_395] : memref<100x128xf32, #tpu.memory_space<vmem>> -> memref<50x128xf32, #tpu.memory_space<vmem>>
    %dma_start3A_397 = arith.constant 0 : i32
    %dma_start3A_398 = arith.constant 0 : i32
    %dma_start3A_399 = tpu.memref_slice %arg4[%add3A_393, %dma_start3A_397, %dma_start3A_398] : memref<4096x50x128xf32, #tpu.memory_space<hbm>> -> memref<1x50x128xf32, #tpu.memory_space<hbm>>
    %dma_start3A_400 = tpu.memref_squeeze %dma_start3A_399 : memref<1x50x128xf32, #tpu.memory_space<hbm>> -> memref<50x128xf32, #tpu.memory_space<hbm>>
    %dma_start3A_401 = arith.constant 0 : i32
    %dma_start3A_402 = arith.constant 0 : i32
    %dma_start3A_403 = tpu.memref_slice %arg4[%add3A_393, %dma_start3A_401, %dma_start3A_402] : memref<4096x50x128xf32, #tpu.memory_space<hbm>> -> memref<1x50x128xf32, #tpu.memory_space<hbm>>
    %dma_start3A_404 = tpu.memref_squeeze %dma_start3A_403 : memref<1x50x128xf32, #tpu.memory_space<hbm>> -> memref<50x128xf32, #tpu.memory_space<hbm>>
    %dma_start3A_405 = arith.constant 0 : i32
    %dma_start3A_406 = arith.constant 0 : i32
    %dma_start3A_407 = tpu.memref_slice %arg12[%dma_start3A_405, %dma_start3A_406] : memref<100x128xf32, #tpu.memory_space<vmem>> -> memref<50x128xf32, #tpu.memory_space<vmem>>
    tpu.enqueue_dma source(%dma_start3A_407 : memref<50x128xf32, #tpu.memory_space<vmem>>) target(%dma_start3A_404 : memref<50x128xf32, #tpu.memory_space<hbm>>) target_semaphore(%arg28 : memref<!tpu.dma_semaphore, #tpu.memory_space<semaphore_mem>>)
    %add3A_408 = arith.constant 12 : i32
    %add3A_409 = arith.addi %mul3A_2, %add3A_408 : i32
    %add3A_410 = arith.constant 1 : i32
    %add3A_411 = arith.addi %add3A_409, %add3A_410 : i32
    %dma_start3A_412 = arith.constant 50 : i32
    %dma_start3A_413 = arith.constant 0 : i32
    %dma_start3A_414 = tpu.memref_slice %arg12[%dma_start3A_412, %dma_start3A_413] : memref<100x128xf32, #tpu.memory_space<vmem>> -> memref<50x128xf32, #tpu.memory_space<vmem>>
    %dma_start3A_415 = arith.constant 0 : i32
    %dma_start3A_416 = arith.constant 0 : i32
    %dma_start3A_417 = tpu.memref_slice %arg4[%add3A_411, %dma_start3A_415, %dma_start3A_416] : memref<4096x50x128xf32, #tpu.memory_space<hbm>> -> memref<1x50x128xf32, #tpu.memory_space<hbm>>
    %dma_start3A_418 = tpu.memref_squeeze %dma_start3A_417 : memref<1x50x128xf32, #tpu.memory_space<hbm>> -> memref<50x128xf32, #tpu.memory_space<hbm>>
    %dma_start3A_419 = arith.constant 0 : i32
    %dma_start3A_420 = arith.constant 0 : i32
    %dma_start3A_421 = tpu.memref_slice %arg4[%add3A_411, %dma_start3A_419, %dma_start3A_420] : memref<4096x50x128xf32, #tpu.memory_space<hbm>> -> memref<1x50x128xf32, #tpu.memory_space<hbm>>
    %dma_start3A_422 = tpu.memref_squeeze %dma_start3A_421 : memref<1x50x128xf32, #tpu.memory_space<hbm>> -> memref<50x128xf32, #tpu.memory_space<hbm>>
    %dma_start3A_423 = arith.constant 50 : i32
    %dma_start3A_424 = arith.constant 0 : i32
    %dma_start3A_425 = tpu.memref_slice %arg12[%dma_start3A_423, %dma_start3A_424] : memref<100x128xf32, #tpu.memory_space<vmem>> -> memref<50x128xf32, #tpu.memory_space<vmem>>
    tpu.enqueue_dma source(%dma_start3A_425 : memref<50x128xf32, #tpu.memory_space<vmem>>) target(%dma_start3A_422 : memref<50x128xf32, #tpu.memory_space<hbm>>) target_semaphore(%arg36 : memref<!tpu.dma_semaphore, #tpu.memory_space<semaphore_mem>>)
    %add3A_426 = arith.constant 4 : i32
    %add3A_427 = arith.addi %mul3A_2, %add3A_426 : i32
    %dma_wait3A_428 = arith.constant 0 : i32
    %dma_wait3A_429 = arith.constant 0 : i32
    %dma_wait3A_430 = tpu.memref_slice %arg8[%dma_wait3A_428, %dma_wait3A_429] : memref<100x128xf32, #tpu.memory_space<vmem>> -> memref<50x128xf32, #tpu.memory_space<vmem>>
    %dma_wait3A_431 = arith.constant 0 : i32
    %dma_wait3A_432 = arith.constant 0 : i32
    %dma_wait3A_433 = tpu.memref_slice %arg4[%add3A_427, %dma_wait3A_431, %dma_wait3A_432] : memref<4096x50x128xf32, #tpu.memory_space<hbm>> -> memref<1x50x128xf32, #tpu.memory_space<hbm>>
    %dma_wait3A_434 = tpu.memref_squeeze %dma_wait3A_433 : memref<1x50x128xf32, #tpu.memory_space<hbm>> -> memref<50x128xf32, #tpu.memory_space<hbm>>
    %dma_wait3A_435 = arith.constant 0 : i32
    %dma_wait3A_436 = arith.constant 0 : i32
    %dma_wait3A_437 = tpu.memref_slice %arg4[%add3A_427, %dma_wait3A_435, %dma_wait3A_436] : memref<4096x50x128xf32, #tpu.memory_space<hbm>> -> memref<1x50x128xf32, #tpu.memory_space<hbm>>
    %dma_wait3A_438 = tpu.memref_squeeze %dma_wait3A_437 : memref<1x50x128xf32, #tpu.memory_space<hbm>> -> memref<50x128xf32, #tpu.memory_space<hbm>>
    %dma_wait3A_439 = arith.constant 0 : i32
    %dma_wait3A_440 = arith.constant 0 : i32
    %dma_wait3A_441 = tpu.memref_slice %arg8[%dma_wait3A_439, %dma_wait3A_440] : memref<100x128xf32, #tpu.memory_space<vmem>> -> memref<50x128xf32, #tpu.memory_space<vmem>>
    tpu.wait_dma2 semaphore(%arg24 : memref<!tpu.dma_semaphore, #tpu.memory_space<semaphore_mem>>) src(%dma_wait3A_441 : memref<50x128xf32, #tpu.memory_space<vmem>>) dst(%dma_wait3A_438 : memref<50x128xf32, #tpu.memory_space<hbm>>)
    %add3A_442 = arith.constant 4 : i32
    %add3A_443 = arith.addi %mul3A_2, %add3A_442 : i32
    %add3A_444 = arith.constant 1 : i32
    %add3A_445 = arith.addi %add3A_443, %add3A_444 : i32
    %dma_wait3A_446 = arith.constant 50 : i32
    %dma_wait3A_447 = arith.constant 0 : i32
    %dma_wait3A_448 = tpu.memref_slice %arg8[%dma_wait3A_446, %dma_wait3A_447] : memref<100x128xf32, #tpu.memory_space<vmem>> -> memref<50x128xf32, #tpu.memory_space<vmem>>
    %dma_wait3A_449 = arith.constant 0 : i32
    %dma_wait3A_450 = arith.constant 0 : i32
    %dma_wait3A_451 = tpu.memref_slice %arg4[%add3A_445, %dma_wait3A_449, %dma_wait3A_450] : memref<4096x50x128xf32, #tpu.memory_space<hbm>> -> memref<1x50x128xf32, #tpu.memory_space<hbm>>
    %dma_wait3A_452 = tpu.memref_squeeze %dma_wait3A_451 : memref<1x50x128xf32, #tpu.memory_space<hbm>> -> memref<50x128xf32, #tpu.memory_space<hbm>>
    %dma_wait3A_453 = arith.constant 0 : i32
    %dma_wait3A_454 = arith.constant 0 : i32
    %dma_wait3A_455 = tpu.memref_slice %arg4[%add3A_445, %dma_wait3A_453, %dma_wait3A_454] : memref<4096x50x128xf32, #tpu.memory_space<hbm>> -> memref<1x50x128xf32, #tpu.memory_space<hbm>>
    %dma_wait3A_456 = tpu.memref_squeeze %dma_wait3A_455 : memref<1x50x128xf32, #tpu.memory_space<hbm>> -> memref<50x128xf32, #tpu.memory_space<hbm>>
    %dma_wait3A_457 = arith.constant 50 : i32
    %dma_wait3A_458 = arith.constant 0 : i32
    %dma_wait3A_459 = tpu.memref_slice %arg8[%dma_wait3A_457, %dma_wait3A_458] : memref<100x128xf32, #tpu.memory_space<vmem>> -> memref<50x128xf32, #tpu.memory_space<vmem>>
    tpu.wait_dma2 semaphore(%arg32 : memref<!tpu.dma_semaphore, #tpu.memory_space<semaphore_mem>>) src(%dma_wait3A_459 : memref<50x128xf32, #tpu.memory_space<vmem>>) dst(%dma_wait3A_456 : memref<50x128xf32, #tpu.memory_space<hbm>>)
    %dma_start3A_460 = arith.constant 10 : i32
    %dma_start3A_461 = arith.constant 0 : i32
    %dma_start3A_462 = tpu.memref_slice %arg5[%dma_start3A_460, %dma_start3A_461] : memref<64x100xi32, #tpu.memory_space<vmem>> -> memref<1x100xi32, #tpu.memory_space<vmem>>
    %dma_start3A_463 = tpu.memref_squeeze %dma_start3A_462 : memref<1x100xi32, #tpu.memory_space<vmem>> -> memref<100xi32, #tpu.memory_space<vmem>>
    %dma_start3A_464 = arith.constant 0 : i32
    %dma_start3A_465 = arith.constant 0 : i32
    %dma_start3A_466 = tpu.memref_slice %arg2[%dma_start3A_464, %dma_start3A_465] : memref<100000x128xf32, #tpu.memory_space<hbm>> -> memref<100000x128xf32, #tpu.memory_space<hbm>>
    tpu.enqueue_indirect_dma source(%dma_start3A_466 : memref<100000x128xf32, #tpu.memory_space<hbm>>) target(%arg8 : memref<100x128xf32, #tpu.memory_space<vmem>>) offsets(%dma_start3A_463 : memref<100xi32, #tpu.memory_space<vmem>>) semaphore(%arg16 : memref<!tpu.dma_semaphore, #tpu.memory_space<semaphore_mem>>)
    %dma_wait3A_467 = arith.constant 7 : i32
    %dma_wait3A_468 = arith.constant 0 : i32
    %dma_wait3A_469 = tpu.memref_slice %arg5[%dma_wait3A_467, %dma_wait3A_468] : memref<64x100xi32, #tpu.memory_space<vmem>> -> memref<1x100xi32, #tpu.memory_space<vmem>>
    %dma_wait3A_470 = tpu.memref_squeeze %dma_wait3A_469 : memref<1x100xi32, #tpu.memory_space<vmem>> -> memref<100xi32, #tpu.memory_space<vmem>>
    %dma_wait3A_471 = arith.constant 0 : i32
    %dma_wait3A_472 = arith.constant 0 : i32
    %dma_wait3A_473 = tpu.memref_slice %arg2[%dma_wait3A_471, %dma_wait3A_472] : memref<100000x128xf32, #tpu.memory_space<hbm>> -> memref<100000x128xf32, #tpu.memory_space<hbm>>
    tpu.wait_indirect_dma semaphore(%arg21 : memref<!tpu.dma_semaphore, #tpu.memory_space<semaphore_mem>>) src(%dma_wait3A_473 : memref<100000x128xf32, #tpu.memory_space<hbm>>) dst(%arg13 : memref<100x128xf32, #tpu.memory_space<vmem>>)
    %add3A_474 = arith.constant 14 : i32
    %add3A_475 = arith.addi %mul3A_2, %add3A_474 : i32
    %dma_start3A_476 = arith.constant 0 : i32
    %dma_start3A_477 = arith.constant 0 : i32
    %dma_start3A_478 = tpu.memref_slice %arg13[%dma_start3A_476, %dma_start3A_477] : memref<100x128xf32, #tpu.memory_space<vmem>> -> memref<50x128xf32, #tpu.memory_space<vmem>>
    %dma_start3A_479 = arith.constant 0 : i32
    %dma_start3A_480 = arith.constant 0 : i32
    %dma_start3A_481 = tpu.memref_slice %arg4[%add3A_475, %dma_start3A_479, %dma_start3A_480] : memref<4096x50x128xf32, #tpu.memory_space<hbm>> -> memref<1x50x128xf32, #tpu.memory_space<hbm>>
    %dma_start3A_482 = tpu.memref_squeeze %dma_start3A_481 : memref<1x50x128xf32, #tpu.memory_space<hbm>> -> memref<50x128xf32, #tpu.memory_space<hbm>>
    %dma_start3A_483 = arith.constant 0 : i32
    %dma_start3A_484 = arith.constant 0 : i32
    %dma_start3A_485 = tpu.memref_slice %arg4[%add3A_475, %dma_start3A_483, %dma_start3A_484] : memref<4096x50x128xf32, #tpu.memory_space<hbm>> -> memref<1x50x128xf32, #tpu.memory_space<hbm>>
    %dma_start3A_486 = tpu.memref_squeeze %dma_start3A_485 : memref<1x50x128xf32, #tpu.memory_space<hbm>> -> memref<50x128xf32, #tpu.memory_space<hbm>>
    %dma_start3A_487 = arith.constant 0 : i32
    %dma_start3A_488 = arith.constant 0 : i32
    %dma_start3A_489 = tpu.memref_slice %arg13[%dma_start3A_487, %dma_start3A_488] : memref<100x128xf32, #tpu.memory_space<vmem>> -> memref<50x128xf32, #tpu.memory_space<vmem>>
    tpu.enqueue_dma source(%dma_start3A_489 : memref<50x128xf32, #tpu.memory_space<vmem>>) target(%dma_start3A_486 : memref<50x128xf32, #tpu.memory_space<hbm>>) target_semaphore(%arg29 : memref<!tpu.dma_semaphore, #tpu.memory_space<semaphore_mem>>)
    %add3A_490 = arith.constant 14 : i32
    %add3A_491 = arith.addi %mul3A_2, %add3A_490 : i32
    %add3A_492 = arith.constant 1 : i32
    %add3A_493 = arith.addi %add3A_491, %add3A_492 : i32
    %dma_start3A_494 = arith.constant 50 : i32
    %dma_start3A_495 = arith.constant 0 : i32
    %dma_start3A_496 = tpu.memref_slice %arg13[%dma_start3A_494, %dma_start3A_495] : memref<100x128xf32, #tpu.memory_space<vmem>> -> memref<50x128xf32, #tpu.memory_space<vmem>>
    %dma_start3A_497 = arith.constant 0 : i32
    %dma_start3A_498 = arith.constant 0 : i32
    %dma_start3A_499 = tpu.memref_slice %arg4[%add3A_493, %dma_start3A_497, %dma_start3A_498] : memref<4096x50x128xf32, #tpu.memory_space<hbm>> -> memref<1x50x128xf32, #tpu.memory_space<hbm>>
    %dma_start3A_500 = tpu.memref_squeeze %dma_start3A_499 : memref<1x50x128xf32, #tpu.memory_space<hbm>> -> memref<50x128xf32, #tpu.memory_space<hbm>>
    %dma_start3A_501 = arith.constant 0 : i32
    %dma_start3A_502 = arith.constant 0 : i32
    %dma_start3A_503 = tpu.memref_slice %arg4[%add3A_493, %dma_start3A_501, %dma_start3A_502] : memref<4096x50x128xf32, #tpu.memory_space<hbm>> -> memref<1x50x128xf32, #tpu.memory_space<hbm>>
    %dma_start3A_504 = tpu.memref_squeeze %dma_start3A_503 : memref<1x50x128xf32, #tpu.memory_space<hbm>> -> memref<50x128xf32, #tpu.memory_space<hbm>>
    %dma_start3A_505 = arith.constant 50 : i32
    %dma_start3A_506 = arith.constant 0 : i32
    %dma_start3A_507 = tpu.memref_slice %arg13[%dma_start3A_505, %dma_start3A_506] : memref<100x128xf32, #tpu.memory_space<vmem>> -> memref<50x128xf32, #tpu.memory_space<vmem>>
    tpu.enqueue_dma source(%dma_start3A_507 : memref<50x128xf32, #tpu.memory_space<vmem>>) target(%dma_start3A_504 : memref<50x128xf32, #tpu.memory_space<hbm>>) target_semaphore(%arg37 : memref<!tpu.dma_semaphore, #tpu.memory_space<semaphore_mem>>)
    %add3A_508 = arith.constant 6 : i32
    %add3A_509 = arith.addi %mul3A_2, %add3A_508 : i32
    %dma_wait3A_510 = arith.constant 0 : i32
    %dma_wait3A_511 = arith.constant 0 : i32
    %dma_wait3A_512 = tpu.memref_slice %arg9[%dma_wait3A_510, %dma_wait3A_511] : memref<100x128xf32, #tpu.memory_space<vmem>> -> memref<50x128xf32, #tpu.memory_space<vmem>>
    %dma_wait3A_513 = arith.constant 0 : i32
    %dma_wait3A_514 = arith.constant 0 : i32
    %dma_wait3A_515 = tpu.memref_slice %arg4[%add3A_509, %dma_wait3A_513, %dma_wait3A_514] : memref<4096x50x128xf32, #tpu.memory_space<hbm>> -> memref<1x50x128xf32, #tpu.memory_space<hbm>>
    %dma_wait3A_516 = tpu.memref_squeeze %dma_wait3A_515 : memref<1x50x128xf32, #tpu.memory_space<hbm>> -> memref<50x128xf32, #tpu.memory_space<hbm>>
    %dma_wait3A_517 = arith.constant 0 : i32
    %dma_wait3A_518 = arith.constant 0 : i32
    %dma_wait3A_519 = tpu.memref_slice %arg4[%add3A_509, %dma_wait3A_517, %dma_wait3A_518] : memref<4096x50x128xf32, #tpu.memory_space<hbm>> -> memref<1x50x128xf32, #tpu.memory_space<hbm>>
    %dma_wait3A_520 = tpu.memref_squeeze %dma_wait3A_519 : memref<1x50x128xf32, #tpu.memory_space<hbm>> -> memref<50x128xf32, #tpu.memory_space<hbm>>
    %dma_wait3A_521 = arith.constant 0 : i32
    %dma_wait3A_522 = arith.constant 0 : i32
    %dma_wait3A_523 = tpu.memref_slice %arg9[%dma_wait3A_521, %dma_wait3A_522] : memref<100x128xf32, #tpu.memory_space<vmem>> -> memref<50x128xf32, #tpu.memory_space<vmem>>
    tpu.wait_dma2 semaphore(%arg25 : memref<!tpu.dma_semaphore, #tpu.memory_space<semaphore_mem>>) src(%dma_wait3A_523 : memref<50x128xf32, #tpu.memory_space<vmem>>) dst(%dma_wait3A_520 : memref<50x128xf32, #tpu.memory_space<hbm>>)
    %add3A_524 = arith.constant 6 : i32
    %add3A_525 = arith.addi %mul3A_2, %add3A_524 : i32
    %add3A_526 = arith.constant 1 : i32
    %add3A_527 = arith.addi %add3A_525, %add3A_526 : i32
    %dma_wait3A_528 = arith.constant 50 : i32
    %dma_wait3A_529 = arith.constant 0 : i32
    %dma_wait3A_530 = tpu.memref_slice %arg9[%dma_wait3A_528, %dma_wait3A_529] : memref<100x128xf32, #tpu.memory_space<vmem>> -> memref<50x128xf32, #tpu.memory_space<vmem>>
    %dma_wait3A_531 = arith.constant 0 : i32
    %dma_wait3A_532 = arith.constant 0 : i32
    %dma_wait3A_533 = tpu.memref_slice %arg4[%add3A_527, %dma_wait3A_531, %dma_wait3A_532] : memref<4096x50x128xf32, #tpu.memory_space<hbm>> -> memref<1x50x128xf32, #tpu.memory_space<hbm>>
    %dma_wait3A_534 = tpu.memref_squeeze %dma_wait3A_533 : memref<1x50x128xf32, #tpu.memory_space<hbm>> -> memref<50x128xf32, #tpu.memory_space<hbm>>
    %dma_wait3A_535 = arith.constant 0 : i32
    %dma_wait3A_536 = arith.constant 0 : i32
    %dma_wait3A_537 = tpu.memref_slice %arg4[%add3A_527, %dma_wait3A_535, %dma_wait3A_536] : memref<4096x50x128xf32, #tpu.memory_space<hbm>> -> memref<1x50x128xf32, #tpu.memory_space<hbm>>
    %dma_wait3A_538 = tpu.memref_squeeze %dma_wait3A_537 : memref<1x50x128xf32, #tpu.memory_space<hbm>> -> memref<50x128xf32, #tpu.memory_space<hbm>>
    %dma_wait3A_539 = arith.constant 50 : i32
    %dma_wait3A_540 = arith.constant 0 : i32
    %dma_wait3A_541 = tpu.memref_slice %arg9[%dma_wait3A_539, %dma_wait3A_540] : memref<100x128xf32, #tpu.memory_space<vmem>> -> memref<50x128xf32, #tpu.memory_space<vmem>>
    tpu.wait_dma2 semaphore(%arg33 : memref<!tpu.dma_semaphore, #tpu.memory_space<semaphore_mem>>) src(%dma_wait3A_541 : memref<50x128xf32, #tpu.memory_space<vmem>>) dst(%dma_wait3A_538 : memref<50x128xf32, #tpu.memory_space<hbm>>)
    %dma_start3A_542 = arith.constant 11 : i32
    %dma_start3A_543 = arith.constant 0 : i32
    %dma_start3A_544 = tpu.memref_slice %arg5[%dma_start3A_542, %dma_start3A_543] : memref<64x100xi32, #tpu.memory_space<vmem>> -> memref<1x100xi32, #tpu.memory_space<vmem>>
    %dma_start3A_545 = tpu.memref_squeeze %dma_start3A_544 : memref<1x100xi32, #tpu.memory_space<vmem>> -> memref<100xi32, #tpu.memory_space<vmem>>
    %dma_start3A_546 = arith.constant 0 : i32
    %dma_start3A_547 = arith.constant 0 : i32
    %dma_start3A_548 = tpu.memref_slice %arg2[%dma_start3A_546, %dma_start3A_547] : memref<100000x128xf32, #tpu.memory_space<hbm>> -> memref<100000x128xf32, #tpu.memory_space<hbm>>
    tpu.enqueue_indirect_dma source(%dma_start3A_548 : memref<100000x128xf32, #tpu.memory_space<hbm>>) target(%arg9 : memref<100x128xf32, #tpu.memory_space<vmem>>) offsets(%dma_start3A_545 : memref<100xi32, #tpu.memory_space<vmem>>) semaphore(%arg17 : memref<!tpu.dma_semaphore, #tpu.memory_space<semaphore_mem>>)
    %scan3A = arith.constant 0 : i32
    %scan3A_549 = arith.constant 0 : i32
    %scan3A_550 = arith.constant 6 : i32
    %scan3A_551 = arith.addi %scan3A_549, %scan3A_550 : i32
    %scan3A_552 = arith.constant 1 : i32
    scf.for %scan3A_1318 = %scan3A_549 to %scan3A_551 step %scan3A_552  : i32 {
      %mul3A_1319 = arith.constant 8 : i32
      %mul3A_1320 = arith.muli %scan3A_1318, %mul3A_1319 : i32
      %add3A_1321 = arith.constant 8 : i32
      %add3A_1322 = arith.addi %add3A_1321, %mul3A_1320 : i32
      %add3A_1323 = arith.constant 0 : i32
      %add3A_1324 = arith.addi %add3A_1322, %add3A_1323 : i32
      %dma_wait3A_1325 = arith.constant 0 : i32
      %dma_wait3A_1326 = tpu.memref_slice %arg5[%add3A_1324, %dma_wait3A_1325] : memref<64x100xi32, #tpu.memory_space<vmem>> -> memref<1x100xi32, #tpu.memory_space<vmem>>
      %dma_wait3A_1327 = tpu.memref_squeeze %dma_wait3A_1326 : memref<1x100xi32, #tpu.memory_space<vmem>> -> memref<100xi32, #tpu.memory_space<vmem>>
      %dma_wait3A_1328 = arith.constant 0 : i32
      %dma_wait3A_1329 = arith.constant 0 : i32
      %dma_wait3A_1330 = tpu.memref_slice %arg2[%dma_wait3A_1328, %dma_wait3A_1329] : memref<100000x128xf32, #tpu.memory_space<hbm>> -> memref<100000x128xf32, #tpu.memory_space<hbm>>
      tpu.wait_indirect_dma semaphore(%arg14 : memref<!tpu.dma_semaphore, #tpu.memory_space<semaphore_mem>>) src(%dma_wait3A_1330 : memref<100000x128xf32, #tpu.memory_space<hbm>>) dst(%arg6 : memref<100x128xf32, #tpu.memory_space<vmem>>)
      %mul3A_1331 = arith.constant 2 : i32
      %mul3A_1332 = arith.muli %add3A_1324, %mul3A_1331 : i32
      %add3A_1333 = arith.addi %mul3A_2, %mul3A_1332 : i32
      %dma_start3A_1334 = arith.constant 0 : i32
      %dma_start3A_1335 = arith.constant 0 : i32
      %dma_start3A_1336 = tpu.memref_slice %arg6[%dma_start3A_1334, %dma_start3A_1335] : memref<100x128xf32, #tpu.memory_space<vmem>> -> memref<50x128xf32, #tpu.memory_space<vmem>>
      %dma_start3A_1337 = arith.constant 0 : i32
      %dma_start3A_1338 = arith.constant 0 : i32
      %dma_start3A_1339 = tpu.memref_slice %arg4[%add3A_1333, %dma_start3A_1337, %dma_start3A_1338] : memref<4096x50x128xf32, #tpu.memory_space<hbm>> -> memref<1x50x128xf32, #tpu.memory_space<hbm>>
      %dma_start3A_1340 = tpu.memref_squeeze %dma_start3A_1339 : memref<1x50x128xf32, #tpu.memory_space<hbm>> -> memref<50x128xf32, #tpu.memory_space<hbm>>
      %dma_start3A_1341 = arith.constant 0 : i32
      %dma_start3A_1342 = arith.constant 0 : i32
      %dma_start3A_1343 = tpu.memref_slice %arg4[%add3A_1333, %dma_start3A_1341, %dma_start3A_1342] : memref<4096x50x128xf32, #tpu.memory_space<hbm>> -> memref<1x50x128xf32, #tpu.memory_space<hbm>>
      %dma_start3A_1344 = tpu.memref_squeeze %dma_start3A_1343 : memref<1x50x128xf32, #tpu.memory_space<hbm>> -> memref<50x128xf32, #tpu.memory_space<hbm>>
      %dma_start3A_1345 = arith.constant 0 : i32
      %dma_start3A_1346 = arith.constant 0 : i32
      %dma_start3A_1347 = tpu.memref_slice %arg6[%dma_start3A_1345, %dma_start3A_1346] : memref<100x128xf32, #tpu.memory_space<vmem>> -> memref<50x128xf32, #tpu.memory_space<vmem>>
      tpu.enqueue_dma source(%dma_start3A_1347 : memref<50x128xf32, #tpu.memory_space<vmem>>) target(%dma_start3A_1344 : memref<50x128xf32, #tpu.memory_space<hbm>>) target_semaphore(%arg22 : memref<!tpu.dma_semaphore, #tpu.memory_space<semaphore_mem>>)
      %mul3A_1348 = arith.constant 2 : i32
      %mul3A_1349 = arith.muli %add3A_1324, %mul3A_1348 : i32
      %add3A_1350 = arith.addi %mul3A_2, %mul3A_1349 : i32
      %add3A_1351 = arith.constant 1 : i32
      %add3A_1352 = arith.addi %add3A_1350, %add3A_1351 : i32
      %dma_start3A_1353 = arith.constant 50 : i32
      %dma_start3A_1354 = arith.constant 0 : i32
      %dma_start3A_1355 = tpu.memref_slice %arg6[%dma_start3A_1353, %dma_start3A_1354] : memref<100x128xf32, #tpu.memory_space<vmem>> -> memref<50x128xf32, #tpu.memory_space<vmem>>
      %dma_start3A_1356 = arith.constant 0 : i32
      %dma_start3A_1357 = arith.constant 0 : i32
      %dma_start3A_1358 = tpu.memref_slice %arg4[%add3A_1352, %dma_start3A_1356, %dma_start3A_1357] : memref<4096x50x128xf32, #tpu.memory_space<hbm>> -> memref<1x50x128xf32, #tpu.memory_space<hbm>>
      %dma_start3A_1359 = tpu.memref_squeeze %dma_start3A_1358 : memref<1x50x128xf32, #tpu.memory_space<hbm>> -> memref<50x128xf32, #tpu.memory_space<hbm>>
      %dma_start3A_1360 = arith.constant 0 : i32
      %dma_start3A_1361 = arith.constant 0 : i32
      %dma_start3A_1362 = tpu.memref_slice %arg4[%add3A_1352, %dma_start3A_1360, %dma_start3A_1361] : memref<4096x50x128xf32, #tpu.memory_space<hbm>> -> memref<1x50x128xf32, #tpu.memory_space<hbm>>
      %dma_start3A_1363 = tpu.memref_squeeze %dma_start3A_1362 : memref<1x50x128xf32, #tpu.memory_space<hbm>> -> memref<50x128xf32, #tpu.memory_space<hbm>>
      %dma_start3A_1364 = arith.constant 50 : i32
      %dma_start3A_1365 = arith.constant 0 : i32
      %dma_start3A_1366 = tpu.memref_slice %arg6[%dma_start3A_1364, %dma_start3A_1365] : memref<100x128xf32, #tpu.memory_space<vmem>> -> memref<50x128xf32, #tpu.memory_space<vmem>>
      tpu.enqueue_dma source(%dma_start3A_1366 : memref<50x128xf32, #tpu.memory_space<vmem>>) target(%dma_start3A_1363 : memref<50x128xf32, #tpu.memory_space<hbm>>) target_semaphore(%arg30 : memref<!tpu.dma_semaphore, #tpu.memory_space<semaphore_mem>>)
      %sub3A = arith.constant 4 : i32
      %sub3A_1367 = arith.subi %add3A_1324, %sub3A : i32
      %mul3A_1368 = arith.constant 2 : i32
      %mul3A_1369 = arith.muli %sub3A_1367, %mul3A_1368 : i32
      %add3A_1370 = arith.addi %mul3A_2, %mul3A_1369 : i32
      %dma_wait3A_1371 = arith.constant 0 : i32
      %dma_wait3A_1372 = arith.constant 0 : i32
      %dma_wait3A_1373 = tpu.memref_slice %arg10[%dma_wait3A_1371, %dma_wait3A_1372] : memref<100x128xf32, #tpu.memory_space<vmem>> -> memref<50x128xf32, #tpu.memory_space<vmem>>
      %dma_wait3A_1374 = arith.constant 0 : i32
      %dma_wait3A_1375 = arith.constant 0 : i32
      %dma_wait3A_1376 = tpu.memref_slice %arg4[%add3A_1370, %dma_wait3A_1374, %dma_wait3A_1375] : memref<4096x50x128xf32, #tpu.memory_space<hbm>> -> memref<1x50x128xf32, #tpu.memory_space<hbm>>
      %dma_wait3A_1377 = tpu.memref_squeeze %dma_wait3A_1376 : memref<1x50x128xf32, #tpu.memory_space<hbm>> -> memref<50x128xf32, #tpu.memory_space<hbm>>
      %dma_wait3A_1378 = arith.constant 0 : i32
      %dma_wait3A_1379 = arith.constant 0 : i32
      %dma_wait3A_1380 = tpu.memref_slice %arg4[%add3A_1370, %dma_wait3A_1378, %dma_wait3A_1379] : memref<4096x50x128xf32, #tpu.memory_space<hbm>> -> memref<1x50x128xf32, #tpu.memory_space<hbm>>
      %dma_wait3A_1381 = tpu.memref_squeeze %dma_wait3A_1380 : memref<1x50x128xf32, #tpu.memory_space<hbm>> -> memref<50x128xf32, #tpu.memory_space<hbm>>
      %dma_wait3A_1382 = arith.constant 0 : i32
      %dma_wait3A_1383 = arith.constant 0 : i32
      %dma_wait3A_1384 = tpu.memref_slice %arg10[%dma_wait3A_1382, %dma_wait3A_1383] : memref<100x128xf32, #tpu.memory_space<vmem>> -> memref<50x128xf32, #tpu.memory_space<vmem>>
      tpu.wait_dma2 semaphore(%arg26 : memref<!tpu.dma_semaphore, #tpu.memory_space<semaphore_mem>>) src(%dma_wait3A_1384 : memref<50x128xf32, #tpu.memory_space<vmem>>) dst(%dma_wait3A_1381 : memref<50x128xf32, #tpu.memory_space<hbm>>)
      %mul3A_1385 = arith.constant 2 : i32
      %mul3A_1386 = arith.muli %sub3A_1367, %mul3A_1385 : i32
      %add3A_1387 = arith.addi %mul3A_2, %mul3A_1386 : i32
      %add3A_1388 = arith.constant 1 : i32
      %add3A_1389 = arith.addi %add3A_1387, %add3A_1388 : i32
      %dma_wait3A_1390 = arith.constant 50 : i32
      %dma_wait3A_1391 = arith.constant 0 : i32
      %dma_wait3A_1392 = tpu.memref_slice %arg10[%dma_wait3A_1390, %dma_wait3A_1391] : memref<100x128xf32, #tpu.memory_space<vmem>> -> memref<50x128xf32, #tpu.memory_space<vmem>>
      %dma_wait3A_1393 = arith.constant 0 : i32
      %dma_wait3A_1394 = arith.constant 0 : i32
      %dma_wait3A_1395 = tpu.memref_slice %arg4[%add3A_1389, %dma_wait3A_1393, %dma_wait3A_1394] : memref<4096x50x128xf32, #tpu.memory_space<hbm>> -> memref<1x50x128xf32, #tpu.memory_space<hbm>>
      %dma_wait3A_1396 = tpu.memref_squeeze %dma_wait3A_1395 : memref<1x50x128xf32, #tpu.memory_space<hbm>> -> memref<50x128xf32, #tpu.memory_space<hbm>>
      %dma_wait3A_1397 = arith.constant 0 : i32
      %dma_wait3A_1398 = arith.constant 0 : i32
      %dma_wait3A_1399 = tpu.memref_slice %arg4[%add3A_1389, %dma_wait3A_1397, %dma_wait3A_1398] : memref<4096x50x128xf32, #tpu.memory_space<hbm>> -> memref<1x50x128xf32, #tpu.memory_space<hbm>>
      %dma_wait3A_1400 = tpu.memref_squeeze %dma_wait3A_1399 : memref<1x50x128xf32, #tpu.memory_space<hbm>> -> memref<50x128xf32, #tpu.memory_space<hbm>>
      %dma_wait3A_1401 = arith.constant 50 : i32
      %dma_wait3A_1402 = arith.constant 0 : i32
      %dma_wait3A_1403 = tpu.memref_slice %arg10[%dma_wait3A_1401, %dma_wait3A_1402] : memref<100x128xf32, #tpu.memory_space<vmem>> -> memref<50x128xf32, #tpu.memory_space<vmem>>
      tpu.wait_dma2 semaphore(%arg34 : memref<!tpu.dma_semaphore, #tpu.memory_space<semaphore_mem>>) src(%dma_wait3A_1403 : memref<50x128xf32, #tpu.memory_space<vmem>>) dst(%dma_wait3A_1400 : memref<50x128xf32, #tpu.memory_space<hbm>>)
      %add3A_1404 = arith.constant 4 : i32
      %add3A_1405 = arith.addi %add3A_1324, %add3A_1404 : i32
      %dma_start3A_1406 = arith.constant 0 : i32
      %dma_start3A_1407 = tpu.memref_slice %arg5[%add3A_1405, %dma_start3A_1406] : memref<64x100xi32, #tpu.memory_space<vmem>> -> memref<1x100xi32, #tpu.memory_space<vmem>>
      %dma_start3A_1408 = tpu.memref_squeeze %dma_start3A_1407 : memref<1x100xi32, #tpu.memory_space<vmem>> -> memref<100xi32, #tpu.memory_space<vmem>>
      %dma_start3A_1409 = arith.constant 0 : i32
      %dma_start3A_1410 = arith.constant 0 : i32
      %dma_start3A_1411 = tpu.memref_slice %arg2[%dma_start3A_1409, %dma_start3A_1410] : memref<100000x128xf32, #tpu.memory_space<hbm>> -> memref<100000x128xf32, #tpu.memory_space<hbm>>
      tpu.enqueue_indirect_dma source(%dma_start3A_1411 : memref<100000x128xf32, #tpu.memory_space<hbm>>) target(%arg10 : memref<100x128xf32, #tpu.memory_space<vmem>>) offsets(%dma_start3A_1408 : memref<100xi32, #tpu.memory_space<vmem>>) semaphore(%arg18 : memref<!tpu.dma_semaphore, #tpu.memory_space<semaphore_mem>>)
      %add3A_1412 = arith.constant 1 : i32
      %add3A_1413 = arith.addi %add3A_1322, %add3A_1412 : i32
      %dma_wait3A_1414 = arith.constant 0 : i32
      %dma_wait3A_1415 = tpu.memref_slice %arg5[%add3A_1413, %dma_wait3A_1414] : memref<64x100xi32, #tpu.memory_space<vmem>> -> memref<1x100xi32, #tpu.memory_space<vmem>>
      %dma_wait3A_1416 = tpu.memref_squeeze %dma_wait3A_1415 : memref<1x100xi32, #tpu.memory_space<vmem>> -> memref<100xi32, #tpu.memory_space<vmem>>
      %dma_wait3A_1417 = arith.constant 0 : i32
      %dma_wait3A_1418 = arith.constant 0 : i32
      %dma_wait3A_1419 = tpu.memref_slice %arg2[%dma_wait3A_1417, %dma_wait3A_1418] : memref<100000x128xf32, #tpu.memory_space<hbm>> -> memref<100000x128xf32, #tpu.memory_space<hbm>>
      tpu.wait_indirect_dma semaphore(%arg15 : memref<!tpu.dma_semaphore, #tpu.memory_space<semaphore_mem>>) src(%dma_wait3A_1419 : memref<100000x128xf32, #tpu.memory_space<hbm>>) dst(%arg7 : memref<100x128xf32, #tpu.memory_space<vmem>>)
      %mul3A_1420 = arith.constant 2 : i32
      %mul3A_1421 = arith.muli %add3A_1413, %mul3A_1420 : i32
      %add3A_1422 = arith.addi %mul3A_2, %mul3A_1421 : i32
      %dma_start3A_1423 = arith.constant 0 : i32
      %dma_start3A_1424 = arith.constant 0 : i32
      %dma_start3A_1425 = tpu.memref_slice %arg7[%dma_start3A_1423, %dma_start3A_1424] : memref<100x128xf32, #tpu.memory_space<vmem>> -> memref<50x128xf32, #tpu.memory_space<vmem>>
      %dma_start3A_1426 = arith.constant 0 : i32
      %dma_start3A_1427 = arith.constant 0 : i32
      %dma_start3A_1428 = tpu.memref_slice %arg4[%add3A_1422, %dma_start3A_1426, %dma_start3A_1427] : memref<4096x50x128xf32, #tpu.memory_space<hbm>> -> memref<1x50x128xf32, #tpu.memory_space<hbm>>
      %dma_start3A_1429 = tpu.memref_squeeze %dma_start3A_1428 : memref<1x50x128xf32, #tpu.memory_space<hbm>> -> memref<50x128xf32, #tpu.memory_space<hbm>>
      %dma_start3A_1430 = arith.constant 0 : i32
      %dma_start3A_1431 = arith.constant 0 : i32
      %dma_start3A_1432 = tpu.memref_slice %arg4[%add3A_1422, %dma_start3A_1430, %dma_start3A_1431] : memref<4096x50x128xf32, #tpu.memory_space<hbm>> -> memref<1x50x128xf32, #tpu.memory_space<hbm>>
      %dma_start3A_1433 = tpu.memref_squeeze %dma_start3A_1432 : memref<1x50x128xf32, #tpu.memory_space<hbm>> -> memref<50x128xf32, #tpu.memory_space<hbm>>
      %dma_start3A_1434 = arith.constant 0 : i32
      %dma_start3A_1435 = arith.constant 0 : i32
      %dma_start3A_1436 = tpu.memref_slice %arg7[%dma_start3A_1434, %dma_start3A_1435] : memref<100x128xf32, #tpu.memory_space<vmem>> -> memref<50x128xf32, #tpu.memory_space<vmem>>
      tpu.enqueue_dma source(%dma_start3A_1436 : memref<50x128xf32, #tpu.memory_space<vmem>>) target(%dma_start3A_1433 : memref<50x128xf32, #tpu.memory_space<hbm>>) target_semaphore(%arg23 : memref<!tpu.dma_semaphore, #tpu.memory_space<semaphore_mem>>)
      %mul3A_1437 = arith.constant 2 : i32
      %mul3A_1438 = arith.muli %add3A_1413, %mul3A_1437 : i32
      %add3A_1439 = arith.addi %mul3A_2, %mul3A_1438 : i32
      %add3A_1440 = arith.constant 1 : i32
      %add3A_1441 = arith.addi %add3A_1439, %add3A_1440 : i32
      %dma_start3A_1442 = arith.constant 50 : i32
      %dma_start3A_1443 = arith.constant 0 : i32
      %dma_start3A_1444 = tpu.memref_slice %arg7[%dma_start3A_1442, %dma_start3A_1443] : memref<100x128xf32, #tpu.memory_space<vmem>> -> memref<50x128xf32, #tpu.memory_space<vmem>>
      %dma_start3A_1445 = arith.constant 0 : i32
      %dma_start3A_1446 = arith.constant 0 : i32
      %dma_start3A_1447 = tpu.memref_slice %arg4[%add3A_1441, %dma_start3A_1445, %dma_start3A_1446] : memref<4096x50x128xf32, #tpu.memory_space<hbm>> -> memref<1x50x128xf32, #tpu.memory_space<hbm>>
      %dma_start3A_1448 = tpu.memref_squeeze %dma_start3A_1447 : memref<1x50x128xf32, #tpu.memory_space<hbm>> -> memref<50x128xf32, #tpu.memory_space<hbm>>
      %dma_start3A_1449 = arith.constant 0 : i32
      %dma_start3A_1450 = arith.constant 0 : i32
      %dma_start3A_1451 = tpu.memref_slice %arg4[%add3A_1441, %dma_start3A_1449, %dma_start3A_1450] : memref<4096x50x128xf32, #tpu.memory_space<hbm>> -> memref<1x50x128xf32, #tpu.memory_space<hbm>>
      %dma_start3A_1452 = tpu.memref_squeeze %dma_start3A_1451 : memref<1x50x128xf32, #tpu.memory_space<hbm>> -> memref<50x128xf32, #tpu.memory_space<hbm>>
      %dma_start3A_1453 = arith.constant 50 : i32
      %dma_start3A_1454 = arith.constant 0 : i32
      %dma_start3A_1455 = tpu.memref_slice %arg7[%dma_start3A_1453, %dma_start3A_1454] : memref<100x128xf32, #tpu.memory_space<vmem>> -> memref<50x128xf32, #tpu.memory_space<vmem>>
      tpu.enqueue_dma source(%dma_start3A_1455 : memref<50x128xf32, #tpu.memory_space<vmem>>) target(%dma_start3A_1452 : memref<50x128xf32, #tpu.memory_space<hbm>>) target_semaphore(%arg31 : memref<!tpu.dma_semaphore, #tpu.memory_space<semaphore_mem>>)
      %sub3A_1456 = arith.constant 4 : i32
      %sub3A_1457 = arith.subi %add3A_1413, %sub3A_1456 : i32
      %mul3A_1458 = arith.constant 2 : i32
      %mul3A_1459 = arith.muli %sub3A_1457, %mul3A_1458 : i32
      %add3A_1460 = arith.addi %mul3A_2, %mul3A_1459 : i32
      %dma_wait3A_1461 = arith.constant 0 : i32
      %dma_wait3A_1462 = arith.constant 0 : i32
      %dma_wait3A_1463 = tpu.memref_slice %arg11[%dma_wait3A_1461, %dma_wait3A_1462] : memref<100x128xf32, #tpu.memory_space<vmem>> -> memref<50x128xf32, #tpu.memory_space<vmem>>
      %dma_wait3A_1464 = arith.constant 0 : i32
      %dma_wait3A_1465 = arith.constant 0 : i32
      %dma_wait3A_1466 = tpu.memref_slice %arg4[%add3A_1460, %dma_wait3A_1464, %dma_wait3A_1465] : memref<4096x50x128xf32, #tpu.memory_space<hbm>> -> memref<1x50x128xf32, #tpu.memory_space<hbm>>
      %dma_wait3A_1467 = tpu.memref_squeeze %dma_wait3A_1466 : memref<1x50x128xf32, #tpu.memory_space<hbm>> -> memref<50x128xf32, #tpu.memory_space<hbm>>
      %dma_wait3A_1468 = arith.constant 0 : i32
      %dma_wait3A_1469 = arith.constant 0 : i32
      %dma_wait3A_1470 = tpu.memref_slice %arg4[%add3A_1460, %dma_wait3A_1468, %dma_wait3A_1469] : memref<4096x50x128xf32, #tpu.memory_space<hbm>> -> memref<1x50x128xf32, #tpu.memory_space<hbm>>
      %dma_wait3A_1471 = tpu.memref_squeeze %dma_wait3A_1470 : memref<1x50x128xf32, #tpu.memory_space<hbm>> -> memref<50x128xf32, #tpu.memory_space<hbm>>
      %dma_wait3A_1472 = arith.constant 0 : i32
      %dma_wait3A_1473 = arith.constant 0 : i32
      %dma_wait3A_1474 = tpu.memref_slice %arg11[%dma_wait3A_1472, %dma_wait3A_1473] : memref<100x128xf32, #tpu.memory_space<vmem>> -> memref<50x128xf32, #tpu.memory_space<vmem>>
      tpu.wait_dma2 semaphore(%arg27 : memref<!tpu.dma_semaphore, #tpu.memory_space<semaphore_mem>>) src(%dma_wait3A_1474 : memref<50x128xf32, #tpu.memory_space<vmem>>) dst(%dma_wait3A_1471 : memref<50x128xf32, #tpu.memory_space<hbm>>)
      %mul3A_1475 = arith.constant 2 : i32
      %mul3A_1476 = arith.muli %sub3A_1457, %mul3A_1475 : i32
      %add3A_1477 = arith.addi %mul3A_2, %mul3A_1476 : i32
      %add3A_1478 = arith.constant 1 : i32
      %add3A_1479 = arith.addi %add3A_1477, %add3A_1478 : i32
      %dma_wait3A_1480 = arith.constant 50 : i32
      %dma_wait3A_1481 = arith.constant 0 : i32
      %dma_wait3A_1482 = tpu.memref_slice %arg11[%dma_wait3A_1480, %dma_wait3A_1481] : memref<100x128xf32, #tpu.memory_space<vmem>> -> memref<50x128xf32, #tpu.memory_space<vmem>>
      %dma_wait3A_1483 = arith.constant 0 : i32
      %dma_wait3A_1484 = arith.constant 0 : i32
      %dma_wait3A_1485 = tpu.memref_slice %arg4[%add3A_1479, %dma_wait3A_1483, %dma_wait3A_1484] : memref<4096x50x128xf32, #tpu.memory_space<hbm>> -> memref<1x50x128xf32, #tpu.memory_space<hbm>>
      %dma_wait3A_1486 = tpu.memref_squeeze %dma_wait3A_1485 : memref<1x50x128xf32, #tpu.memory_space<hbm>> -> memref<50x128xf32, #tpu.memory_space<hbm>>
      %dma_wait3A_1487 = arith.constant 0 : i32
      %dma_wait3A_1488 = arith.constant 0 : i32
      %dma_wait3A_1489 = tpu.memref_slice %arg4[%add3A_1479, %dma_wait3A_1487, %dma_wait3A_1488] : memref<4096x50x128xf32, #tpu.memory_space<hbm>> -> memref<1x50x128xf32, #tpu.memory_space<hbm>>
      %dma_wait3A_1490 = tpu.memref_squeeze %dma_wait3A_1489 : memref<1x50x128xf32, #tpu.memory_space<hbm>> -> memref<50x128xf32, #tpu.memory_space<hbm>>
      %dma_wait3A_1491 = arith.constant 50 : i32
      %dma_wait3A_1492 = arith.constant 0 : i32
      %dma_wait3A_1493 = tpu.memref_slice %arg11[%dma_wait3A_1491, %dma_wait3A_1492] : memref<100x128xf32, #tpu.memory_space<vmem>> -> memref<50x128xf32, #tpu.memory_space<vmem>>
      tpu.wait_dma2 semaphore(%arg35 : memref<!tpu.dma_semaphore, #tpu.memory_space<semaphore_mem>>) src(%dma_wait3A_1493 : memref<50x128xf32, #tpu.memory_space<vmem>>) dst(%dma_wait3A_1490 : memref<50x128xf32, #tpu.memory_space<hbm>>)
      %add3A_1494 = arith.constant 4 : i32
      %add3A_1495 = arith.addi %add3A_1413, %add3A_1494 : i32
      %dma_start3A_1496 = arith.constant 0 : i32
      %dma_start3A_1497 = tpu.memref_slice %arg5[%add3A_1495, %dma_start3A_1496] : memref<64x100xi32, #tpu.memory_space<vmem>> -> memref<1x100xi32, #tpu.memory_space<vmem>>
      %dma_start3A_1498 = tpu.memref_squeeze %dma_start3A_1497 : memref<1x100xi32, #tpu.memory_space<vmem>> -> memref<100xi32, #tpu.memory_space<vmem>>
      %dma_start3A_1499 = arith.constant 0 : i32
      %dma_start3A_1500 = arith.constant 0 : i32
      %dma_start3A_1501 = tpu.memref_slice %arg2[%dma_start3A_1499, %dma_start3A_1500] : memref<100000x128xf32, #tpu.memory_space<hbm>> -> memref<100000x128xf32, #tpu.memory_space<hbm>>
      tpu.enqueue_indirect_dma source(%dma_start3A_1501 : memref<100000x128xf32, #tpu.memory_space<hbm>>) target(%arg11 : memref<100x128xf32, #tpu.memory_space<vmem>>) offsets(%dma_start3A_1498 : memref<100xi32, #tpu.memory_space<vmem>>) semaphore(%arg19 : memref<!tpu.dma_semaphore, #tpu.memory_space<semaphore_mem>>)
      %add3A_1502 = arith.constant 2 : i32
      %add3A_1503 = arith.addi %add3A_1322, %add3A_1502 : i32
      %dma_wait3A_1504 = arith.constant 0 : i32
      %dma_wait3A_1505 = tpu.memref_slice %arg5[%add3A_1503, %dma_wait3A_1504] : memref<64x100xi32, #tpu.memory_space<vmem>> -> memref<1x100xi32, #tpu.memory_space<vmem>>
      %dma_wait3A_1506 = tpu.memref_squeeze %dma_wait3A_1505 : memref<1x100xi32, #tpu.memory_space<vmem>> -> memref<100xi32, #tpu.memory_space<vmem>>
      %dma_wait3A_1507 = arith.constant 0 : i32
      %dma_wait3A_1508 = arith.constant 0 : i32
      %dma_wait3A_1509 = tpu.memref_slice %arg2[%dma_wait3A_1507, %dma_wait3A_1508] : memref<100000x128xf32, #tpu.memory_space<hbm>> -> memref<100000x128xf32, #tpu.memory_space<hbm>>
      tpu.wait_indirect_dma semaphore(%arg16 : memref<!tpu.dma_semaphore, #tpu.memory_space<semaphore_mem>>) src(%dma_wait3A_1509 : memref<100000x128xf32, #tpu.memory_space<hbm>>) dst(%arg8 : memref<100x128xf32, #tpu.memory_space<vmem>>)
      %mul3A_1510 = arith.constant 2 : i32
      %mul3A_1511 = arith.muli %add3A_1503, %mul3A_1510 : i32
      %add3A_1512 = arith.addi %mul3A_2, %mul3A_1511 : i32
      %dma_start3A_1513 = arith.constant 0 : i32
      %dma_start3A_1514 = arith.constant 0 : i32
      %dma_start3A_1515 = tpu.memref_slice %arg8[%dma_start3A_1513, %dma_start3A_1514] : memref<100x128xf32, #tpu.memory_space<vmem>> -> memref<50x128xf32, #tpu.memory_space<vmem>>
      %dma_start3A_1516 = arith.constant 0 : i32
      %dma_start3A_1517 = arith.constant 0 : i32
      %dma_start3A_1518 = tpu.memref_slice %arg4[%add3A_1512, %dma_start3A_1516, %dma_start3A_1517] : memref<4096x50x128xf32, #tpu.memory_space<hbm>> -> memref<1x50x128xf32, #tpu.memory_space<hbm>>
      %dma_start3A_1519 = tpu.memref_squeeze %dma_start3A_1518 : memref<1x50x128xf32, #tpu.memory_space<hbm>> -> memref<50x128xf32, #tpu.memory_space<hbm>>
      %dma_start3A_1520 = arith.constant 0 : i32
      %dma_start3A_1521 = arith.constant 0 : i32
      %dma_start3A_1522 = tpu.memref_slice %arg4[%add3A_1512, %dma_start3A_1520, %dma_start3A_1521] : memref<4096x50x128xf32, #tpu.memory_space<hbm>> -> memref<1x50x128xf32, #tpu.memory_space<hbm>>
      %dma_start3A_1523 = tpu.memref_squeeze %dma_start3A_1522 : memref<1x50x128xf32, #tpu.memory_space<hbm>> -> memref<50x128xf32, #tpu.memory_space<hbm>>
      %dma_start3A_1524 = arith.constant 0 : i32
      %dma_start3A_1525 = arith.constant 0 : i32
      %dma_start3A_1526 = tpu.memref_slice %arg8[%dma_start3A_1524, %dma_start3A_1525] : memref<100x128xf32, #tpu.memory_space<vmem>> -> memref<50x128xf32, #tpu.memory_space<vmem>>
      tpu.enqueue_dma source(%dma_start3A_1526 : memref<50x128xf32, #tpu.memory_space<vmem>>) target(%dma_start3A_1523 : memref<50x128xf32, #tpu.memory_space<hbm>>) target_semaphore(%arg24 : memref<!tpu.dma_semaphore, #tpu.memory_space<semaphore_mem>>)
      %mul3A_1527 = arith.constant 2 : i32
      %mul3A_1528 = arith.muli %add3A_1503, %mul3A_1527 : i32
      %add3A_1529 = arith.addi %mul3A_2, %mul3A_1528 : i32
      %add3A_1530 = arith.constant 1 : i32
      %add3A_1531 = arith.addi %add3A_1529, %add3A_1530 : i32
      %dma_start3A_1532 = arith.constant 50 : i32
      %dma_start3A_1533 = arith.constant 0 : i32
      %dma_start3A_1534 = tpu.memref_slice %arg8[%dma_start3A_1532, %dma_start3A_1533] : memref<100x128xf32, #tpu.memory_space<vmem>> -> memref<50x128xf32, #tpu.memory_space<vmem>>
      %dma_start3A_1535 = arith.constant 0 : i32
      %dma_start3A_1536 = arith.constant 0 : i32
      %dma_start3A_1537 = tpu.memref_slice %arg4[%add3A_1531, %dma_start3A_1535, %dma_start3A_1536] : memref<4096x50x128xf32, #tpu.memory_space<hbm>> -> memref<1x50x128xf32, #tpu.memory_space<hbm>>
      %dma_start3A_1538 = tpu.memref_squeeze %dma_start3A_1537 : memref<1x50x128xf32, #tpu.memory_space<hbm>> -> memref<50x128xf32, #tpu.memory_space<hbm>>
      %dma_start3A_1539 = arith.constant 0 : i32
      %dma_start3A_1540 = arith.constant 0 : i32
      %dma_start3A_1541 = tpu.memref_slice %arg4[%add3A_1531, %dma_start3A_1539, %dma_start3A_1540] : memref<4096x50x128xf32, #tpu.memory_space<hbm>> -> memref<1x50x128xf32, #tpu.memory_space<hbm>>
      %dma_start3A_1542 = tpu.memref_squeeze %dma_start3A_1541 : memref<1x50x128xf32, #tpu.memory_space<hbm>> -> memref<50x128xf32, #tpu.memory_space<hbm>>
      %dma_start3A_1543 = arith.constant 50 : i32
      %dma_start3A_1544 = arith.constant 0 : i32
      %dma_start3A_1545 = tpu.memref_slice %arg8[%dma_start3A_1543, %dma_start3A_1544] : memref<100x128xf32, #tpu.memory_space<vmem>> -> memref<50x128xf32, #tpu.memory_space<vmem>>
      tpu.enqueue_dma source(%dma_start3A_1545 : memref<50x128xf32, #tpu.memory_space<vmem>>) target(%dma_start3A_1542 : memref<50x128xf32, #tpu.memory_space<hbm>>) target_semaphore(%arg32 : memref<!tpu.dma_semaphore, #tpu.memory_space<semaphore_mem>>)
      %sub3A_1546 = arith.constant 4 : i32
      %sub3A_1547 = arith.subi %add3A_1503, %sub3A_1546 : i32
      %mul3A_1548 = arith.constant 2 : i32
      %mul3A_1549 = arith.muli %sub3A_1547, %mul3A_1548 : i32
      %add3A_1550 = arith.addi %mul3A_2, %mul3A_1549 : i32
      %dma_wait3A_1551 = arith.constant 0 : i32
      %dma_wait3A_1552 = arith.constant 0 : i32
      %dma_wait3A_1553 = tpu.memref_slice %arg12[%dma_wait3A_1551, %dma_wait3A_1552] : memref<100x128xf32, #tpu.memory_space<vmem>> -> memref<50x128xf32, #tpu.memory_space<vmem>>
      %dma_wait3A_1554 = arith.constant 0 : i32
      %dma_wait3A_1555 = arith.constant 0 : i32
      %dma_wait3A_1556 = tpu.memref_slice %arg4[%add3A_1550, %dma_wait3A_1554, %dma_wait3A_1555] : memref<4096x50x128xf32, #tpu.memory_space<hbm>> -> memref<1x50x128xf32, #tpu.memory_space<hbm>>
      %dma_wait3A_1557 = tpu.memref_squeeze %dma_wait3A_1556 : memref<1x50x128xf32, #tpu.memory_space<hbm>> -> memref<50x128xf32, #tpu.memory_space<hbm>>
      %dma_wait3A_1558 = arith.constant 0 : i32
      %dma_wait3A_1559 = arith.constant 0 : i32
      %dma_wait3A_1560 = tpu.memref_slice %arg4[%add3A_1550, %dma_wait3A_1558, %dma_wait3A_1559] : memref<4096x50x128xf32, #tpu.memory_space<hbm>> -> memref<1x50x128xf32, #tpu.memory_space<hbm>>
      %dma_wait3A_1561 = tpu.memref_squeeze %dma_wait3A_1560 : memref<1x50x128xf32, #tpu.memory_space<hbm>> -> memref<50x128xf32, #tpu.memory_space<hbm>>
      %dma_wait3A_1562 = arith.constant 0 : i32
      %dma_wait3A_1563 = arith.constant 0 : i32
      %dma_wait3A_1564 = tpu.memref_slice %arg12[%dma_wait3A_1562, %dma_wait3A_1563] : memref<100x128xf32, #tpu.memory_space<vmem>> -> memref<50x128xf32, #tpu.memory_space<vmem>>
      tpu.wait_dma2 semaphore(%arg28 : memref<!tpu.dma_semaphore, #tpu.memory_space<semaphore_mem>>) src(%dma_wait3A_1564 : memref<50x128xf32, #tpu.memory_space<vmem>>) dst(%dma_wait3A_1561 : memref<50x128xf32, #tpu.memory_space<hbm>>)
      %mul3A_1565 = arith.constant 2 : i32
      %mul3A_1566 = arith.muli %sub3A_1547, %mul3A_1565 : i32
      %add3A_1567 = arith.addi %mul3A_2, %mul3A_1566 : i32
      %add3A_1568 = arith.constant 1 : i32
      %add3A_1569 = arith.addi %add3A_1567, %add3A_1568 : i32
      %dma_wait3A_1570 = arith.constant 50 : i32
      %dma_wait3A_1571 = arith.constant 0 : i32
      %dma_wait3A_1572 = tpu.memref_slice %arg12[%dma_wait3A_1570, %dma_wait3A_1571] : memref<100x128xf32, #tpu.memory_space<vmem>> -> memref<50x128xf32, #tpu.memory_space<vmem>>
      %dma_wait3A_1573 = arith.constant 0 : i32
      %dma_wait3A_1574 = arith.constant 0 : i32
      %dma_wait3A_1575 = tpu.memref_slice %arg4[%add3A_1569, %dma_wait3A_1573, %dma_wait3A_1574] : memref<4096x50x128xf32, #tpu.memory_space<hbm>> -> memref<1x50x128xf32, #tpu.memory_space<hbm>>
      %dma_wait3A_1576 = tpu.memref_squeeze %dma_wait3A_1575 : memref<1x50x128xf32, #tpu.memory_space<hbm>> -> memref<50x128xf32, #tpu.memory_space<hbm>>
      %dma_wait3A_1577 = arith.constant 0 : i32
      %dma_wait3A_1578 = arith.constant 0 : i32
      %dma_wait3A_1579 = tpu.memref_slice %arg4[%add3A_1569, %dma_wait3A_1577, %dma_wait3A_1578] : memref<4096x50x128xf32, #tpu.memory_space<hbm>> -> memref<1x50x128xf32, #tpu.memory_space<hbm>>
      %dma_wait3A_1580 = tpu.memref_squeeze %dma_wait3A_1579 : memref<1x50x128xf32, #tpu.memory_space<hbm>> -> memref<50x128xf32, #tpu.memory_space<hbm>>
      %dma_wait3A_1581 = arith.constant 50 : i32
      %dma_wait3A_1582 = arith.constant 0 : i32
      %dma_wait3A_1583 = tpu.memref_slice %arg12[%dma_wait3A_1581, %dma_wait3A_1582] : memref<100x128xf32, #tpu.memory_space<vmem>> -> memref<50x128xf32, #tpu.memory_space<vmem>>
      tpu.wait_dma2 semaphore(%arg36 : memref<!tpu.dma_semaphore, #tpu.memory_space<semaphore_mem>>) src(%dma_wait3A_1583 : memref<50x128xf32, #tpu.memory_space<vmem>>) dst(%dma_wait3A_1580 : memref<50x128xf32, #tpu.memory_space<hbm>>)
      %add3A_1584 = arith.constant 4 : i32
      %add3A_1585 = arith.addi %add3A_1503, %add3A_1584 : i32
      %dma_start3A_1586 = arith.constant 0 : i32
      %dma_start3A_1587 = tpu.memref_slice %arg5[%add3A_1585, %dma_start3A_1586] : memref<64x100xi32, #tpu.memory_space<vmem>> -> memref<1x100xi32, #tpu.memory_space<vmem>>
      %dma_start3A_1588 = tpu.memref_squeeze %dma_start3A_1587 : memref<1x100xi32, #tpu.memory_space<vmem>> -> memref<100xi32, #tpu.memory_space<vmem>>
      %dma_start3A_1589 = arith.constant 0 : i32
      %dma_start3A_1590 = arith.constant 0 : i32
      %dma_start3A_1591 = tpu.memref_slice %arg2[%dma_start3A_1589, %dma_start3A_1590] : memref<100000x128xf32, #tpu.memory_space<hbm>> -> memref<100000x128xf32, #tpu.memory_space<hbm>>
      tpu.enqueue_indirect_dma source(%dma_start3A_1591 : memref<100000x128xf32, #tpu.memory_space<hbm>>) target(%arg12 : memref<100x128xf32, #tpu.memory_space<vmem>>) offsets(%dma_start3A_1588 : memref<100xi32, #tpu.memory_space<vmem>>) semaphore(%arg20 : memref<!tpu.dma_semaphore, #tpu.memory_space<semaphore_mem>>)
      %add3A_1592 = arith.constant 3 : i32
      %add3A_1593 = arith.addi %add3A_1322, %add3A_1592 : i32
      %dma_wait3A_1594 = arith.constant 0 : i32
      %dma_wait3A_1595 = tpu.memref_slice %arg5[%add3A_1593, %dma_wait3A_1594] : memref<64x100xi32, #tpu.memory_space<vmem>> -> memref<1x100xi32, #tpu.memory_space<vmem>>
      %dma_wait3A_1596 = tpu.memref_squeeze %dma_wait3A_1595 : memref<1x100xi32, #tpu.memory_space<vmem>> -> memref<100xi32, #tpu.memory_space<vmem>>
      %dma_wait3A_1597 = arith.constant 0 : i32
      %dma_wait3A_1598 = arith.constant 0 : i32
      %dma_wait3A_1599 = tpu.memref_slice %arg2[%dma_wait3A_1597, %dma_wait3A_1598] : memref<100000x128xf32, #tpu.memory_space<hbm>> -> memref<100000x128xf32, #tpu.memory_space<hbm>>
      tpu.wait_indirect_dma semaphore(%arg17 : memref<!tpu.dma_semaphore, #tpu.memory_space<semaphore_mem>>) src(%dma_wait3A_1599 : memref<100000x128xf32, #tpu.memory_space<hbm>>) dst(%arg9 : memref<100x128xf32, #tpu.memory_space<vmem>>)
      %mul3A_1600 = arith.constant 2 : i32
      %mul3A_1601 = arith.muli %add3A_1593, %mul3A_1600 : i32
      %add3A_1602 = arith.addi %mul3A_2, %mul3A_1601 : i32
      %dma_start3A_1603 = arith.constant 0 : i32
      %dma_start3A_1604 = arith.constant 0 : i32
      %dma_start3A_1605 = tpu.memref_slice %arg9[%dma_start3A_1603, %dma_start3A_1604] : memref<100x128xf32, #tpu.memory_space<vmem>> -> memref<50x128xf32, #tpu.memory_space<vmem>>
      %dma_start3A_1606 = arith.constant 0 : i32
      %dma_start3A_1607 = arith.constant 0 : i32
      %dma_start3A_1608 = tpu.memref_slice %arg4[%add3A_1602, %dma_start3A_1606, %dma_start3A_1607] : memref<4096x50x128xf32, #tpu.memory_space<hbm>> -> memref<1x50x128xf32, #tpu.memory_space<hbm>>
      %dma_start3A_1609 = tpu.memref_squeeze %dma_start3A_1608 : memref<1x50x128xf32, #tpu.memory_space<hbm>> -> memref<50x128xf32, #tpu.memory_space<hbm>>
      %dma_start3A_1610 = arith.constant 0 : i32
      %dma_start3A_1611 = arith.constant 0 : i32
      %dma_start3A_1612 = tpu.memref_slice %arg4[%add3A_1602, %dma_start3A_1610, %dma_start3A_1611] : memref<4096x50x128xf32, #tpu.memory_space<hbm>> -> memref<1x50x128xf32, #tpu.memory_space<hbm>>
      %dma_start3A_1613 = tpu.memref_squeeze %dma_start3A_1612 : memref<1x50x128xf32, #tpu.memory_space<hbm>> -> memref<50x128xf32, #tpu.memory_space<hbm>>
      %dma_start3A_1614 = arith.constant 0 : i32
      %dma_start3A_1615 = arith.constant 0 : i32
      %dma_start3A_1616 = tpu.memref_slice %arg9[%dma_start3A_1614, %dma_start3A_1615] : memref<100x128xf32, #tpu.memory_space<vmem>> -> memref<50x128xf32, #tpu.memory_space<vmem>>
      tpu.enqueue_dma source(%dma_start3A_1616 : memref<50x128xf32, #tpu.memory_space<vmem>>) target(%dma_start3A_1613 : memref<50x128xf32, #tpu.memory_space<hbm>>) target_semaphore(%arg25 : memref<!tpu.dma_semaphore, #tpu.memory_space<semaphore_mem>>)
      %mul3A_1617 = arith.constant 2 : i32
      %mul3A_1618 = arith.muli %add3A_1593, %mul3A_1617 : i32
      %add3A_1619 = arith.addi %mul3A_2, %mul3A_1618 : i32
      %add3A_1620 = arith.constant 1 : i32
      %add3A_1621 = arith.addi %add3A_1619, %add3A_1620 : i32
      %dma_start3A_1622 = arith.constant 50 : i32
      %dma_start3A_1623 = arith.constant 0 : i32
      %dma_start3A_1624 = tpu.memref_slice %arg9[%dma_start3A_1622, %dma_start3A_1623] : memref<100x128xf32, #tpu.memory_space<vmem>> -> memref<50x128xf32, #tpu.memory_space<vmem>>
      %dma_start3A_1625 = arith.constant 0 : i32
      %dma_start3A_1626 = arith.constant 0 : i32
      %dma_start3A_1627 = tpu.memref_slice %arg4[%add3A_1621, %dma_start3A_1625, %dma_start3A_1626] : memref<4096x50x128xf32, #tpu.memory_space<hbm>> -> memref<1x50x128xf32, #tpu.memory_space<hbm>>
      %dma_start3A_1628 = tpu.memref_squeeze %dma_start3A_1627 : memref<1x50x128xf32, #tpu.memory_space<hbm>> -> memref<50x128xf32, #tpu.memory_space<hbm>>
      %dma_start3A_1629 = arith.constant 0 : i32
      %dma_start3A_1630 = arith.constant 0 : i32
      %dma_start3A_1631 = tpu.memref_slice %arg4[%add3A_1621, %dma_start3A_1629, %dma_start3A_1630] : memref<4096x50x128xf32, #tpu.memory_space<hbm>> -> memref<1x50x128xf32, #tpu.memory_space<hbm>>
      %dma_start3A_1632 = tpu.memref_squeeze %dma_start3A_1631 : memref<1x50x128xf32, #tpu.memory_space<hbm>> -> memref<50x128xf32, #tpu.memory_space<hbm>>
      %dma_start3A_1633 = arith.constant 50 : i32
      %dma_start3A_1634 = arith.constant 0 : i32
      %dma_start3A_1635 = tpu.memref_slice %arg9[%dma_start3A_1633, %dma_start3A_1634] : memref<100x128xf32, #tpu.memory_space<vmem>> -> memref<50x128xf32, #tpu.memory_space<vmem>>
      tpu.enqueue_dma source(%dma_start3A_1635 : memref<50x128xf32, #tpu.memory_space<vmem>>) target(%dma_start3A_1632 : memref<50x128xf32, #tpu.memory_space<hbm>>) target_semaphore(%arg33 : memref<!tpu.dma_semaphore, #tpu.memory_space<semaphore_mem>>)
      %sub3A_1636 = arith.constant 4 : i32
      %sub3A_1637 = arith.subi %add3A_1593, %sub3A_1636 : i32
      %mul3A_1638 = arith.constant 2 : i32
      %mul3A_1639 = arith.muli %sub3A_1637, %mul3A_1638 : i32
      %add3A_1640 = arith.addi %mul3A_2, %mul3A_1639 : i32
      %dma_wait3A_1641 = arith.constant 0 : i32
      %dma_wait3A_1642 = arith.constant 0 : i32
      %dma_wait3A_1643 = tpu.memref_slice %arg13[%dma_wait3A_1641, %dma_wait3A_1642] : memref<100x128xf32, #tpu.memory_space<vmem>> -> memref<50x128xf32, #tpu.memory_space<vmem>>
      %dma_wait3A_1644 = arith.constant 0 : i32
      %dma_wait3A_1645 = arith.constant 0 : i32
      %dma_wait3A_1646 = tpu.memref_slice %arg4[%add3A_1640, %dma_wait3A_1644, %dma_wait3A_1645] : memref<4096x50x128xf32, #tpu.memory_space<hbm>> -> memref<1x50x128xf32, #tpu.memory_space<hbm>>
      %dma_wait3A_1647 = tpu.memref_squeeze %dma_wait3A_1646 : memref<1x50x128xf32, #tpu.memory_space<hbm>> -> memref<50x128xf32, #tpu.memory_space<hbm>>
      %dma_wait3A_1648 = arith.constant 0 : i32
      %dma_wait3A_1649 = arith.constant 0 : i32
      %dma_wait3A_1650 = tpu.memref_slice %arg4[%add3A_1640, %dma_wait3A_1648, %dma_wait3A_1649] : memref<4096x50x128xf32, #tpu.memory_space<hbm>> -> memref<1x50x128xf32, #tpu.memory_space<hbm>>
      %dma_wait3A_1651 = tpu.memref_squeeze %dma_wait3A_1650 : memref<1x50x128xf32, #tpu.memory_space<hbm>> -> memref<50x128xf32, #tpu.memory_space<hbm>>
      %dma_wait3A_1652 = arith.constant 0 : i32
      %dma_wait3A_1653 = arith.constant 0 : i32
      %dma_wait3A_1654 = tpu.memref_slice %arg13[%dma_wait3A_1652, %dma_wait3A_1653] : memref<100x128xf32, #tpu.memory_space<vmem>> -> memref<50x128xf32, #tpu.memory_space<vmem>>
      tpu.wait_dma2 semaphore(%arg29 : memref<!tpu.dma_semaphore, #tpu.memory_space<semaphore_mem>>) src(%dma_wait3A_1654 : memref<50x128xf32, #tpu.memory_space<vmem>>) dst(%dma_wait3A_1651 : memref<50x128xf32, #tpu.memory_space<hbm>>)
      %mul3A_1655 = arith.constant 2 : i32
      %mul3A_1656 = arith.muli %sub3A_1637, %mul3A_1655 : i32
      %add3A_1657 = arith.addi %mul3A_2, %mul3A_1656 : i32
      %add3A_1658 = arith.constant 1 : i32
      %add3A_1659 = arith.addi %add3A_1657, %add3A_1658 : i32
      %dma_wait3A_1660 = arith.constant 50 : i32
      %dma_wait3A_1661 = arith.constant 0 : i32
      %dma_wait3A_1662 = tpu.memref_slice %arg13[%dma_wait3A_1660, %dma_wait3A_1661] : memref<100x128xf32, #tpu.memory_space<vmem>> -> memref<50x128xf32, #tpu.memory_space<vmem>>
      %dma_wait3A_1663 = arith.constant 0 : i32
      %dma_wait3A_1664 = arith.constant 0 : i32
      %dma_wait3A_1665 = tpu.memref_slice %arg4[%add3A_1659, %dma_wait3A_1663, %dma_wait3A_1664] : memref<4096x50x128xf32, #tpu.memory_space<hbm>> -> memref<1x50x128xf32, #tpu.memory_space<hbm>>
      %dma_wait3A_1666 = tpu.memref_squeeze %dma_wait3A_1665 : memref<1x50x128xf32, #tpu.memory_space<hbm>> -> memref<50x128xf32, #tpu.memory_space<hbm>>
      %dma_wait3A_1667 = arith.constant 0 : i32
      %dma_wait3A_1668 = arith.constant 0 : i32
      %dma_wait3A_1669 = tpu.memref_slice %arg4[%add3A_1659, %dma_wait3A_1667, %dma_wait3A_1668] : memref<4096x50x128xf32, #tpu.memory_space<hbm>> -> memref<1x50x128xf32, #tpu.memory_space<hbm>>
      %dma_wait3A_1670 = tpu.memref_squeeze %dma_wait3A_1669 : memref<1x50x128xf32, #tpu.memory_space<hbm>> -> memref<50x128xf32, #tpu.memory_space<hbm>>
      %dma_wait3A_1671 = arith.constant 50 : i32
      %dma_wait3A_1672 = arith.constant 0 : i32
      %dma_wait3A_1673 = tpu.memref_slice %arg13[%dma_wait3A_1671, %dma_wait3A_1672] : memref<100x128xf32, #tpu.memory_space<vmem>> -> memref<50x128xf32, #tpu.memory_space<vmem>>
      tpu.wait_dma2 semaphore(%arg37 : memref<!tpu.dma_semaphore, #tpu.memory_space<semaphore_mem>>) src(%dma_wait3A_1673 : memref<50x128xf32, #tpu.memory_space<vmem>>) dst(%dma_wait3A_1670 : memref<50x128xf32, #tpu.memory_space<hbm>>)
      %add3A_1674 = arith.constant 4 : i32
      %add3A_1675 = arith.addi %add3A_1593, %add3A_1674 : i32
      %dma_start3A_1676 = arith.constant 0 : i32
      %dma_start3A_1677 = tpu.memref_slice %arg5[%add3A_1675, %dma_start3A_1676] : memref<64x100xi32, #tpu.memory_space<vmem>> -> memref<1x100xi32, #tpu.memory_space<vmem>>
      %dma_start3A_1678 = tpu.memref_squeeze %dma_start3A_1677 : memref<1x100xi32, #tpu.memory_space<vmem>> -> memref<100xi32, #tpu.memory_space<vmem>>
      %dma_start3A_1679 = arith.constant 0 : i32
      %dma_start3A_1680 = arith.constant 0 : i32
      %dma_start3A_1681 = tpu.memref_slice %arg2[%dma_start3A_1679, %dma_start3A_1680] : memref<100000x128xf32, #tpu.memory_space<hbm>> -> memref<100000x128xf32, #tpu.memory_space<hbm>>
      tpu.enqueue_indirect_dma source(%dma_start3A_1681 : memref<100000x128xf32, #tpu.memory_space<hbm>>) target(%arg13 : memref<100x128xf32, #tpu.memory_space<vmem>>) offsets(%dma_start3A_1678 : memref<100xi32, #tpu.memory_space<vmem>>) semaphore(%arg21 : memref<!tpu.dma_semaphore, #tpu.memory_space<semaphore_mem>>)
      %add3A_1682 = arith.constant 4 : i32
      %add3A_1683 = arith.addi %add3A_1322, %add3A_1682 : i32
      %dma_wait3A_1684 = arith.constant 0 : i32
      %dma_wait3A_1685 = tpu.memref_slice %arg5[%add3A_1683, %dma_wait3A_1684] : memref<64x100xi32, #tpu.memory_space<vmem>> -> memref<1x100xi32, #tpu.memory_space<vmem>>
      %dma_wait3A_1686 = tpu.memref_squeeze %dma_wait3A_1685 : memref<1x100xi32, #tpu.memory_space<vmem>> -> memref<100xi32, #tpu.memory_space<vmem>>
      %dma_wait3A_1687 = arith.constant 0 : i32
      %dma_wait3A_1688 = arith.constant 0 : i32
      %dma_wait3A_1689 = tpu.memref_slice %arg2[%dma_wait3A_1687, %dma_wait3A_1688] : memref<100000x128xf32, #tpu.memory_space<hbm>> -> memref<100000x128xf32, #tpu.memory_space<hbm>>
      tpu.wait_indirect_dma semaphore(%arg18 : memref<!tpu.dma_semaphore, #tpu.memory_space<semaphore_mem>>) src(%dma_wait3A_1689 : memref<100000x128xf32, #tpu.memory_space<hbm>>) dst(%arg10 : memref<100x128xf32, #tpu.memory_space<vmem>>)
      %mul3A_1690 = arith.constant 2 : i32
      %mul3A_1691 = arith.muli %add3A_1683, %mul3A_1690 : i32
      %add3A_1692 = arith.addi %mul3A_2, %mul3A_1691 : i32
      %dma_start3A_1693 = arith.constant 0 : i32
      %dma_start3A_1694 = arith.constant 0 : i32
      %dma_start3A_1695 = tpu.memref_slice %arg10[%dma_start3A_1693, %dma_start3A_1694] : memref<100x128xf32, #tpu.memory_space<vmem>> -> memref<50x128xf32, #tpu.memory_space<vmem>>
      %dma_start3A_1696 = arith.constant 0 : i32
      %dma_start3A_1697 = arith.constant 0 : i32
      %dma_start3A_1698 = tpu.memref_slice %arg4[%add3A_1692, %dma_start3A_1696, %dma_start3A_1697] : memref<4096x50x128xf32, #tpu.memory_space<hbm>> -> memref<1x50x128xf32, #tpu.memory_space<hbm>>
      %dma_start3A_1699 = tpu.memref_squeeze %dma_start3A_1698 : memref<1x50x128xf32, #tpu.memory_space<hbm>> -> memref<50x128xf32, #tpu.memory_space<hbm>>
      %dma_start3A_1700 = arith.constant 0 : i32
      %dma_start3A_1701 = arith.constant 0 : i32
      %dma_start3A_1702 = tpu.memref_slice %arg4[%add3A_1692, %dma_start3A_1700, %dma_start3A_1701] : memref<4096x50x128xf32, #tpu.memory_space<hbm>> -> memref<1x50x128xf32, #tpu.memory_space<hbm>>
      %dma_start3A_1703 = tpu.memref_squeeze %dma_start3A_1702 : memref<1x50x128xf32, #tpu.memory_space<hbm>> -> memref<50x128xf32, #tpu.memory_space<hbm>>
      %dma_start3A_1704 = arith.constant 0 : i32
      %dma_start3A_1705 = arith.constant 0 : i32
      %dma_start3A_1706 = tpu.memref_slice %arg10[%dma_start3A_1704, %dma_start3A_1705] : memref<100x128xf32, #tpu.memory_space<vmem>> -> memref<50x128xf32, #tpu.memory_space<vmem>>
      tpu.enqueue_dma source(%dma_start3A_1706 : memref<50x128xf32, #tpu.memory_space<vmem>>) target(%dma_start3A_1703 : memref<50x128xf32, #tpu.memory_space<hbm>>) target_semaphore(%arg26 : memref<!tpu.dma_semaphore, #tpu.memory_space<semaphore_mem>>)
      %mul3A_1707 = arith.constant 2 : i32
      %mul3A_1708 = arith.muli %add3A_1683, %mul3A_1707 : i32
      %add3A_1709 = arith.addi %mul3A_2, %mul3A_1708 : i32
      %add3A_1710 = arith.constant 1 : i32
      %add3A_1711 = arith.addi %add3A_1709, %add3A_1710 : i32
      %dma_start3A_1712 = arith.constant 50 : i32
      %dma_start3A_1713 = arith.constant 0 : i32
      %dma_start3A_1714 = tpu.memref_slice %arg10[%dma_start3A_1712, %dma_start3A_1713] : memref<100x128xf32, #tpu.memory_space<vmem>> -> memref<50x128xf32, #tpu.memory_space<vmem>>
      %dma_start3A_1715 = arith.constant 0 : i32
      %dma_start3A_1716 = arith.constant 0 : i32
      %dma_start3A_1717 = tpu.memref_slice %arg4[%add3A_1711, %dma_start3A_1715, %dma_start3A_1716] : memref<4096x50x128xf32, #tpu.memory_space<hbm>> -> memref<1x50x128xf32, #tpu.memory_space<hbm>>
      %dma_start3A_1718 = tpu.memref_squeeze %dma_start3A_1717 : memref<1x50x128xf32, #tpu.memory_space<hbm>> -> memref<50x128xf32, #tpu.memory_space<hbm>>
      %dma_start3A_1719 = arith.constant 0 : i32
      %dma_start3A_1720 = arith.constant 0 : i32
      %dma_start3A_1721 = tpu.memref_slice %arg4[%add3A_1711, %dma_start3A_1719, %dma_start3A_1720] : memref<4096x50x128xf32, #tpu.memory_space<hbm>> -> memref<1x50x128xf32, #tpu.memory_space<hbm>>
      %dma_start3A_1722 = tpu.memref_squeeze %dma_start3A_1721 : memref<1x50x128xf32, #tpu.memory_space<hbm>> -> memref<50x128xf32, #tpu.memory_space<hbm>>
      %dma_start3A_1723 = arith.constant 50 : i32
      %dma_start3A_1724 = arith.constant 0 : i32
      %dma_start3A_1725 = tpu.memref_slice %arg10[%dma_start3A_1723, %dma_start3A_1724] : memref<100x128xf32, #tpu.memory_space<vmem>> -> memref<50x128xf32, #tpu.memory_space<vmem>>
      tpu.enqueue_dma source(%dma_start3A_1725 : memref<50x128xf32, #tpu.memory_space<vmem>>) target(%dma_start3A_1722 : memref<50x128xf32, #tpu.memory_space<hbm>>) target_semaphore(%arg34 : memref<!tpu.dma_semaphore, #tpu.memory_space<semaphore_mem>>)
      %sub3A_1726 = arith.constant 4 : i32
      %sub3A_1727 = arith.subi %add3A_1683, %sub3A_1726 : i32
      %mul3A_1728 = arith.constant 2 : i32
      %mul3A_1729 = arith.muli %sub3A_1727, %mul3A_1728 : i32
      %add3A_1730 = arith.addi %mul3A_2, %mul3A_1729 : i32
      %dma_wait3A_1731 = arith.constant 0 : i32
      %dma_wait3A_1732 = arith.constant 0 : i32
      %dma_wait3A_1733 = tpu.memref_slice %arg6[%dma_wait3A_1731, %dma_wait3A_1732] : memref<100x128xf32, #tpu.memory_space<vmem>> -> memref<50x128xf32, #tpu.memory_space<vmem>>
      %dma_wait3A_1734 = arith.constant 0 : i32
      %dma_wait3A_1735 = arith.constant 0 : i32
      %dma_wait3A_1736 = tpu.memref_slice %arg4[%add3A_1730, %dma_wait3A_1734, %dma_wait3A_1735] : memref<4096x50x128xf32, #tpu.memory_space<hbm>> -> memref<1x50x128xf32, #tpu.memory_space<hbm>>
      %dma_wait3A_1737 = tpu.memref_squeeze %dma_wait3A_1736 : memref<1x50x128xf32, #tpu.memory_space<hbm>> -> memref<50x128xf32, #tpu.memory_space<hbm>>
      %dma_wait3A_1738 = arith.constant 0 : i32
      %dma_wait3A_1739 = arith.constant 0 : i32
      %dma_wait3A_1740 = tpu.memref_slice %arg4[%add3A_1730, %dma_wait3A_1738, %dma_wait3A_1739] : memref<4096x50x128xf32, #tpu.memory_space<hbm>> -> memref<1x50x128xf32, #tpu.memory_space<hbm>>
      %dma_wait3A_1741 = tpu.memref_squeeze %dma_wait3A_1740 : memref<1x50x128xf32, #tpu.memory_space<hbm>> -> memref<50x128xf32, #tpu.memory_space<hbm>>
      %dma_wait3A_1742 = arith.constant 0 : i32
      %dma_wait3A_1743 = arith.constant 0 : i32
      %dma_wait3A_1744 = tpu.memref_slice %arg6[%dma_wait3A_1742, %dma_wait3A_1743] : memref<100x128xf32, #tpu.memory_space<vmem>> -> memref<50x128xf32, #tpu.memory_space<vmem>>
      tpu.wait_dma2 semaphore(%arg22 : memref<!tpu.dma_semaphore, #tpu.memory_space<semaphore_mem>>) src(%dma_wait3A_1744 : memref<50x128xf32, #tpu.memory_space<vmem>>) dst(%dma_wait3A_1741 : memref<50x128xf32, #tpu.memory_space<hbm>>)
      %mul3A_1745 = arith.constant 2 : i32
      %mul3A_1746 = arith.muli %sub3A_1727, %mul3A_1745 : i32
      %add3A_1747 = arith.addi %mul3A_2, %mul3A_1746 : i32
      %add3A_1748 = arith.constant 1 : i32
      %add3A_1749 = arith.addi %add3A_1747, %add3A_1748 : i32
      %dma_wait3A_1750 = arith.constant 50 : i32
      %dma_wait3A_1751 = arith.constant 0 : i32
      %dma_wait3A_1752 = tpu.memref_slice %arg6[%dma_wait3A_1750, %dma_wait3A_1751] : memref<100x128xf32, #tpu.memory_space<vmem>> -> memref<50x128xf32, #tpu.memory_space<vmem>>
      %dma_wait3A_1753 = arith.constant 0 : i32
      %dma_wait3A_1754 = arith.constant 0 : i32
      %dma_wait3A_1755 = tpu.memref_slice %arg4[%add3A_1749, %dma_wait3A_1753, %dma_wait3A_1754] : memref<4096x50x128xf32, #tpu.memory_space<hbm>> -> memref<1x50x128xf32, #tpu.memory_space<hbm>>
      %dma_wait3A_1756 = tpu.memref_squeeze %dma_wait3A_1755 : memref<1x50x128xf32, #tpu.memory_space<hbm>> -> memref<50x128xf32, #tpu.memory_space<hbm>>
      %dma_wait3A_1757 = arith.constant 0 : i32
      %dma_wait3A_1758 = arith.constant 0 : i32
      %dma_wait3A_1759 = tpu.memref_slice %arg4[%add3A_1749, %dma_wait3A_1757, %dma_wait3A_1758] : memref<4096x50x128xf32, #tpu.memory_space<hbm>> -> memref<1x50x128xf32, #tpu.memory_space<hbm>>
      %dma_wait3A_1760 = tpu.memref_squeeze %dma_wait3A_1759 : memref<1x50x128xf32, #tpu.memory_space<hbm>> -> memref<50x128xf32, #tpu.memory_space<hbm>>
      %dma_wait3A_1761 = arith.constant 50 : i32
      %dma_wait3A_1762 = arith.constant 0 : i32
      %dma_wait3A_1763 = tpu.memref_slice %arg6[%dma_wait3A_1761, %dma_wait3A_1762] : memref<100x128xf32, #tpu.memory_space<vmem>> -> memref<50x128xf32, #tpu.memory_space<vmem>>
      tpu.wait_dma2 semaphore(%arg30 : memref<!tpu.dma_semaphore, #tpu.memory_space<semaphore_mem>>) src(%dma_wait3A_1763 : memref<50x128xf32, #tpu.memory_space<vmem>>) dst(%dma_wait3A_1760 : memref<50x128xf32, #tpu.memory_space<hbm>>)
      %add3A_1764 = arith.constant 4 : i32
      %add3A_1765 = arith.addi %add3A_1683, %add3A_1764 : i32
      %dma_start3A_1766 = arith.constant 0 : i32
      %dma_start3A_1767 = tpu.memref_slice %arg5[%add3A_1765, %dma_start3A_1766] : memref<64x100xi32, #tpu.memory_space<vmem>> -> memref<1x100xi32, #tpu.memory_space<vmem>>
      %dma_start3A_1768 = tpu.memref_squeeze %dma_start3A_1767 : memref<1x100xi32, #tpu.memory_space<vmem>> -> memref<100xi32, #tpu.memory_space<vmem>>
      %dma_start3A_1769 = arith.constant 0 : i32
      %dma_start3A_1770 = arith.constant 0 : i32
      %dma_start3A_1771 = tpu.memref_slice %arg2[%dma_start3A_1769, %dma_start3A_1770] : memref<100000x128xf32, #tpu.memory_space<hbm>> -> memref<100000x128xf32, #tpu.memory_space<hbm>>
      tpu.enqueue_indirect_dma source(%dma_start3A_1771 : memref<100000x128xf32, #tpu.memory_space<hbm>>) target(%arg6 : memref<100x128xf32, #tpu.memory_space<vmem>>) offsets(%dma_start3A_1768 : memref<100xi32, #tpu.memory_space<vmem>>) semaphore(%arg14 : memref<!tpu.dma_semaphore, #tpu.memory_space<semaphore_mem>>)
      %add3A_1772 = arith.constant 5 : i32
      %add3A_1773 = arith.addi %add3A_1322, %add3A_1772 : i32
      %dma_wait3A_1774 = arith.constant 0 : i32
      %dma_wait3A_1775 = tpu.memref_slice %arg5[%add3A_1773, %dma_wait3A_1774] : memref<64x100xi32, #tpu.memory_space<vmem>> -> memref<1x100xi32, #tpu.memory_space<vmem>>
      %dma_wait3A_1776 = tpu.memref_squeeze %dma_wait3A_1775 : memref<1x100xi32, #tpu.memory_space<vmem>> -> memref<100xi32, #tpu.memory_space<vmem>>
      %dma_wait3A_1777 = arith.constant 0 : i32
      %dma_wait3A_1778 = arith.constant 0 : i32
      %dma_wait3A_1779 = tpu.memref_slice %arg2[%dma_wait3A_1777, %dma_wait3A_1778] : memref<100000x128xf32, #tpu.memory_space<hbm>> -> memref<100000x128xf32, #tpu.memory_space<hbm>>
      tpu.wait_indirect_dma semaphore(%arg19 : memref<!tpu.dma_semaphore, #tpu.memory_space<semaphore_mem>>) src(%dma_wait3A_1779 : memref<100000x128xf32, #tpu.memory_space<hbm>>) dst(%arg11 : memref<100x128xf32, #tpu.memory_space<vmem>>)
      %mul3A_1780 = arith.constant 2 : i32
      %mul3A_1781 = arith.muli %add3A_1773, %mul3A_1780 : i32
      %add3A_1782 = arith.addi %mul3A_2, %mul3A_1781 : i32
      %dma_start3A_1783 = arith.constant 0 : i32
      %dma_start3A_1784 = arith.constant 0 : i32
      %dma_start3A_1785 = tpu.memref_slice %arg11[%dma_start3A_1783, %dma_start3A_1784] : memref<100x128xf32, #tpu.memory_space<vmem>> -> memref<50x128xf32, #tpu.memory_space<vmem>>
      %dma_start3A_1786 = arith.constant 0 : i32
      %dma_start3A_1787 = arith.constant 0 : i32
      %dma_start3A_1788 = tpu.memref_slice %arg4[%add3A_1782, %dma_start3A_1786, %dma_start3A_1787] : memref<4096x50x128xf32, #tpu.memory_space<hbm>> -> memref<1x50x128xf32, #tpu.memory_space<hbm>>
      %dma_start3A_1789 = tpu.memref_squeeze %dma_start3A_1788 : memref<1x50x128xf32, #tpu.memory_space<hbm>> -> memref<50x128xf32, #tpu.memory_space<hbm>>
      %dma_start3A_1790 = arith.constant 0 : i32
      %dma_start3A_1791 = arith.constant 0 : i32
      %dma_start3A_1792 = tpu.memref_slice %arg4[%add3A_1782, %dma_start3A_1790, %dma_start3A_1791] : memref<4096x50x128xf32, #tpu.memory_space<hbm>> -> memref<1x50x128xf32, #tpu.memory_space<hbm>>
      %dma_start3A_1793 = tpu.memref_squeeze %dma_start3A_1792 : memref<1x50x128xf32, #tpu.memory_space<hbm>> -> memref<50x128xf32, #tpu.memory_space<hbm>>
      %dma_start3A_1794 = arith.constant 0 : i32
      %dma_start3A_1795 = arith.constant 0 : i32
      %dma_start3A_1796 = tpu.memref_slice %arg11[%dma_start3A_1794, %dma_start3A_1795] : memref<100x128xf32, #tpu.memory_space<vmem>> -> memref<50x128xf32, #tpu.memory_space<vmem>>
      tpu.enqueue_dma source(%dma_start3A_1796 : memref<50x128xf32, #tpu.memory_space<vmem>>) target(%dma_start3A_1793 : memref<50x128xf32, #tpu.memory_space<hbm>>) target_semaphore(%arg27 : memref<!tpu.dma_semaphore, #tpu.memory_space<semaphore_mem>>)
      %mul3A_1797 = arith.constant 2 : i32
      %mul3A_1798 = arith.muli %add3A_1773, %mul3A_1797 : i32
      %add3A_1799 = arith.addi %mul3A_2, %mul3A_1798 : i32
      %add3A_1800 = arith.constant 1 : i32
      %add3A_1801 = arith.addi %add3A_1799, %add3A_1800 : i32
      %dma_start3A_1802 = arith.constant 50 : i32
      %dma_start3A_1803 = arith.constant 0 : i32
      %dma_start3A_1804 = tpu.memref_slice %arg11[%dma_start3A_1802, %dma_start3A_1803] : memref<100x128xf32, #tpu.memory_space<vmem>> -> memref<50x128xf32, #tpu.memory_space<vmem>>
      %dma_start3A_1805 = arith.constant 0 : i32
      %dma_start3A_1806 = arith.constant 0 : i32
      %dma_start3A_1807 = tpu.memref_slice %arg4[%add3A_1801, %dma_start3A_1805, %dma_start3A_1806] : memref<4096x50x128xf32, #tpu.memory_space<hbm>> -> memref<1x50x128xf32, #tpu.memory_space<hbm>>
      %dma_start3A_1808 = tpu.memref_squeeze %dma_start3A_1807 : memref<1x50x128xf32, #tpu.memory_space<hbm>> -> memref<50x128xf32, #tpu.memory_space<hbm>>
      %dma_start3A_1809 = arith.constant 0 : i32
      %dma_start3A_1810 = arith.constant 0 : i32
      %dma_start3A_1811 = tpu.memref_slice %arg4[%add3A_1801, %dma_start3A_1809, %dma_start3A_1810] : memref<4096x50x128xf32, #tpu.memory_space<hbm>> -> memref<1x50x128xf32, #tpu.memory_space<hbm>>
      %dma_start3A_1812 = tpu.memref_squeeze %dma_start3A_1811 : memref<1x50x128xf32, #tpu.memory_space<hbm>> -> memref<50x128xf32, #tpu.memory_space<hbm>>
      %dma_start3A_1813 = arith.constant 50 : i32
      %dma_start3A_1814 = arith.constant 0 : i32
      %dma_start3A_1815 = tpu.memref_slice %arg11[%dma_start3A_1813, %dma_start3A_1814] : memref<100x128xf32, #tpu.memory_space<vmem>> -> memref<50x128xf32, #tpu.memory_space<vmem>>
      tpu.enqueue_dma source(%dma_start3A_1815 : memref<50x128xf32, #tpu.memory_space<vmem>>) target(%dma_start3A_1812 : memref<50x128xf32, #tpu.memory_space<hbm>>) target_semaphore(%arg35 : memref<!tpu.dma_semaphore, #tpu.memory_space<semaphore_mem>>)
      %sub3A_1816 = arith.constant 4 : i32
      %sub3A_1817 = arith.subi %add3A_1773, %sub3A_1816 : i32
      %mul3A_1818 = arith.constant 2 : i32
      %mul3A_1819 = arith.muli %sub3A_1817, %mul3A_1818 : i32
      %add3A_1820 = arith.addi %mul3A_2, %mul3A_1819 : i32
      %dma_wait3A_1821 = arith.constant 0 : i32
      %dma_wait3A_1822 = arith.constant 0 : i32
      %dma_wait3A_1823 = tpu.memref_slice %arg7[%dma_wait3A_1821, %dma_wait3A_1822] : memref<100x128xf32, #tpu.memory_space<vmem>> -> memref<50x128xf32, #tpu.memory_space<vmem>>
      %dma_wait3A_1824 = arith.constant 0 : i32
      %dma_wait3A_1825 = arith.constant 0 : i32
      %dma_wait3A_1826 = tpu.memref_slice %arg4[%add3A_1820, %dma_wait3A_1824, %dma_wait3A_1825] : memref<4096x50x128xf32, #tpu.memory_space<hbm>> -> memref<1x50x128xf32, #tpu.memory_space<hbm>>
      %dma_wait3A_1827 = tpu.memref_squeeze %dma_wait3A_1826 : memref<1x50x128xf32, #tpu.memory_space<hbm>> -> memref<50x128xf32, #tpu.memory_space<hbm>>
      %dma_wait3A_1828 = arith.constant 0 : i32
      %dma_wait3A_1829 = arith.constant 0 : i32
      %dma_wait3A_1830 = tpu.memref_slice %arg4[%add3A_1820, %dma_wait3A_1828, %dma_wait3A_1829] : memref<4096x50x128xf32, #tpu.memory_space<hbm>> -> memref<1x50x128xf32, #tpu.memory_space<hbm>>
      %dma_wait3A_1831 = tpu.memref_squeeze %dma_wait3A_1830 : memref<1x50x128xf32, #tpu.memory_space<hbm>> -> memref<50x128xf32, #tpu.memory_space<hbm>>
      %dma_wait3A_1832 = arith.constant 0 : i32
      %dma_wait3A_1833 = arith.constant 0 : i32
      %dma_wait3A_1834 = tpu.memref_slice %arg7[%dma_wait3A_1832, %dma_wait3A_1833] : memref<100x128xf32, #tpu.memory_space<vmem>> -> memref<50x128xf32, #tpu.memory_space<vmem>>
      tpu.wait_dma2 semaphore(%arg23 : memref<!tpu.dma_semaphore, #tpu.memory_space<semaphore_mem>>) src(%dma_wait3A_1834 : memref<50x128xf32, #tpu.memory_space<vmem>>) dst(%dma_wait3A_1831 : memref<50x128xf32, #tpu.memory_space<hbm>>)
      %mul3A_1835 = arith.constant 2 : i32
      %mul3A_1836 = arith.muli %sub3A_1817, %mul3A_1835 : i32
      %add3A_1837 = arith.addi %mul3A_2, %mul3A_1836 : i32
      %add3A_1838 = arith.constant 1 : i32
      %add3A_1839 = arith.addi %add3A_1837, %add3A_1838 : i32
      %dma_wait3A_1840 = arith.constant 50 : i32
      %dma_wait3A_1841 = arith.constant 0 : i32
      %dma_wait3A_1842 = tpu.memref_slice %arg7[%dma_wait3A_1840, %dma_wait3A_1841] : memref<100x128xf32, #tpu.memory_space<vmem>> -> memref<50x128xf32, #tpu.memory_space<vmem>>
      %dma_wait3A_1843 = arith.constant 0 : i32
      %dma_wait3A_1844 = arith.constant 0 : i32
      %dma_wait3A_1845 = tpu.memref_slice %arg4[%add3A_1839, %dma_wait3A_1843, %dma_wait3A_1844] : memref<4096x50x128xf32, #tpu.memory_space<hbm>> -> memref<1x50x128xf32, #tpu.memory_space<hbm>>
      %dma_wait3A_1846 = tpu.memref_squeeze %dma_wait3A_1845 : memref<1x50x128xf32, #tpu.memory_space<hbm>> -> memref<50x128xf32, #tpu.memory_space<hbm>>
      %dma_wait3A_1847 = arith.constant 0 : i32
      %dma_wait3A_1848 = arith.constant 0 : i32
      %dma_wait3A_1849 = tpu.memref_slice %arg4[%add3A_1839, %dma_wait3A_1847, %dma_wait3A_1848] : memref<4096x50x128xf32, #tpu.memory_space<hbm>> -> memref<1x50x128xf32, #tpu.memory_space<hbm>>
      %dma_wait3A_1850 = tpu.memref_squeeze %dma_wait3A_1849 : memref<1x50x128xf32, #tpu.memory_space<hbm>> -> memref<50x128xf32, #tpu.memory_space<hbm>>
      %dma_wait3A_1851 = arith.constant 50 : i32
      %dma_wait3A_1852 = arith.constant 0 : i32
      %dma_wait3A_1853 = tpu.memref_slice %arg7[%dma_wait3A_1851, %dma_wait3A_1852] : memref<100x128xf32, #tpu.memory_space<vmem>> -> memref<50x128xf32, #tpu.memory_space<vmem>>
      tpu.wait_dma2 semaphore(%arg31 : memref<!tpu.dma_semaphore, #tpu.memory_space<semaphore_mem>>) src(%dma_wait3A_1853 : memref<50x128xf32, #tpu.memory_space<vmem>>) dst(%dma_wait3A_1850 : memref<50x128xf32, #tpu.memory_space<hbm>>)
      %add3A_1854 = arith.constant 4 : i32
      %add3A_1855 = arith.addi %add3A_1773, %add3A_1854 : i32
      %dma_start3A_1856 = arith.constant 0 : i32
      %dma_start3A_1857 = tpu.memref_slice %arg5[%add3A_1855, %dma_start3A_1856] : memref<64x100xi32, #tpu.memory_space<vmem>> -> memref<1x100xi32, #tpu.memory_space<vmem>>
      %dma_start3A_1858 = tpu.memref_squeeze %dma_start3A_1857 : memref<1x100xi32, #tpu.memory_space<vmem>> -> memref<100xi32, #tpu.memory_space<vmem>>
      %dma_start3A_1859 = arith.constant 0 : i32
      %dma_start3A_1860 = arith.constant 0 : i32
      %dma_start3A_1861 = tpu.memref_slice %arg2[%dma_start3A_1859, %dma_start3A_1860] : memref<100000x128xf32, #tpu.memory_space<hbm>> -> memref<100000x128xf32, #tpu.memory_space<hbm>>
      tpu.enqueue_indirect_dma source(%dma_start3A_1861 : memref<100000x128xf32, #tpu.memory_space<hbm>>) target(%arg7 : memref<100x128xf32, #tpu.memory_space<vmem>>) offsets(%dma_start3A_1858 : memref<100xi32, #tpu.memory_space<vmem>>) semaphore(%arg15 : memref<!tpu.dma_semaphore, #tpu.memory_space<semaphore_mem>>)
      %add3A_1862 = arith.constant 6 : i32
      %add3A_1863 = arith.addi %add3A_1322, %add3A_1862 : i32
      %dma_wait3A_1864 = arith.constant 0 : i32
      %dma_wait3A_1865 = tpu.memref_slice %arg5[%add3A_1863, %dma_wait3A_1864] : memref<64x100xi32, #tpu.memory_space<vmem>> -> memref<1x100xi32, #tpu.memory_space<vmem>>
      %dma_wait3A_1866 = tpu.memref_squeeze %dma_wait3A_1865 : memref<1x100xi32, #tpu.memory_space<vmem>> -> memref<100xi32, #tpu.memory_space<vmem>>
      %dma_wait3A_1867 = arith.constant 0 : i32
      %dma_wait3A_1868 = arith.constant 0 : i32
      %dma_wait3A_1869 = tpu.memref_slice %arg2[%dma_wait3A_1867, %dma_wait3A_1868] : memref<100000x128xf32, #tpu.memory_space<hbm>> -> memref<100000x128xf32, #tpu.memory_space<hbm>>
      tpu.wait_indirect_dma semaphore(%arg20 : memref<!tpu.dma_semaphore, #tpu.memory_space<semaphore_mem>>) src(%dma_wait3A_1869 : memref<100000x128xf32, #tpu.memory_space<hbm>>) dst(%arg12 : memref<100x128xf32, #tpu.memory_space<vmem>>)
      %mul3A_1870 = arith.constant 2 : i32
      %mul3A_1871 = arith.muli %add3A_1863, %mul3A_1870 : i32
      %add3A_1872 = arith.addi %mul3A_2, %mul3A_1871 : i32
      %dma_start3A_1873 = arith.constant 0 : i32
      %dma_start3A_1874 = arith.constant 0 : i32
      %dma_start3A_1875 = tpu.memref_slice %arg12[%dma_start3A_1873, %dma_start3A_1874] : memref<100x128xf32, #tpu.memory_space<vmem>> -> memref<50x128xf32, #tpu.memory_space<vmem>>
      %dma_start3A_1876 = arith.constant 0 : i32
      %dma_start3A_1877 = arith.constant 0 : i32
      %dma_start3A_1878 = tpu.memref_slice %arg4[%add3A_1872, %dma_start3A_1876, %dma_start3A_1877] : memref<4096x50x128xf32, #tpu.memory_space<hbm>> -> memref<1x50x128xf32, #tpu.memory_space<hbm>>
      %dma_start3A_1879 = tpu.memref_squeeze %dma_start3A_1878 : memref<1x50x128xf32, #tpu.memory_space<hbm>> -> memref<50x128xf32, #tpu.memory_space<hbm>>
      %dma_start3A_1880 = arith.constant 0 : i32
      %dma_start3A_1881 = arith.constant 0 : i32
      %dma_start3A_1882 = tpu.memref_slice %arg4[%add3A_1872, %dma_start3A_1880, %dma_start3A_1881] : memref<4096x50x128xf32, #tpu.memory_space<hbm>> -> memref<1x50x128xf32, #tpu.memory_space<hbm>>
      %dma_start3A_1883 = tpu.memref_squeeze %dma_start3A_1882 : memref<1x50x128xf32, #tpu.memory_space<hbm>> -> memref<50x128xf32, #tpu.memory_space<hbm>>
      %dma_start3A_1884 = arith.constant 0 : i32
      %dma_start3A_1885 = arith.constant 0 : i32
      %dma_start3A_1886 = tpu.memref_slice %arg12[%dma_start3A_1884, %dma_start3A_1885] : memref<100x128xf32, #tpu.memory_space<vmem>> -> memref<50x128xf32, #tpu.memory_space<vmem>>
      tpu.enqueue_dma source(%dma_start3A_1886 : memref<50x128xf32, #tpu.memory_space<vmem>>) target(%dma_start3A_1883 : memref<50x128xf32, #tpu.memory_space<hbm>>) target_semaphore(%arg28 : memref<!tpu.dma_semaphore, #tpu.memory_space<semaphore_mem>>)
      %mul3A_1887 = arith.constant 2 : i32
      %mul3A_1888 = arith.muli %add3A_1863, %mul3A_1887 : i32
      %add3A_1889 = arith.addi %mul3A_2, %mul3A_1888 : i32
      %add3A_1890 = arith.constant 1 : i32
      %add3A_1891 = arith.addi %add3A_1889, %add3A_1890 : i32
      %dma_start3A_1892 = arith.constant 50 : i32
      %dma_start3A_1893 = arith.constant 0 : i32
      %dma_start3A_1894 = tpu.memref_slice %arg12[%dma_start3A_1892, %dma_start3A_1893] : memref<100x128xf32, #tpu.memory_space<vmem>> -> memref<50x128xf32, #tpu.memory_space<vmem>>
      %dma_start3A_1895 = arith.constant 0 : i32
      %dma_start3A_1896 = arith.constant 0 : i32
      %dma_start3A_1897 = tpu.memref_slice %arg4[%add3A_1891, %dma_start3A_1895, %dma_start3A_1896] : memref<4096x50x128xf32, #tpu.memory_space<hbm>> -> memref<1x50x128xf32, #tpu.memory_space<hbm>>
      %dma_start3A_1898 = tpu.memref_squeeze %dma_start3A_1897 : memref<1x50x128xf32, #tpu.memory_space<hbm>> -> memref<50x128xf32, #tpu.memory_space<hbm>>
      %dma_start3A_1899 = arith.constant 0 : i32
      %dma_start3A_1900 = arith.constant 0 : i32
      %dma_start3A_1901 = tpu.memref_slice %arg4[%add3A_1891, %dma_start3A_1899, %dma_start3A_1900] : memref<4096x50x128xf32, #tpu.memory_space<hbm>> -> memref<1x50x128xf32, #tpu.memory_space<hbm>>
      %dma_start3A_1902 = tpu.memref_squeeze %dma_start3A_1901 : memref<1x50x128xf32, #tpu.memory_space<hbm>> -> memref<50x128xf32, #tpu.memory_space<hbm>>
      %dma_start3A_1903 = arith.constant 50 : i32
      %dma_start3A_1904 = arith.constant 0 : i32
      %dma_start3A_1905 = tpu.memref_slice %arg12[%dma_start3A_1903, %dma_start3A_1904] : memref<100x128xf32, #tpu.memory_space<vmem>> -> memref<50x128xf32, #tpu.memory_space<vmem>>
      tpu.enqueue_dma source(%dma_start3A_1905 : memref<50x128xf32, #tpu.memory_space<vmem>>) target(%dma_start3A_1902 : memref<50x128xf32, #tpu.memory_space<hbm>>) target_semaphore(%arg36 : memref<!tpu.dma_semaphore, #tpu.memory_space<semaphore_mem>>)
      %sub3A_1906 = arith.constant 4 : i32
      %sub3A_1907 = arith.subi %add3A_1863, %sub3A_1906 : i32
      %mul3A_1908 = arith.constant 2 : i32
      %mul3A_1909 = arith.muli %sub3A_1907, %mul3A_1908 : i32
      %add3A_1910 = arith.addi %mul3A_2, %mul3A_1909 : i32
      %dma_wait3A_1911 = arith.constant 0 : i32
      %dma_wait3A_1912 = arith.constant 0 : i32
      %dma_wait3A_1913 = tpu.memref_slice %arg8[%dma_wait3A_1911, %dma_wait3A_1912] : memref<100x128xf32, #tpu.memory_space<vmem>> -> memref<50x128xf32, #tpu.memory_space<vmem>>
      %dma_wait3A_1914 = arith.constant 0 : i32
      %dma_wait3A_1915 = arith.constant 0 : i32
      %dma_wait3A_1916 = tpu.memref_slice %arg4[%add3A_1910, %dma_wait3A_1914, %dma_wait3A_1915] : memref<4096x50x128xf32, #tpu.memory_space<hbm>> -> memref<1x50x128xf32, #tpu.memory_space<hbm>>
      %dma_wait3A_1917 = tpu.memref_squeeze %dma_wait3A_1916 : memref<1x50x128xf32, #tpu.memory_space<hbm>> -> memref<50x128xf32, #tpu.memory_space<hbm>>
      %dma_wait3A_1918 = arith.constant 0 : i32
      %dma_wait3A_1919 = arith.constant 0 : i32
      %dma_wait3A_1920 = tpu.memref_slice %arg4[%add3A_1910, %dma_wait3A_1918, %dma_wait3A_1919] : memref<4096x50x128xf32, #tpu.memory_space<hbm>> -> memref<1x50x128xf32, #tpu.memory_space<hbm>>
      %dma_wait3A_1921 = tpu.memref_squeeze %dma_wait3A_1920 : memref<1x50x128xf32, #tpu.memory_space<hbm>> -> memref<50x128xf32, #tpu.memory_space<hbm>>
      %dma_wait3A_1922 = arith.constant 0 : i32
      %dma_wait3A_1923 = arith.constant 0 : i32
      %dma_wait3A_1924 = tpu.memref_slice %arg8[%dma_wait3A_1922, %dma_wait3A_1923] : memref<100x128xf32, #tpu.memory_space<vmem>> -> memref<50x128xf32, #tpu.memory_space<vmem>>
      tpu.wait_dma2 semaphore(%arg24 : memref<!tpu.dma_semaphore, #tpu.memory_space<semaphore_mem>>) src(%dma_wait3A_1924 : memref<50x128xf32, #tpu.memory_space<vmem>>) dst(%dma_wait3A_1921 : memref<50x128xf32, #tpu.memory_space<hbm>>)
      %mul3A_1925 = arith.constant 2 : i32
      %mul3A_1926 = arith.muli %sub3A_1907, %mul3A_1925 : i32
      %add3A_1927 = arith.addi %mul3A_2, %mul3A_1926 : i32
      %add3A_1928 = arith.constant 1 : i32
      %add3A_1929 = arith.addi %add3A_1927, %add3A_1928 : i32
      %dma_wait3A_1930 = arith.constant 50 : i32
      %dma_wait3A_1931 = arith.constant 0 : i32
      %dma_wait3A_1932 = tpu.memref_slice %arg8[%dma_wait3A_1930, %dma_wait3A_1931] : memref<100x128xf32, #tpu.memory_space<vmem>> -> memref<50x128xf32, #tpu.memory_space<vmem>>
      %dma_wait3A_1933 = arith.constant 0 : i32
      %dma_wait3A_1934 = arith.constant 0 : i32
      %dma_wait3A_1935 = tpu.memref_slice %arg4[%add3A_1929, %dma_wait3A_1933, %dma_wait3A_1934] : memref<4096x50x128xf32, #tpu.memory_space<hbm>> -> memref<1x50x128xf32, #tpu.memory_space<hbm>>
      %dma_wait3A_1936 = tpu.memref_squeeze %dma_wait3A_1935 : memref<1x50x128xf32, #tpu.memory_space<hbm>> -> memref<50x128xf32, #tpu.memory_space<hbm>>
      %dma_wait3A_1937 = arith.constant 0 : i32
      %dma_wait3A_1938 = arith.constant 0 : i32
      %dma_wait3A_1939 = tpu.memref_slice %arg4[%add3A_1929, %dma_wait3A_1937, %dma_wait3A_1938] : memref<4096x50x128xf32, #tpu.memory_space<hbm>> -> memref<1x50x128xf32, #tpu.memory_space<hbm>>
      %dma_wait3A_1940 = tpu.memref_squeeze %dma_wait3A_1939 : memref<1x50x128xf32, #tpu.memory_space<hbm>> -> memref<50x128xf32, #tpu.memory_space<hbm>>
      %dma_wait3A_1941 = arith.constant 50 : i32
      %dma_wait3A_1942 = arith.constant 0 : i32
      %dma_wait3A_1943 = tpu.memref_slice %arg8[%dma_wait3A_1941, %dma_wait3A_1942] : memref<100x128xf32, #tpu.memory_space<vmem>> -> memref<50x128xf32, #tpu.memory_space<vmem>>
      tpu.wait_dma2 semaphore(%arg32 : memref<!tpu.dma_semaphore, #tpu.memory_space<semaphore_mem>>) src(%dma_wait3A_1943 : memref<50x128xf32, #tpu.memory_space<vmem>>) dst(%dma_wait3A_1940 : memref<50x128xf32, #tpu.memory_space<hbm>>)
      %add3A_1944 = arith.constant 4 : i32
      %add3A_1945 = arith.addi %add3A_1863, %add3A_1944 : i32
      %dma_start3A_1946 = arith.constant 0 : i32
      %dma_start3A_1947 = tpu.memref_slice %arg5[%add3A_1945, %dma_start3A_1946] : memref<64x100xi32, #tpu.memory_space<vmem>> -> memref<1x100xi32, #tpu.memory_space<vmem>>
      %dma_start3A_1948 = tpu.memref_squeeze %dma_start3A_1947 : memref<1x100xi32, #tpu.memory_space<vmem>> -> memref<100xi32, #tpu.memory_space<vmem>>
      %dma_start3A_1949 = arith.constant 0 : i32
      %dma_start3A_1950 = arith.constant 0 : i32
      %dma_start3A_1951 = tpu.memref_slice %arg2[%dma_start3A_1949, %dma_start3A_1950] : memref<100000x128xf32, #tpu.memory_space<hbm>> -> memref<100000x128xf32, #tpu.memory_space<hbm>>
      tpu.enqueue_indirect_dma source(%dma_start3A_1951 : memref<100000x128xf32, #tpu.memory_space<hbm>>) target(%arg8 : memref<100x128xf32, #tpu.memory_space<vmem>>) offsets(%dma_start3A_1948 : memref<100xi32, #tpu.memory_space<vmem>>) semaphore(%arg16 : memref<!tpu.dma_semaphore, #tpu.memory_space<semaphore_mem>>)
      %add3A_1952 = arith.constant 7 : i32
      %add3A_1953 = arith.addi %add3A_1322, %add3A_1952 : i32
      %dma_wait3A_1954 = arith.constant 0 : i32
      %dma_wait3A_1955 = tpu.memref_slice %arg5[%add3A_1953, %dma_wait3A_1954] : memref<64x100xi32, #tpu.memory_space<vmem>> -> memref<1x100xi32, #tpu.memory_space<vmem>>
      %dma_wait3A_1956 = tpu.memref_squeeze %dma_wait3A_1955 : memref<1x100xi32, #tpu.memory_space<vmem>> -> memref<100xi32, #tpu.memory_space<vmem>>
      %dma_wait3A_1957 = arith.constant 0 : i32
      %dma_wait3A_1958 = arith.constant 0 : i32
      %dma_wait3A_1959 = tpu.memref_slice %arg2[%dma_wait3A_1957, %dma_wait3A_1958] : memref<100000x128xf32, #tpu.memory_space<hbm>> -> memref<100000x128xf32, #tpu.memory_space<hbm>>
      tpu.wait_indirect_dma semaphore(%arg21 : memref<!tpu.dma_semaphore, #tpu.memory_space<semaphore_mem>>) src(%dma_wait3A_1959 : memref<100000x128xf32, #tpu.memory_space<hbm>>) dst(%arg13 : memref<100x128xf32, #tpu.memory_space<vmem>>)
      %mul3A_1960 = arith.constant 2 : i32
      %mul3A_1961 = arith.muli %add3A_1953, %mul3A_1960 : i32
      %add3A_1962 = arith.addi %mul3A_2, %mul3A_1961 : i32
      %dma_start3A_1963 = arith.constant 0 : i32
      %dma_start3A_1964 = arith.constant 0 : i32
      %dma_start3A_1965 = tpu.memref_slice %arg13[%dma_start3A_1963, %dma_start3A_1964] : memref<100x128xf32, #tpu.memory_space<vmem>> -> memref<50x128xf32, #tpu.memory_space<vmem>>
      %dma_start3A_1966 = arith.constant 0 : i32
      %dma_start3A_1967 = arith.constant 0 : i32
      %dma_start3A_1968 = tpu.memref_slice %arg4[%add3A_1962, %dma_start3A_1966, %dma_start3A_1967] : memref<4096x50x128xf32, #tpu.memory_space<hbm>> -> memref<1x50x128xf32, #tpu.memory_space<hbm>>
      %dma_start3A_1969 = tpu.memref_squeeze %dma_start3A_1968 : memref<1x50x128xf32, #tpu.memory_space<hbm>> -> memref<50x128xf32, #tpu.memory_space<hbm>>
      %dma_start3A_1970 = arith.constant 0 : i32
      %dma_start3A_1971 = arith.constant 0 : i32
      %dma_start3A_1972 = tpu.memref_slice %arg4[%add3A_1962, %dma_start3A_1970, %dma_start3A_1971] : memref<4096x50x128xf32, #tpu.memory_space<hbm>> -> memref<1x50x128xf32, #tpu.memory_space<hbm>>
      %dma_start3A_1973 = tpu.memref_squeeze %dma_start3A_1972 : memref<1x50x128xf32, #tpu.memory_space<hbm>> -> memref<50x128xf32, #tpu.memory_space<hbm>>
      %dma_start3A_1974 = arith.constant 0 : i32
      %dma_start3A_1975 = arith.constant 0 : i32
      %dma_start3A_1976 = tpu.memref_slice %arg13[%dma_start3A_1974, %dma_start3A_1975] : memref<100x128xf32, #tpu.memory_space<vmem>> -> memref<50x128xf32, #tpu.memory_space<vmem>>
      tpu.enqueue_dma source(%dma_start3A_1976 : memref<50x128xf32, #tpu.memory_space<vmem>>) target(%dma_start3A_1973 : memref<50x128xf32, #tpu.memory_space<hbm>>) target_semaphore(%arg29 : memref<!tpu.dma_semaphore, #tpu.memory_space<semaphore_mem>>)
      %mul3A_1977 = arith.constant 2 : i32
      %mul3A_1978 = arith.muli %add3A_1953, %mul3A_1977 : i32
      %add3A_1979 = arith.addi %mul3A_2, %mul3A_1978 : i32
      %add3A_1980 = arith.constant 1 : i32
      %add3A_1981 = arith.addi %add3A_1979, %add3A_1980 : i32
      %dma_start3A_1982 = arith.constant 50 : i32
      %dma_start3A_1983 = arith.constant 0 : i32
      %dma_start3A_1984 = tpu.memref_slice %arg13[%dma_start3A_1982, %dma_start3A_1983] : memref<100x128xf32, #tpu.memory_space<vmem>> -> memref<50x128xf32, #tpu.memory_space<vmem>>
      %dma_start3A_1985 = arith.constant 0 : i32
      %dma_start3A_1986 = arith.constant 0 : i32
      %dma_start3A_1987 = tpu.memref_slice %arg4[%add3A_1981, %dma_start3A_1985, %dma_start3A_1986] : memref<4096x50x128xf32, #tpu.memory_space<hbm>> -> memref<1x50x128xf32, #tpu.memory_space<hbm>>
      %dma_start3A_1988 = tpu.memref_squeeze %dma_start3A_1987 : memref<1x50x128xf32, #tpu.memory_space<hbm>> -> memref<50x128xf32, #tpu.memory_space<hbm>>
      %dma_start3A_1989 = arith.constant 0 : i32
      %dma_start3A_1990 = arith.constant 0 : i32
      %dma_start3A_1991 = tpu.memref_slice %arg4[%add3A_1981, %dma_start3A_1989, %dma_start3A_1990] : memref<4096x50x128xf32, #tpu.memory_space<hbm>> -> memref<1x50x128xf32, #tpu.memory_space<hbm>>
      %dma_start3A_1992 = tpu.memref_squeeze %dma_start3A_1991 : memref<1x50x128xf32, #tpu.memory_space<hbm>> -> memref<50x128xf32, #tpu.memory_space<hbm>>
      %dma_start3A_1993 = arith.constant 50 : i32
      %dma_start3A_1994 = arith.constant 0 : i32
      %dma_start3A_1995 = tpu.memref_slice %arg13[%dma_start3A_1993, %dma_start3A_1994] : memref<100x128xf32, #tpu.memory_space<vmem>> -> memref<50x128xf32, #tpu.memory_space<vmem>>
      tpu.enqueue_dma source(%dma_start3A_1995 : memref<50x128xf32, #tpu.memory_space<vmem>>) target(%dma_start3A_1992 : memref<50x128xf32, #tpu.memory_space<hbm>>) target_semaphore(%arg37 : memref<!tpu.dma_semaphore, #tpu.memory_space<semaphore_mem>>)
      %sub3A_1996 = arith.constant 4 : i32
      %sub3A_1997 = arith.subi %add3A_1953, %sub3A_1996 : i32
      %mul3A_1998 = arith.constant 2 : i32
      %mul3A_1999 = arith.muli %sub3A_1997, %mul3A_1998 : i32
      %add3A_2000 = arith.addi %mul3A_2, %mul3A_1999 : i32
      %dma_wait3A_2001 = arith.constant 0 : i32
      %dma_wait3A_2002 = arith.constant 0 : i32
      %dma_wait3A_2003 = tpu.memref_slice %arg9[%dma_wait3A_2001, %dma_wait3A_2002] : memref<100x128xf32, #tpu.memory_space<vmem>> -> memref<50x128xf32, #tpu.memory_space<vmem>>
      %dma_wait3A_2004 = arith.constant 0 : i32
      %dma_wait3A_2005 = arith.constant 0 : i32
      %dma_wait3A_2006 = tpu.memref_slice %arg4[%add3A_2000, %dma_wait3A_2004, %dma_wait3A_2005] : memref<4096x50x128xf32, #tpu.memory_space<hbm>> -> memref<1x50x128xf32, #tpu.memory_space<hbm>>
      %dma_wait3A_2007 = tpu.memref_squeeze %dma_wait3A_2006 : memref<1x50x128xf32, #tpu.memory_space<hbm>> -> memref<50x128xf32, #tpu.memory_space<hbm>>
      %dma_wait3A_2008 = arith.constant 0 : i32
      %dma_wait3A_2009 = arith.constant 0 : i32
      %dma_wait3A_2010 = tpu.memref_slice %arg4[%add3A_2000, %dma_wait3A_2008, %dma_wait3A_2009] : memref<4096x50x128xf32, #tpu.memory_space<hbm>> -> memref<1x50x128xf32, #tpu.memory_space<hbm>>
      %dma_wait3A_2011 = tpu.memref_squeeze %dma_wait3A_2010 : memref<1x50x128xf32, #tpu.memory_space<hbm>> -> memref<50x128xf32, #tpu.memory_space<hbm>>
      %dma_wait3A_2012 = arith.constant 0 : i32
      %dma_wait3A_2013 = arith.constant 0 : i32
      %dma_wait3A_2014 = tpu.memref_slice %arg9[%dma_wait3A_2012, %dma_wait3A_2013] : memref<100x128xf32, #tpu.memory_space<vmem>> -> memref<50x128xf32, #tpu.memory_space<vmem>>
      tpu.wait_dma2 semaphore(%arg25 : memref<!tpu.dma_semaphore, #tpu.memory_space<semaphore_mem>>) src(%dma_wait3A_2014 : memref<50x128xf32, #tpu.memory_space<vmem>>) dst(%dma_wait3A_2011 : memref<50x128xf32, #tpu.memory_space<hbm>>)
      %mul3A_2015 = arith.constant 2 : i32
      %mul3A_2016 = arith.muli %sub3A_1997, %mul3A_2015 : i32
      %add3A_2017 = arith.addi %mul3A_2, %mul3A_2016 : i32
      %add3A_2018 = arith.constant 1 : i32
      %add3A_2019 = arith.addi %add3A_2017, %add3A_2018 : i32
      %dma_wait3A_2020 = arith.constant 50 : i32
      %dma_wait3A_2021 = arith.constant 0 : i32
      %dma_wait3A_2022 = tpu.memref_slice %arg9[%dma_wait3A_2020, %dma_wait3A_2021] : memref<100x128xf32, #tpu.memory_space<vmem>> -> memref<50x128xf32, #tpu.memory_space<vmem>>
      %dma_wait3A_2023 = arith.constant 0 : i32
      %dma_wait3A_2024 = arith.constant 0 : i32
      %dma_wait3A_2025 = tpu.memref_slice %arg4[%add3A_2019, %dma_wait3A_2023, %dma_wait3A_2024] : memref<4096x50x128xf32, #tpu.memory_space<hbm>> -> memref<1x50x128xf32, #tpu.memory_space<hbm>>
      %dma_wait3A_2026 = tpu.memref_squeeze %dma_wait3A_2025 : memref<1x50x128xf32, #tpu.memory_space<hbm>> -> memref<50x128xf32, #tpu.memory_space<hbm>>
      %dma_wait3A_2027 = arith.constant 0 : i32
      %dma_wait3A_2028 = arith.constant 0 : i32
      %dma_wait3A_2029 = tpu.memref_slice %arg4[%add3A_2019, %dma_wait3A_2027, %dma_wait3A_2028] : memref<4096x50x128xf32, #tpu.memory_space<hbm>> -> memref<1x50x128xf32, #tpu.memory_space<hbm>>
      %dma_wait3A_2030 = tpu.memref_squeeze %dma_wait3A_2029 : memref<1x50x128xf32, #tpu.memory_space<hbm>> -> memref<50x128xf32, #tpu.memory_space<hbm>>
      %dma_wait3A_2031 = arith.constant 50 : i32
      %dma_wait3A_2032 = arith.constant 0 : i32
      %dma_wait3A_2033 = tpu.memref_slice %arg9[%dma_wait3A_2031, %dma_wait3A_2032] : memref<100x128xf32, #tpu.memory_space<vmem>> -> memref<50x128xf32, #tpu.memory_space<vmem>>
      tpu.wait_dma2 semaphore(%arg33 : memref<!tpu.dma_semaphore, #tpu.memory_space<semaphore_mem>>) src(%dma_wait3A_2033 : memref<50x128xf32, #tpu.memory_space<vmem>>) dst(%dma_wait3A_2030 : memref<50x128xf32, #tpu.memory_space<hbm>>)
      %add3A_2034 = arith.constant 4 : i32
      %add3A_2035 = arith.addi %add3A_1953, %add3A_2034 : i32
      %dma_start3A_2036 = arith.constant 0 : i32
      %dma_start3A_2037 = tpu.memref_slice %arg5[%add3A_2035, %dma_start3A_2036] : memref<64x100xi32, #tpu.memory_space<vmem>> -> memref<1x100xi32, #tpu.memory_space<vmem>>
      %dma_start3A_2038 = tpu.memref_squeeze %dma_start3A_2037 : memref<1x100xi32, #tpu.memory_space<vmem>> -> memref<100xi32, #tpu.memory_space<vmem>>
      %dma_start3A_2039 = arith.constant 0 : i32
      %dma_start3A_2040 = arith.constant 0 : i32
      %dma_start3A_2041 = tpu.memref_slice %arg2[%dma_start3A_2039, %dma_start3A_2040] : memref<100000x128xf32, #tpu.memory_space<hbm>> -> memref<100000x128xf32, #tpu.memory_space<hbm>>
      tpu.enqueue_indirect_dma source(%dma_start3A_2041 : memref<100000x128xf32, #tpu.memory_space<hbm>>) target(%arg9 : memref<100x128xf32, #tpu.memory_space<vmem>>) offsets(%dma_start3A_2038 : memref<100xi32, #tpu.memory_space<vmem>>) semaphore(%arg17 : memref<!tpu.dma_semaphore, #tpu.memory_space<semaphore_mem>>)
    }
    %scan3A_553 = arith.constant 6 : i32
    %dma_wait3A_554 = arith.constant 56 : i32
    %dma_wait3A_555 = arith.constant 0 : i32
    %dma_wait3A_556 = tpu.memref_slice %arg5[%dma_wait3A_554, %dma_wait3A_555] : memref<64x100xi32, #tpu.memory_space<vmem>> -> memref<1x100xi32, #tpu.memory_space<vmem>>
    %dma_wait3A_557 = tpu.memref_squeeze %dma_wait3A_556 : memref<1x100xi32, #tpu.memory_space<vmem>> -> memref<100xi32, #tpu.memory_space<vmem>>
    %dma_wait3A_558 = arith.constant 0 : i32
    %dma_wait3A_559 = arith.constant 0 : i32
    %dma_wait3A_560 = tpu.memref_slice %arg2[%dma_wait3A_558, %dma_wait3A_559] : memref<100000x128xf32, #tpu.memory_space<hbm>> -> memref<100000x128xf32, #tpu.memory_space<hbm>>
    tpu.wait_indirect_dma semaphore(%arg14 : memref<!tpu.dma_semaphore, #tpu.memory_space<semaphore_mem>>) src(%dma_wait3A_560 : memref<100000x128xf32, #tpu.memory_space<hbm>>) dst(%arg6 : memref<100x128xf32, #tpu.memory_space<vmem>>)
    %add3A_561 = arith.constant 112 : i32
    %add3A_562 = arith.addi %mul3A_2, %add3A_561 : i32
    %dma_start3A_563 = arith.constant 0 : i32
    %dma_start3A_564 = arith.constant 0 : i32
    %dma_start3A_565 = tpu.memref_slice %arg6[%dma_start3A_563, %dma_start3A_564] : memref<100x128xf32, #tpu.memory_space<vmem>> -> memref<50x128xf32, #tpu.memory_space<vmem>>
    %dma_start3A_566 = arith.constant 0 : i32
    %dma_start3A_567 = arith.constant 0 : i32
    %dma_start3A_568 = tpu.memref_slice %arg4[%add3A_562, %dma_start3A_566, %dma_start3A_567] : memref<4096x50x128xf32, #tpu.memory_space<hbm>> -> memref<1x50x128xf32, #tpu.memory_space<hbm>>
    %dma_start3A_569 = tpu.memref_squeeze %dma_start3A_568 : memref<1x50x128xf32, #tpu.memory_space<hbm>> -> memref<50x128xf32, #tpu.memory_space<hbm>>
    %dma_start3A_570 = arith.constant 0 : i32
    %dma_start3A_571 = arith.constant 0 : i32
    %dma_start3A_572 = tpu.memref_slice %arg4[%add3A_562, %dma_start3A_570, %dma_start3A_571] : memref<4096x50x128xf32, #tpu.memory_space<hbm>> -> memref<1x50x128xf32, #tpu.memory_space<hbm>>
    %dma_start3A_573 = tpu.memref_squeeze %dma_start3A_572 : memref<1x50x128xf32, #tpu.memory_space<hbm>> -> memref<50x128xf32, #tpu.memory_space<hbm>>
    %dma_start3A_574 = arith.constant 0 : i32
    %dma_start3A_575 = arith.constant 0 : i32
    %dma_start3A_576 = tpu.memref_slice %arg6[%dma_start3A_574, %dma_start3A_575] : memref<100x128xf32, #tpu.memory_space<vmem>> -> memref<50x128xf32, #tpu.memory_space<vmem>>
    tpu.enqueue_dma source(%dma_start3A_576 : memref<50x128xf32, #tpu.memory_space<vmem>>) target(%dma_start3A_573 : memref<50x128xf32, #tpu.memory_space<hbm>>) target_semaphore(%arg22 : memref<!tpu.dma_semaphore, #tpu.memory_space<semaphore_mem>>)
    %add3A_577 = arith.constant 112 : i32
    %add3A_578 = arith.addi %mul3A_2, %add3A_577 : i32
    %add3A_579 = arith.constant 1 : i32
    %add3A_580 = arith.addi %add3A_578, %add3A_579 : i32
    %dma_start3A_581 = arith.constant 50 : i32
    %dma_start3A_582 = arith.constant 0 : i32
    %dma_start3A_583 = tpu.memref_slice %arg6[%dma_start3A_581, %dma_start3A_582] : memref<100x128xf32, #tpu.memory_space<vmem>> -> memref<50x128xf32, #tpu.memory_space<vmem>>
    %dma_start3A_584 = arith.constant 0 : i32
    %dma_start3A_585 = arith.constant 0 : i32
    %dma_start3A_586 = tpu.memref_slice %arg4[%add3A_580, %dma_start3A_584, %dma_start3A_585] : memref<4096x50x128xf32, #tpu.memory_space<hbm>> -> memref<1x50x128xf32, #tpu.memory_space<hbm>>
    %dma_start3A_587 = tpu.memref_squeeze %dma_start3A_586 : memref<1x50x128xf32, #tpu.memory_space<hbm>> -> memref<50x128xf32, #tpu.memory_space<hbm>>
    %dma_start3A_588 = arith.constant 0 : i32
    %dma_start3A_589 = arith.constant 0 : i32
    %dma_start3A_590 = tpu.memref_slice %arg4[%add3A_580, %dma_start3A_588, %dma_start3A_589] : memref<4096x50x128xf32, #tpu.memory_space<hbm>> -> memref<1x50x128xf32, #tpu.memory_space<hbm>>
    %dma_start3A_591 = tpu.memref_squeeze %dma_start3A_590 : memref<1x50x128xf32, #tpu.memory_space<hbm>> -> memref<50x128xf32, #tpu.memory_space<hbm>>
    %dma_start3A_592 = arith.constant 50 : i32
    %dma_start3A_593 = arith.constant 0 : i32
    %dma_start3A_594 = tpu.memref_slice %arg6[%dma_start3A_592, %dma_start3A_593] : memref<100x128xf32, #tpu.memory_space<vmem>> -> memref<50x128xf32, #tpu.memory_space<vmem>>
    tpu.enqueue_dma source(%dma_start3A_594 : memref<50x128xf32, #tpu.memory_space<vmem>>) target(%dma_start3A_591 : memref<50x128xf32, #tpu.memory_space<hbm>>) target_semaphore(%arg30 : memref<!tpu.dma_semaphore, #tpu.memory_space<semaphore_mem>>)
    %add3A_595 = arith.constant 104 : i32
    %add3A_596 = arith.addi %mul3A_2, %add3A_595 : i32
    %dma_wait3A_597 = arith.constant 0 : i32
    %dma_wait3A_598 = arith.constant 0 : i32
    %dma_wait3A_599 = tpu.memref_slice %arg10[%dma_wait3A_597, %dma_wait3A_598] : memref<100x128xf32, #tpu.memory_space<vmem>> -> memref<50x128xf32, #tpu.memory_space<vmem>>
    %dma_wait3A_600 = arith.constant 0 : i32
    %dma_wait3A_601 = arith.constant 0 : i32
    %dma_wait3A_602 = tpu.memref_slice %arg4[%add3A_596, %dma_wait3A_600, %dma_wait3A_601] : memref<4096x50x128xf32, #tpu.memory_space<hbm>> -> memref<1x50x128xf32, #tpu.memory_space<hbm>>
    %dma_wait3A_603 = tpu.memref_squeeze %dma_wait3A_602 : memref<1x50x128xf32, #tpu.memory_space<hbm>> -> memref<50x128xf32, #tpu.memory_space<hbm>>
    %dma_wait3A_604 = arith.constant 0 : i32
    %dma_wait3A_605 = arith.constant 0 : i32
    %dma_wait3A_606 = tpu.memref_slice %arg4[%add3A_596, %dma_wait3A_604, %dma_wait3A_605] : memref<4096x50x128xf32, #tpu.memory_space<hbm>> -> memref<1x50x128xf32, #tpu.memory_space<hbm>>
    %dma_wait3A_607 = tpu.memref_squeeze %dma_wait3A_606 : memref<1x50x128xf32, #tpu.memory_space<hbm>> -> memref<50x128xf32, #tpu.memory_space<hbm>>
    %dma_wait3A_608 = arith.constant 0 : i32
    %dma_wait3A_609 = arith.constant 0 : i32
    %dma_wait3A_610 = tpu.memref_slice %arg10[%dma_wait3A_608, %dma_wait3A_609] : memref<100x128xf32, #tpu.memory_space<vmem>> -> memref<50x128xf32, #tpu.memory_space<vmem>>
    tpu.wait_dma2 semaphore(%arg26 : memref<!tpu.dma_semaphore, #tpu.memory_space<semaphore_mem>>) src(%dma_wait3A_610 : memref<50x128xf32, #tpu.memory_space<vmem>>) dst(%dma_wait3A_607 : memref<50x128xf32, #tpu.memory_space<hbm>>)
    %add3A_611 = arith.constant 104 : i32
    %add3A_612 = arith.addi %mul3A_2, %add3A_611 : i32
    %add3A_613 = arith.constant 1 : i32
    %add3A_614 = arith.addi %add3A_612, %add3A_613 : i32
    %dma_wait3A_615 = arith.constant 50 : i32
    %dma_wait3A_616 = arith.constant 0 : i32
    %dma_wait3A_617 = tpu.memref_slice %arg10[%dma_wait3A_615, %dma_wait3A_616] : memref<100x128xf32, #tpu.memory_space<vmem>> -> memref<50x128xf32, #tpu.memory_space<vmem>>
    %dma_wait3A_618 = arith.constant 0 : i32
    %dma_wait3A_619 = arith.constant 0 : i32
    %dma_wait3A_620 = tpu.memref_slice %arg4[%add3A_614, %dma_wait3A_618, %dma_wait3A_619] : memref<4096x50x128xf32, #tpu.memory_space<hbm>> -> memref<1x50x128xf32, #tpu.memory_space<hbm>>
    %dma_wait3A_621 = tpu.memref_squeeze %dma_wait3A_620 : memref<1x50x128xf32, #tpu.memory_space<hbm>> -> memref<50x128xf32, #tpu.memory_space<hbm>>
    %dma_wait3A_622 = arith.constant 0 : i32
    %dma_wait3A_623 = arith.constant 0 : i32
    %dma_wait3A_624 = tpu.memref_slice %arg4[%add3A_614, %dma_wait3A_622, %dma_wait3A_623] : memref<4096x50x128xf32, #tpu.memory_space<hbm>> -> memref<1x50x128xf32, #tpu.memory_space<hbm>>
    %dma_wait3A_625 = tpu.memref_squeeze %dma_wait3A_624 : memref<1x50x128xf32, #tpu.memory_space<hbm>> -> memref<50x128xf32, #tpu.memory_space<hbm>>
    %dma_wait3A_626 = arith.constant 50 : i32
    %dma_wait3A_627 = arith.constant 0 : i32
    %dma_wait3A_628 = tpu.memref_slice %arg10[%dma_wait3A_626, %dma_wait3A_627] : memref<100x128xf32, #tpu.memory_space<vmem>> -> memref<50x128xf32, #tpu.memory_space<vmem>>
    tpu.wait_dma2 semaphore(%arg34 : memref<!tpu.dma_semaphore, #tpu.memory_space<semaphore_mem>>) src(%dma_wait3A_628 : memref<50x128xf32, #tpu.memory_space<vmem>>) dst(%dma_wait3A_625 : memref<50x128xf32, #tpu.memory_space<hbm>>)
    %dma_start3A_629 = arith.constant 60 : i32
    %dma_start3A_630 = arith.constant 0 : i32
    %dma_start3A_631 = tpu.memref_slice %arg5[%dma_start3A_629, %dma_start3A_630] : memref<64x100xi32, #tpu.memory_space<vmem>> -> memref<1x100xi32, #tpu.memory_space<vmem>>
    %dma_start3A_632 = tpu.memref_squeeze %dma_start3A_631 : memref<1x100xi32, #tpu.memory_space<vmem>> -> memref<100xi32, #tpu.memory_space<vmem>>
    %dma_start3A_633 = arith.constant 0 : i32
    %dma_start3A_634 = arith.constant 0 : i32
    %dma_start3A_635 = tpu.memref_slice %arg2[%dma_start3A_633, %dma_start3A_634] : memref<100000x128xf32, #tpu.memory_space<hbm>> -> memref<100000x128xf32, #tpu.memory_space<hbm>>
    tpu.enqueue_indirect_dma source(%dma_start3A_635 : memref<100000x128xf32, #tpu.memory_space<hbm>>) target(%arg10 : memref<100x128xf32, #tpu.memory_space<vmem>>) offsets(%dma_start3A_632 : memref<100xi32, #tpu.memory_space<vmem>>) semaphore(%arg18 : memref<!tpu.dma_semaphore, #tpu.memory_space<semaphore_mem>>)
    %dma_wait3A_636 = arith.constant 57 : i32
    %dma_wait3A_637 = arith.constant 0 : i32
    %dma_wait3A_638 = tpu.memref_slice %arg5[%dma_wait3A_636, %dma_wait3A_637] : memref<64x100xi32, #tpu.memory_space<vmem>> -> memref<1x100xi32, #tpu.memory_space<vmem>>
    %dma_wait3A_639 = tpu.memref_squeeze %dma_wait3A_638 : memref<1x100xi32, #tpu.memory_space<vmem>> -> memref<100xi32, #tpu.memory_space<vmem>>
    %dma_wait3A_640 = arith.constant 0 : i32
    %dma_wait3A_641 = arith.constant 0 : i32
    %dma_wait3A_642 = tpu.memref_slice %arg2[%dma_wait3A_640, %dma_wait3A_641] : memref<100000x128xf32, #tpu.memory_space<hbm>> -> memref<100000x128xf32, #tpu.memory_space<hbm>>
    tpu.wait_indirect_dma semaphore(%arg15 : memref<!tpu.dma_semaphore, #tpu.memory_space<semaphore_mem>>) src(%dma_wait3A_642 : memref<100000x128xf32, #tpu.memory_space<hbm>>) dst(%arg7 : memref<100x128xf32, #tpu.memory_space<vmem>>)
    %add3A_643 = arith.constant 114 : i32
    %add3A_644 = arith.addi %mul3A_2, %add3A_643 : i32
    %dma_start3A_645 = arith.constant 0 : i32
    %dma_start3A_646 = arith.constant 0 : i32
    %dma_start3A_647 = tpu.memref_slice %arg7[%dma_start3A_645, %dma_start3A_646] : memref<100x128xf32, #tpu.memory_space<vmem>> -> memref<50x128xf32, #tpu.memory_space<vmem>>
    %dma_start3A_648 = arith.constant 0 : i32
    %dma_start3A_649 = arith.constant 0 : i32
    %dma_start3A_650 = tpu.memref_slice %arg4[%add3A_644, %dma_start3A_648, %dma_start3A_649] : memref<4096x50x128xf32, #tpu.memory_space<hbm>> -> memref<1x50x128xf32, #tpu.memory_space<hbm>>
    %dma_start3A_651 = tpu.memref_squeeze %dma_start3A_650 : memref<1x50x128xf32, #tpu.memory_space<hbm>> -> memref<50x128xf32, #tpu.memory_space<hbm>>
    %dma_start3A_652 = arith.constant 0 : i32
    %dma_start3A_653 = arith.constant 0 : i32
    %dma_start3A_654 = tpu.memref_slice %arg4[%add3A_644, %dma_start3A_652, %dma_start3A_653] : memref<4096x50x128xf32, #tpu.memory_space<hbm>> -> memref<1x50x128xf32, #tpu.memory_space<hbm>>
    %dma_start3A_655 = tpu.memref_squeeze %dma_start3A_654 : memref<1x50x128xf32, #tpu.memory_space<hbm>> -> memref<50x128xf32, #tpu.memory_space<hbm>>
    %dma_start3A_656 = arith.constant 0 : i32
    %dma_start3A_657 = arith.constant 0 : i32
    %dma_start3A_658 = tpu.memref_slice %arg7[%dma_start3A_656, %dma_start3A_657] : memref<100x128xf32, #tpu.memory_space<vmem>> -> memref<50x128xf32, #tpu.memory_space<vmem>>
    tpu.enqueue_dma source(%dma_start3A_658 : memref<50x128xf32, #tpu.memory_space<vmem>>) target(%dma_start3A_655 : memref<50x128xf32, #tpu.memory_space<hbm>>) target_semaphore(%arg23 : memref<!tpu.dma_semaphore, #tpu.memory_space<semaphore_mem>>)
    %add3A_659 = arith.constant 114 : i32
    %add3A_660 = arith.addi %mul3A_2, %add3A_659 : i32
    %add3A_661 = arith.constant 1 : i32
    %add3A_662 = arith.addi %add3A_660, %add3A_661 : i32
    %dma_start3A_663 = arith.constant 50 : i32
    %dma_start3A_664 = arith.constant 0 : i32
    %dma_start3A_665 = tpu.memref_slice %arg7[%dma_start3A_663, %dma_start3A_664] : memref<100x128xf32, #tpu.memory_space<vmem>> -> memref<50x128xf32, #tpu.memory_space<vmem>>
    %dma_start3A_666 = arith.constant 0 : i32
    %dma_start3A_667 = arith.constant 0 : i32
    %dma_start3A_668 = tpu.memref_slice %arg4[%add3A_662, %dma_start3A_666, %dma_start3A_667] : memref<4096x50x128xf32, #tpu.memory_space<hbm>> -> memref<1x50x128xf32, #tpu.memory_space<hbm>>
    %dma_start3A_669 = tpu.memref_squeeze %dma_start3A_668 : memref<1x50x128xf32, #tpu.memory_space<hbm>> -> memref<50x128xf32, #tpu.memory_space<hbm>>
    %dma_start3A_670 = arith.constant 0 : i32
    %dma_start3A_671 = arith.constant 0 : i32
    %dma_start3A_672 = tpu.memref_slice %arg4[%add3A_662, %dma_start3A_670, %dma_start3A_671] : memref<4096x50x128xf32, #tpu.memory_space<hbm>> -> memref<1x50x128xf32, #tpu.memory_space<hbm>>
    %dma_start3A_673 = tpu.memref_squeeze %dma_start3A_672 : memref<1x50x128xf32, #tpu.memory_space<hbm>> -> memref<50x128xf32, #tpu.memory_space<hbm>>
    %dma_start3A_674 = arith.constant 50 : i32
    %dma_start3A_675 = arith.constant 0 : i32
    %dma_start3A_676 = tpu.memref_slice %arg7[%dma_start3A_674, %dma_start3A_675] : memref<100x128xf32, #tpu.memory_space<vmem>> -> memref<50x128xf32, #tpu.memory_space<vmem>>
    tpu.enqueue_dma source(%dma_start3A_676 : memref<50x128xf32, #tpu.memory_space<vmem>>) target(%dma_start3A_673 : memref<50x128xf32, #tpu.memory_space<hbm>>) target_semaphore(%arg31 : memref<!tpu.dma_semaphore, #tpu.memory_space<semaphore_mem>>)
    %add3A_677 = arith.constant 106 : i32
    %add3A_678 = arith.addi %mul3A_2, %add3A_677 : i32
    %dma_wait3A_679 = arith.constant 0 : i32
    %dma_wait3A_680 = arith.constant 0 : i32
    %dma_wait3A_681 = tpu.memref_slice %arg11[%dma_wait3A_679, %dma_wait3A_680] : memref<100x128xf32, #tpu.memory_space<vmem>> -> memref<50x128xf32, #tpu.memory_space<vmem>>
    %dma_wait3A_682 = arith.constant 0 : i32
    %dma_wait3A_683 = arith.constant 0 : i32
    %dma_wait3A_684 = tpu.memref_slice %arg4[%add3A_678, %dma_wait3A_682, %dma_wait3A_683] : memref<4096x50x128xf32, #tpu.memory_space<hbm>> -> memref<1x50x128xf32, #tpu.memory_space<hbm>>
    %dma_wait3A_685 = tpu.memref_squeeze %dma_wait3A_684 : memref<1x50x128xf32, #tpu.memory_space<hbm>> -> memref<50x128xf32, #tpu.memory_space<hbm>>
    %dma_wait3A_686 = arith.constant 0 : i32
    %dma_wait3A_687 = arith.constant 0 : i32
    %dma_wait3A_688 = tpu.memref_slice %arg4[%add3A_678, %dma_wait3A_686, %dma_wait3A_687] : memref<4096x50x128xf32, #tpu.memory_space<hbm>> -> memref<1x50x128xf32, #tpu.memory_space<hbm>>
    %dma_wait3A_689 = tpu.memref_squeeze %dma_wait3A_688 : memref<1x50x128xf32, #tpu.memory_space<hbm>> -> memref<50x128xf32, #tpu.memory_space<hbm>>
    %dma_wait3A_690 = arith.constant 0 : i32
    %dma_wait3A_691 = arith.constant 0 : i32
    %dma_wait3A_692 = tpu.memref_slice %arg11[%dma_wait3A_690, %dma_wait3A_691] : memref<100x128xf32, #tpu.memory_space<vmem>> -> memref<50x128xf32, #tpu.memory_space<vmem>>
    tpu.wait_dma2 semaphore(%arg27 : memref<!tpu.dma_semaphore, #tpu.memory_space<semaphore_mem>>) src(%dma_wait3A_692 : memref<50x128xf32, #tpu.memory_space<vmem>>) dst(%dma_wait3A_689 : memref<50x128xf32, #tpu.memory_space<hbm>>)
    %add3A_693 = arith.constant 106 : i32
    %add3A_694 = arith.addi %mul3A_2, %add3A_693 : i32
    %add3A_695 = arith.constant 1 : i32
    %add3A_696 = arith.addi %add3A_694, %add3A_695 : i32
    %dma_wait3A_697 = arith.constant 50 : i32
    %dma_wait3A_698 = arith.constant 0 : i32
    %dma_wait3A_699 = tpu.memref_slice %arg11[%dma_wait3A_697, %dma_wait3A_698] : memref<100x128xf32, #tpu.memory_space<vmem>> -> memref<50x128xf32, #tpu.memory_space<vmem>>
    %dma_wait3A_700 = arith.constant 0 : i32
    %dma_wait3A_701 = arith.constant 0 : i32
    %dma_wait3A_702 = tpu.memref_slice %arg4[%add3A_696, %dma_wait3A_700, %dma_wait3A_701] : memref<4096x50x128xf32, #tpu.memory_space<hbm>> -> memref<1x50x128xf32, #tpu.memory_space<hbm>>
    %dma_wait3A_703 = tpu.memref_squeeze %dma_wait3A_702 : memref<1x50x128xf32, #tpu.memory_space<hbm>> -> memref<50x128xf32, #tpu.memory_space<hbm>>
    %dma_wait3A_704 = arith.constant 0 : i32
    %dma_wait3A_705 = arith.constant 0 : i32
    %dma_wait3A_706 = tpu.memref_slice %arg4[%add3A_696, %dma_wait3A_704, %dma_wait3A_705] : memref<4096x50x128xf32, #tpu.memory_space<hbm>> -> memref<1x50x128xf32, #tpu.memory_space<hbm>>
    %dma_wait3A_707 = tpu.memref_squeeze %dma_wait3A_706 : memref<1x50x128xf32, #tpu.memory_space<hbm>> -> memref<50x128xf32, #tpu.memory_space<hbm>>
    %dma_wait3A_708 = arith.constant 50 : i32
    %dma_wait3A_709 = arith.constant 0 : i32
    %dma_wait3A_710 = tpu.memref_slice %arg11[%dma_wait3A_708, %dma_wait3A_709] : memref<100x128xf32, #tpu.memory_space<vmem>> -> memref<50x128xf32, #tpu.memory_space<vmem>>
    tpu.wait_dma2 semaphore(%arg35 : memref<!tpu.dma_semaphore, #tpu.memory_space<semaphore_mem>>) src(%dma_wait3A_710 : memref<50x128xf32, #tpu.memory_space<vmem>>) dst(%dma_wait3A_707 : memref<50x128xf32, #tpu.memory_space<hbm>>)
    %dma_start3A_711 = arith.constant 61 : i32
    %dma_start3A_712 = arith.constant 0 : i32
    %dma_start3A_713 = tpu.memref_slice %arg5[%dma_start3A_711, %dma_start3A_712] : memref<64x100xi32, #tpu.memory_space<vmem>> -> memref<1x100xi32, #tpu.memory_space<vmem>>
    %dma_start3A_714 = tpu.memref_squeeze %dma_start3A_713 : memref<1x100xi32, #tpu.memory_space<vmem>> -> memref<100xi32, #tpu.memory_space<vmem>>
    %dma_start3A_715 = arith.constant 0 : i32
    %dma_start3A_716 = arith.constant 0 : i32
    %dma_start3A_717 = tpu.memref_slice %arg2[%dma_start3A_715, %dma_start3A_716] : memref<100000x128xf32, #tpu.memory_space<hbm>> -> memref<100000x128xf32, #tpu.memory_space<hbm>>
    tpu.enqueue_indirect_dma source(%dma_start3A_717 : memref<100000x128xf32, #tpu.memory_space<hbm>>) target(%arg11 : memref<100x128xf32, #tpu.memory_space<vmem>>) offsets(%dma_start3A_714 : memref<100xi32, #tpu.memory_space<vmem>>) semaphore(%arg19 : memref<!tpu.dma_semaphore, #tpu.memory_space<semaphore_mem>>)
    %dma_wait3A_718 = arith.constant 58 : i32
    %dma_wait3A_719 = arith.constant 0 : i32
    %dma_wait3A_720 = tpu.memref_slice %arg5[%dma_wait3A_718, %dma_wait3A_719] : memref<64x100xi32, #tpu.memory_space<vmem>> -> memref<1x100xi32, #tpu.memory_space<vmem>>
    %dma_wait3A_721 = tpu.memref_squeeze %dma_wait3A_720 : memref<1x100xi32, #tpu.memory_space<vmem>> -> memref<100xi32, #tpu.memory_space<vmem>>
    %dma_wait3A_722 = arith.constant 0 : i32
    %dma_wait3A_723 = arith.constant 0 : i32
    %dma_wait3A_724 = tpu.memref_slice %arg2[%dma_wait3A_722, %dma_wait3A_723] : memref<100000x128xf32, #tpu.memory_space<hbm>> -> memref<100000x128xf32, #tpu.memory_space<hbm>>
    tpu.wait_indirect_dma semaphore(%arg16 : memref<!tpu.dma_semaphore, #tpu.memory_space<semaphore_mem>>) src(%dma_wait3A_724 : memref<100000x128xf32, #tpu.memory_space<hbm>>) dst(%arg8 : memref<100x128xf32, #tpu.memory_space<vmem>>)
    %add3A_725 = arith.constant 116 : i32
    %add3A_726 = arith.addi %mul3A_2, %add3A_725 : i32
    %dma_start3A_727 = arith.constant 0 : i32
    %dma_start3A_728 = arith.constant 0 : i32
    %dma_start3A_729 = tpu.memref_slice %arg8[%dma_start3A_727, %dma_start3A_728] : memref<100x128xf32, #tpu.memory_space<vmem>> -> memref<50x128xf32, #tpu.memory_space<vmem>>
    %dma_start3A_730 = arith.constant 0 : i32
    %dma_start3A_731 = arith.constant 0 : i32
    %dma_start3A_732 = tpu.memref_slice %arg4[%add3A_726, %dma_start3A_730, %dma_start3A_731] : memref<4096x50x128xf32, #tpu.memory_space<hbm>> -> memref<1x50x128xf32, #tpu.memory_space<hbm>>
    %dma_start3A_733 = tpu.memref_squeeze %dma_start3A_732 : memref<1x50x128xf32, #tpu.memory_space<hbm>> -> memref<50x128xf32, #tpu.memory_space<hbm>>
    %dma_start3A_734 = arith.constant 0 : i32
    %dma_start3A_735 = arith.constant 0 : i32
    %dma_start3A_736 = tpu.memref_slice %arg4[%add3A_726, %dma_start3A_734, %dma_start3A_735] : memref<4096x50x128xf32, #tpu.memory_space<hbm>> -> memref<1x50x128xf32, #tpu.memory_space<hbm>>
    %dma_start3A_737 = tpu.memref_squeeze %dma_start3A_736 : memref<1x50x128xf32, #tpu.memory_space<hbm>> -> memref<50x128xf32, #tpu.memory_space<hbm>>
    %dma_start3A_738 = arith.constant 0 : i32
    %dma_start3A_739 = arith.constant 0 : i32
    %dma_start3A_740 = tpu.memref_slice %arg8[%dma_start3A_738, %dma_start3A_739] : memref<100x128xf32, #tpu.memory_space<vmem>> -> memref<50x128xf32, #tpu.memory_space<vmem>>
    tpu.enqueue_dma source(%dma_start3A_740 : memref<50x128xf32, #tpu.memory_space<vmem>>) target(%dma_start3A_737 : memref<50x128xf32, #tpu.memory_space<hbm>>) target_semaphore(%arg24 : memref<!tpu.dma_semaphore, #tpu.memory_space<semaphore_mem>>)
    %add3A_741 = arith.constant 116 : i32
    %add3A_742 = arith.addi %mul3A_2, %add3A_741 : i32
    %add3A_743 = arith.constant 1 : i32
    %add3A_744 = arith.addi %add3A_742, %add3A_743 : i32
    %dma_start3A_745 = arith.constant 50 : i32
    %dma_start3A_746 = arith.constant 0 : i32
    %dma_start3A_747 = tpu.memref_slice %arg8[%dma_start3A_745, %dma_start3A_746] : memref<100x128xf32, #tpu.memory_space<vmem>> -> memref<50x128xf32, #tpu.memory_space<vmem>>
    %dma_start3A_748 = arith.constant 0 : i32
    %dma_start3A_749 = arith.constant 0 : i32
    %dma_start3A_750 = tpu.memref_slice %arg4[%add3A_744, %dma_start3A_748, %dma_start3A_749] : memref<4096x50x128xf32, #tpu.memory_space<hbm>> -> memref<1x50x128xf32, #tpu.memory_space<hbm>>
    %dma_start3A_751 = tpu.memref_squeeze %dma_start3A_750 : memref<1x50x128xf32, #tpu.memory_space<hbm>> -> memref<50x128xf32, #tpu.memory_space<hbm>>
    %dma_start3A_752 = arith.constant 0 : i32
    %dma_start3A_753 = arith.constant 0 : i32
    %dma_start3A_754 = tpu.memref_slice %arg4[%add3A_744, %dma_start3A_752, %dma_start3A_753] : memref<4096x50x128xf32, #tpu.memory_space<hbm>> -> memref<1x50x128xf32, #tpu.memory_space<hbm>>
    %dma_start3A_755 = tpu.memref_squeeze %dma_start3A_754 : memref<1x50x128xf32, #tpu.memory_space<hbm>> -> memref<50x128xf32, #tpu.memory_space<hbm>>
    %dma_start3A_756 = arith.constant 50 : i32
    %dma_start3A_757 = arith.constant 0 : i32
    %dma_start3A_758 = tpu.memref_slice %arg8[%dma_start3A_756, %dma_start3A_757] : memref<100x128xf32, #tpu.memory_space<vmem>> -> memref<50x128xf32, #tpu.memory_space<vmem>>
    tpu.enqueue_dma source(%dma_start3A_758 : memref<50x128xf32, #tpu.memory_space<vmem>>) target(%dma_start3A_755 : memref<50x128xf32, #tpu.memory_space<hbm>>) target_semaphore(%arg32 : memref<!tpu.dma_semaphore, #tpu.memory_space<semaphore_mem>>)
    %add3A_759 = arith.constant 108 : i32
    %add3A_760 = arith.addi %mul3A_2, %add3A_759 : i32
    %dma_wait3A_761 = arith.constant 0 : i32
    %dma_wait3A_762 = arith.constant 0 : i32
    %dma_wait3A_763 = tpu.memref_slice %arg12[%dma_wait3A_761, %dma_wait3A_762] : memref<100x128xf32, #tpu.memory_space<vmem>> -> memref<50x128xf32, #tpu.memory_space<vmem>>
    %dma_wait3A_764 = arith.constant 0 : i32
    %dma_wait3A_765 = arith.constant 0 : i32
    %dma_wait3A_766 = tpu.memref_slice %arg4[%add3A_760, %dma_wait3A_764, %dma_wait3A_765] : memref<4096x50x128xf32, #tpu.memory_space<hbm>> -> memref<1x50x128xf32, #tpu.memory_space<hbm>>
    %dma_wait3A_767 = tpu.memref_squeeze %dma_wait3A_766 : memref<1x50x128xf32, #tpu.memory_space<hbm>> -> memref<50x128xf32, #tpu.memory_space<hbm>>
    %dma_wait3A_768 = arith.constant 0 : i32
    %dma_wait3A_769 = arith.constant 0 : i32
    %dma_wait3A_770 = tpu.memref_slice %arg4[%add3A_760, %dma_wait3A_768, %dma_wait3A_769] : memref<4096x50x128xf32, #tpu.memory_space<hbm>> -> memref<1x50x128xf32, #tpu.memory_space<hbm>>
    %dma_wait3A_771 = tpu.memref_squeeze %dma_wait3A_770 : memref<1x50x128xf32, #tpu.memory_space<hbm>> -> memref<50x128xf32, #tpu.memory_space<hbm>>
    %dma_wait3A_772 = arith.constant 0 : i32
    %dma_wait3A_773 = arith.constant 0 : i32
    %dma_wait3A_774 = tpu.memref_slice %arg12[%dma_wait3A_772, %dma_wait3A_773] : memref<100x128xf32, #tpu.memory_space<vmem>> -> memref<50x128xf32, #tpu.memory_space<vmem>>
    tpu.wait_dma2 semaphore(%arg28 : memref<!tpu.dma_semaphore, #tpu.memory_space<semaphore_mem>>) src(%dma_wait3A_774 : memref<50x128xf32, #tpu.memory_space<vmem>>) dst(%dma_wait3A_771 : memref<50x128xf32, #tpu.memory_space<hbm>>)
    %add3A_775 = arith.constant 108 : i32
    %add3A_776 = arith.addi %mul3A_2, %add3A_775 : i32
    %add3A_777 = arith.constant 1 : i32
    %add3A_778 = arith.addi %add3A_776, %add3A_777 : i32
    %dma_wait3A_779 = arith.constant 50 : i32
    %dma_wait3A_780 = arith.constant 0 : i32
    %dma_wait3A_781 = tpu.memref_slice %arg12[%dma_wait3A_779, %dma_wait3A_780] : memref<100x128xf32, #tpu.memory_space<vmem>> -> memref<50x128xf32, #tpu.memory_space<vmem>>
    %dma_wait3A_782 = arith.constant 0 : i32
    %dma_wait3A_783 = arith.constant 0 : i32
    %dma_wait3A_784 = tpu.memref_slice %arg4[%add3A_778, %dma_wait3A_782, %dma_wait3A_783] : memref<4096x50x128xf32, #tpu.memory_space<hbm>> -> memref<1x50x128xf32, #tpu.memory_space<hbm>>
    %dma_wait3A_785 = tpu.memref_squeeze %dma_wait3A_784 : memref<1x50x128xf32, #tpu.memory_space<hbm>> -> memref<50x128xf32, #tpu.memory_space<hbm>>
    %dma_wait3A_786 = arith.constant 0 : i32
    %dma_wait3A_787 = arith.constant 0 : i32
    %dma_wait3A_788 = tpu.memref_slice %arg4[%add3A_778, %dma_wait3A_786, %dma_wait3A_787] : memref<4096x50x128xf32, #tpu.memory_space<hbm>> -> memref<1x50x128xf32, #tpu.memory_space<hbm>>
    %dma_wait3A_789 = tpu.memref_squeeze %dma_wait3A_788 : memref<1x50x128xf32, #tpu.memory_space<hbm>> -> memref<50x128xf32, #tpu.memory_space<hbm>>
    %dma_wait3A_790 = arith.constant 50 : i32
    %dma_wait3A_791 = arith.constant 0 : i32
    %dma_wait3A_792 = tpu.memref_slice %arg12[%dma_wait3A_790, %dma_wait3A_791] : memref<100x128xf32, #tpu.memory_space<vmem>> -> memref<50x128xf32, #tpu.memory_space<vmem>>
    tpu.wait_dma2 semaphore(%arg36 : memref<!tpu.dma_semaphore, #tpu.memory_space<semaphore_mem>>) src(%dma_wait3A_792 : memref<50x128xf32, #tpu.memory_space<vmem>>) dst(%dma_wait3A_789 : memref<50x128xf32, #tpu.memory_space<hbm>>)
    %dma_start3A_793 = arith.constant 62 : i32
    %dma_start3A_794 = arith.constant 0 : i32
    %dma_start3A_795 = tpu.memref_slice %arg5[%dma_start3A_793, %dma_start3A_794] : memref<64x100xi32, #tpu.memory_space<vmem>> -> memref<1x100xi32, #tpu.memory_space<vmem>>
    %dma_start3A_796 = tpu.memref_squeeze %dma_start3A_795 : memref<1x100xi32, #tpu.memory_space<vmem>> -> memref<100xi32, #tpu.memory_space<vmem>>
    %dma_start3A_797 = arith.constant 0 : i32
    %dma_start3A_798 = arith.constant 0 : i32
    %dma_start3A_799 = tpu.memref_slice %arg2[%dma_start3A_797, %dma_start3A_798] : memref<100000x128xf32, #tpu.memory_space<hbm>> -> memref<100000x128xf32, #tpu.memory_space<hbm>>
    tpu.enqueue_indirect_dma source(%dma_start3A_799 : memref<100000x128xf32, #tpu.memory_space<hbm>>) target(%arg12 : memref<100x128xf32, #tpu.memory_space<vmem>>) offsets(%dma_start3A_796 : memref<100xi32, #tpu.memory_space<vmem>>) semaphore(%arg20 : memref<!tpu.dma_semaphore, #tpu.memory_space<semaphore_mem>>)
    %dma_wait3A_800 = arith.constant 59 : i32
    %dma_wait3A_801 = arith.constant 0 : i32
    %dma_wait3A_802 = tpu.memref_slice %arg5[%dma_wait3A_800, %dma_wait3A_801] : memref<64x100xi32, #tpu.memory_space<vmem>> -> memref<1x100xi32, #tpu.memory_space<vmem>>
    %dma_wait3A_803 = tpu.memref_squeeze %dma_wait3A_802 : memref<1x100xi32, #tpu.memory_space<vmem>> -> memref<100xi32, #tpu.memory_space<vmem>>
    %dma_wait3A_804 = arith.constant 0 : i32
    %dma_wait3A_805 = arith.constant 0 : i32
    %dma_wait3A_806 = tpu.memref_slice %arg2[%dma_wait3A_804, %dma_wait3A_805] : memref<100000x128xf32, #tpu.memory_space<hbm>> -> memref<100000x128xf32, #tpu.memory_space<hbm>>
    tpu.wait_indirect_dma semaphore(%arg17 : memref<!tpu.dma_semaphore, #tpu.memory_space<semaphore_mem>>) src(%dma_wait3A_806 : memref<100000x128xf32, #tpu.memory_space<hbm>>) dst(%arg9 : memref<100x128xf32, #tpu.memory_space<vmem>>)
    %add3A_807 = arith.constant 118 : i32
    %add3A_808 = arith.addi %mul3A_2, %add3A_807 : i32
    %dma_start3A_809 = arith.constant 0 : i32
    %dma_start3A_810 = arith.constant 0 : i32
    %dma_start3A_811 = tpu.memref_slice %arg9[%dma_start3A_809, %dma_start3A_810] : memref<100x128xf32, #tpu.memory_space<vmem>> -> memref<50x128xf32, #tpu.memory_space<vmem>>
    %dma_start3A_812 = arith.constant 0 : i32
    %dma_start3A_813 = arith.constant 0 : i32
    %dma_start3A_814 = tpu.memref_slice %arg4[%add3A_808, %dma_start3A_812, %dma_start3A_813] : memref<4096x50x128xf32, #tpu.memory_space<hbm>> -> memref<1x50x128xf32, #tpu.memory_space<hbm>>
    %dma_start3A_815 = tpu.memref_squeeze %dma_start3A_814 : memref<1x50x128xf32, #tpu.memory_space<hbm>> -> memref<50x128xf32, #tpu.memory_space<hbm>>
    %dma_start3A_816 = arith.constant 0 : i32
    %dma_start3A_817 = arith.constant 0 : i32
    %dma_start3A_818 = tpu.memref_slice %arg4[%add3A_808, %dma_start3A_816, %dma_start3A_817] : memref<4096x50x128xf32, #tpu.memory_space<hbm>> -> memref<1x50x128xf32, #tpu.memory_space<hbm>>
    %dma_start3A_819 = tpu.memref_squeeze %dma_start3A_818 : memref<1x50x128xf32, #tpu.memory_space<hbm>> -> memref<50x128xf32, #tpu.memory_space<hbm>>
    %dma_start3A_820 = arith.constant 0 : i32
    %dma_start3A_821 = arith.constant 0 : i32
    %dma_start3A_822 = tpu.memref_slice %arg9[%dma_start3A_820, %dma_start3A_821] : memref<100x128xf32, #tpu.memory_space<vmem>> -> memref<50x128xf32, #tpu.memory_space<vmem>>
    tpu.enqueue_dma source(%dma_start3A_822 : memref<50x128xf32, #tpu.memory_space<vmem>>) target(%dma_start3A_819 : memref<50x128xf32, #tpu.memory_space<hbm>>) target_semaphore(%arg25 : memref<!tpu.dma_semaphore, #tpu.memory_space<semaphore_mem>>)
    %add3A_823 = arith.constant 118 : i32
    %add3A_824 = arith.addi %mul3A_2, %add3A_823 : i32
    %add3A_825 = arith.constant 1 : i32
    %add3A_826 = arith.addi %add3A_824, %add3A_825 : i32
    %dma_start3A_827 = arith.constant 50 : i32
    %dma_start3A_828 = arith.constant 0 : i32
    %dma_start3A_829 = tpu.memref_slice %arg9[%dma_start3A_827, %dma_start3A_828] : memref<100x128xf32, #tpu.memory_space<vmem>> -> memref<50x128xf32, #tpu.memory_space<vmem>>
    %dma_start3A_830 = arith.constant 0 : i32
    %dma_start3A_831 = arith.constant 0 : i32
    %dma_start3A_832 = tpu.memref_slice %arg4[%add3A_826, %dma_start3A_830, %dma_start3A_831] : memref<4096x50x128xf32, #tpu.memory_space<hbm>> -> memref<1x50x128xf32, #tpu.memory_space<hbm>>
    %dma_start3A_833 = tpu.memref_squeeze %dma_start3A_832 : memref<1x50x128xf32, #tpu.memory_space<hbm>> -> memref<50x128xf32, #tpu.memory_space<hbm>>
    %dma_start3A_834 = arith.constant 0 : i32
    %dma_start3A_835 = arith.constant 0 : i32
    %dma_start3A_836 = tpu.memref_slice %arg4[%add3A_826, %dma_start3A_834, %dma_start3A_835] : memref<4096x50x128xf32, #tpu.memory_space<hbm>> -> memref<1x50x128xf32, #tpu.memory_space<hbm>>
    %dma_start3A_837 = tpu.memref_squeeze %dma_start3A_836 : memref<1x50x128xf32, #tpu.memory_space<hbm>> -> memref<50x128xf32, #tpu.memory_space<hbm>>
    %dma_start3A_838 = arith.constant 50 : i32
    %dma_start3A_839 = arith.constant 0 : i32
    %dma_start3A_840 = tpu.memref_slice %arg9[%dma_start3A_838, %dma_start3A_839] : memref<100x128xf32, #tpu.memory_space<vmem>> -> memref<50x128xf32, #tpu.memory_space<vmem>>
    tpu.enqueue_dma source(%dma_start3A_840 : memref<50x128xf32, #tpu.memory_space<vmem>>) target(%dma_start3A_837 : memref<50x128xf32, #tpu.memory_space<hbm>>) target_semaphore(%arg33 : memref<!tpu.dma_semaphore, #tpu.memory_space<semaphore_mem>>)
    %add3A_841 = arith.constant 110 : i32
    %add3A_842 = arith.addi %mul3A_2, %add3A_841 : i32
    %dma_wait3A_843 = arith.constant 0 : i32
    %dma_wait3A_844 = arith.constant 0 : i32
    %dma_wait3A_845 = tpu.memref_slice %arg13[%dma_wait3A_843, %dma_wait3A_844] : memref<100x128xf32, #tpu.memory_space<vmem>> -> memref<50x128xf32, #tpu.memory_space<vmem>>
    %dma_wait3A_846 = arith.constant 0 : i32
    %dma_wait3A_847 = arith.constant 0 : i32
    %dma_wait3A_848 = tpu.memref_slice %arg4[%add3A_842, %dma_wait3A_846, %dma_wait3A_847] : memref<4096x50x128xf32, #tpu.memory_space<hbm>> -> memref<1x50x128xf32, #tpu.memory_space<hbm>>
    %dma_wait3A_849 = tpu.memref_squeeze %dma_wait3A_848 : memref<1x50x128xf32, #tpu.memory_space<hbm>> -> memref<50x128xf32, #tpu.memory_space<hbm>>
    %dma_wait3A_850 = arith.constant 0 : i32
    %dma_wait3A_851 = arith.constant 0 : i32
    %dma_wait3A_852 = tpu.memref_slice %arg4[%add3A_842, %dma_wait3A_850, %dma_wait3A_851] : memref<4096x50x128xf32, #tpu.memory_space<hbm>> -> memref<1x50x128xf32, #tpu.memory_space<hbm>>
    %dma_wait3A_853 = tpu.memref_squeeze %dma_wait3A_852 : memref<1x50x128xf32, #tpu.memory_space<hbm>> -> memref<50x128xf32, #tpu.memory_space<hbm>>
    %dma_wait3A_854 = arith.constant 0 : i32
    %dma_wait3A_855 = arith.constant 0 : i32
    %dma_wait3A_856 = tpu.memref_slice %arg13[%dma_wait3A_854, %dma_wait3A_855] : memref<100x128xf32, #tpu.memory_space<vmem>> -> memref<50x128xf32, #tpu.memory_space<vmem>>
    tpu.wait_dma2 semaphore(%arg29 : memref<!tpu.dma_semaphore, #tpu.memory_space<semaphore_mem>>) src(%dma_wait3A_856 : memref<50x128xf32, #tpu.memory_space<vmem>>) dst(%dma_wait3A_853 : memref<50x128xf32, #tpu.memory_space<hbm>>)
    %add3A_857 = arith.constant 110 : i32
    %add3A_858 = arith.addi %mul3A_2, %add3A_857 : i32
    %add3A_859 = arith.constant 1 : i32
    %add3A_860 = arith.addi %add3A_858, %add3A_859 : i32
    %dma_wait3A_861 = arith.constant 50 : i32
    %dma_wait3A_862 = arith.constant 0 : i32
    %dma_wait3A_863 = tpu.memref_slice %arg13[%dma_wait3A_861, %dma_wait3A_862] : memref<100x128xf32, #tpu.memory_space<vmem>> -> memref<50x128xf32, #tpu.memory_space<vmem>>
    %dma_wait3A_864 = arith.constant 0 : i32
    %dma_wait3A_865 = arith.constant 0 : i32
    %dma_wait3A_866 = tpu.memref_slice %arg4[%add3A_860, %dma_wait3A_864, %dma_wait3A_865] : memref<4096x50x128xf32, #tpu.memory_space<hbm>> -> memref<1x50x128xf32, #tpu.memory_space<hbm>>
    %dma_wait3A_867 = tpu.memref_squeeze %dma_wait3A_866 : memref<1x50x128xf32, #tpu.memory_space<hbm>> -> memref<50x128xf32, #tpu.memory_space<hbm>>
    %dma_wait3A_868 = arith.constant 0 : i32
    %dma_wait3A_869 = arith.constant 0 : i32
    %dma_wait3A_870 = tpu.memref_slice %arg4[%add3A_860, %dma_wait3A_868, %dma_wait3A_869] : memref<4096x50x128xf32, #tpu.memory_space<hbm>> -> memref<1x50x128xf32, #tpu.memory_space<hbm>>
    %dma_wait3A_871 = tpu.memref_squeeze %dma_wait3A_870 : memref<1x50x128xf32, #tpu.memory_space<hbm>> -> memref<50x128xf32, #tpu.memory_space<hbm>>
    %dma_wait3A_872 = arith.constant 50 : i32
    %dma_wait3A_873 = arith.constant 0 : i32
    %dma_wait3A_874 = tpu.memref_slice %arg13[%dma_wait3A_872, %dma_wait3A_873] : memref<100x128xf32, #tpu.memory_space<vmem>> -> memref<50x128xf32, #tpu.memory_space<vmem>>
    tpu.wait_dma2 semaphore(%arg37 : memref<!tpu.dma_semaphore, #tpu.memory_space<semaphore_mem>>) src(%dma_wait3A_874 : memref<50x128xf32, #tpu.memory_space<vmem>>) dst(%dma_wait3A_871 : memref<50x128xf32, #tpu.memory_space<hbm>>)
    %dma_start3A_875 = arith.constant 63 : i32
    %dma_start3A_876 = arith.constant 0 : i32
    %dma_start3A_877 = tpu.memref_slice %arg5[%dma_start3A_875, %dma_start3A_876] : memref<64x100xi32, #tpu.memory_space<vmem>> -> memref<1x100xi32, #tpu.memory_space<vmem>>
    %dma_start3A_878 = tpu.memref_squeeze %dma_start3A_877 : memref<1x100xi32, #tpu.memory_space<vmem>> -> memref<100xi32, #tpu.memory_space<vmem>>
    %dma_start3A_879 = arith.constant 0 : i32
    %dma_start3A_880 = arith.constant 0 : i32
    %dma_start3A_881 = tpu.memref_slice %arg2[%dma_start3A_879, %dma_start3A_880] : memref<100000x128xf32, #tpu.memory_space<hbm>> -> memref<100000x128xf32, #tpu.memory_space<hbm>>
    tpu.enqueue_indirect_dma source(%dma_start3A_881 : memref<100000x128xf32, #tpu.memory_space<hbm>>) target(%arg13 : memref<100x128xf32, #tpu.memory_space<vmem>>) offsets(%dma_start3A_878 : memref<100xi32, #tpu.memory_space<vmem>>) semaphore(%arg21 : memref<!tpu.dma_semaphore, #tpu.memory_space<semaphore_mem>>)
    %dma_wait3A_882 = arith.constant 60 : i32
    %dma_wait3A_883 = arith.constant 0 : i32
    %dma_wait3A_884 = tpu.memref_slice %arg5[%dma_wait3A_882, %dma_wait3A_883] : memref<64x100xi32, #tpu.memory_space<vmem>> -> memref<1x100xi32, #tpu.memory_space<vmem>>
    %dma_wait3A_885 = tpu.memref_squeeze %dma_wait3A_884 : memref<1x100xi32, #tpu.memory_space<vmem>> -> memref<100xi32, #tpu.memory_space<vmem>>
    %dma_wait3A_886 = arith.constant 0 : i32
    %dma_wait3A_887 = arith.constant 0 : i32
    %dma_wait3A_888 = tpu.memref_slice %arg2[%dma_wait3A_886, %dma_wait3A_887] : memref<100000x128xf32, #tpu.memory_space<hbm>> -> memref<100000x128xf32, #tpu.memory_space<hbm>>
    tpu.wait_indirect_dma semaphore(%arg18 : memref<!tpu.dma_semaphore, #tpu.memory_space<semaphore_mem>>) src(%dma_wait3A_888 : memref<100000x128xf32, #tpu.memory_space<hbm>>) dst(%arg10 : memref<100x128xf32, #tpu.memory_space<vmem>>)
    %add3A_889 = arith.constant 120 : i32
    %add3A_890 = arith.addi %mul3A_2, %add3A_889 : i32
    %dma_start3A_891 = arith.constant 0 : i32
    %dma_start3A_892 = arith.constant 0 : i32
    %dma_start3A_893 = tpu.memref_slice %arg10[%dma_start3A_891, %dma_start3A_892] : memref<100x128xf32, #tpu.memory_space<vmem>> -> memref<50x128xf32, #tpu.memory_space<vmem>>
    %dma_start3A_894 = arith.constant 0 : i32
    %dma_start3A_895 = arith.constant 0 : i32
    %dma_start3A_896 = tpu.memref_slice %arg4[%add3A_890, %dma_start3A_894, %dma_start3A_895] : memref<4096x50x128xf32, #tpu.memory_space<hbm>> -> memref<1x50x128xf32, #tpu.memory_space<hbm>>
    %dma_start3A_897 = tpu.memref_squeeze %dma_start3A_896 : memref<1x50x128xf32, #tpu.memory_space<hbm>> -> memref<50x128xf32, #tpu.memory_space<hbm>>
    %dma_start3A_898 = arith.constant 0 : i32
    %dma_start3A_899 = arith.constant 0 : i32
    %dma_start3A_900 = tpu.memref_slice %arg4[%add3A_890, %dma_start3A_898, %dma_start3A_899] : memref<4096x50x128xf32, #tpu.memory_space<hbm>> -> memref<1x50x128xf32, #tpu.memory_space<hbm>>
    %dma_start3A_901 = tpu.memref_squeeze %dma_start3A_900 : memref<1x50x128xf32, #tpu.memory_space<hbm>> -> memref<50x128xf32, #tpu.memory_space<hbm>>
    %dma_start3A_902 = arith.constant 0 : i32
    %dma_start3A_903 = arith.constant 0 : i32
    %dma_start3A_904 = tpu.memref_slice %arg10[%dma_start3A_902, %dma_start3A_903] : memref<100x128xf32, #tpu.memory_space<vmem>> -> memref<50x128xf32, #tpu.memory_space<vmem>>
    tpu.enqueue_dma source(%dma_start3A_904 : memref<50x128xf32, #tpu.memory_space<vmem>>) target(%dma_start3A_901 : memref<50x128xf32, #tpu.memory_space<hbm>>) target_semaphore(%arg26 : memref<!tpu.dma_semaphore, #tpu.memory_space<semaphore_mem>>)
    %add3A_905 = arith.constant 120 : i32
    %add3A_906 = arith.addi %mul3A_2, %add3A_905 : i32
    %add3A_907 = arith.constant 1 : i32
    %add3A_908 = arith.addi %add3A_906, %add3A_907 : i32
    %dma_start3A_909 = arith.constant 50 : i32
    %dma_start3A_910 = arith.constant 0 : i32
    %dma_start3A_911 = tpu.memref_slice %arg10[%dma_start3A_909, %dma_start3A_910] : memref<100x128xf32, #tpu.memory_space<vmem>> -> memref<50x128xf32, #tpu.memory_space<vmem>>
    %dma_start3A_912 = arith.constant 0 : i32
    %dma_start3A_913 = arith.constant 0 : i32
    %dma_start3A_914 = tpu.memref_slice %arg4[%add3A_908, %dma_start3A_912, %dma_start3A_913] : memref<4096x50x128xf32, #tpu.memory_space<hbm>> -> memref<1x50x128xf32, #tpu.memory_space<hbm>>
    %dma_start3A_915 = tpu.memref_squeeze %dma_start3A_914 : memref<1x50x128xf32, #tpu.memory_space<hbm>> -> memref<50x128xf32, #tpu.memory_space<hbm>>
    %dma_start3A_916 = arith.constant 0 : i32
    %dma_start3A_917 = arith.constant 0 : i32
    %dma_start3A_918 = tpu.memref_slice %arg4[%add3A_908, %dma_start3A_916, %dma_start3A_917] : memref<4096x50x128xf32, #tpu.memory_space<hbm>> -> memref<1x50x128xf32, #tpu.memory_space<hbm>>
    %dma_start3A_919 = tpu.memref_squeeze %dma_start3A_918 : memref<1x50x128xf32, #tpu.memory_space<hbm>> -> memref<50x128xf32, #tpu.memory_space<hbm>>
    %dma_start3A_920 = arith.constant 50 : i32
    %dma_start3A_921 = arith.constant 0 : i32
    %dma_start3A_922 = tpu.memref_slice %arg10[%dma_start3A_920, %dma_start3A_921] : memref<100x128xf32, #tpu.memory_space<vmem>> -> memref<50x128xf32, #tpu.memory_space<vmem>>
    tpu.enqueue_dma source(%dma_start3A_922 : memref<50x128xf32, #tpu.memory_space<vmem>>) target(%dma_start3A_919 : memref<50x128xf32, #tpu.memory_space<hbm>>) target_semaphore(%arg34 : memref<!tpu.dma_semaphore, #tpu.memory_space<semaphore_mem>>)
    %add3A_923 = arith.constant 112 : i32
    %add3A_924 = arith.addi %mul3A_2, %add3A_923 : i32
    %dma_wait3A_925 = arith.constant 0 : i32
    %dma_wait3A_926 = arith.constant 0 : i32
    %dma_wait3A_927 = tpu.memref_slice %arg6[%dma_wait3A_925, %dma_wait3A_926] : memref<100x128xf32, #tpu.memory_space<vmem>> -> memref<50x128xf32, #tpu.memory_space<vmem>>
    %dma_wait3A_928 = arith.constant 0 : i32
    %dma_wait3A_929 = arith.constant 0 : i32
    %dma_wait3A_930 = tpu.memref_slice %arg4[%add3A_924, %dma_wait3A_928, %dma_wait3A_929] : memref<4096x50x128xf32, #tpu.memory_space<hbm>> -> memref<1x50x128xf32, #tpu.memory_space<hbm>>
    %dma_wait3A_931 = tpu.memref_squeeze %dma_wait3A_930 : memref<1x50x128xf32, #tpu.memory_space<hbm>> -> memref<50x128xf32, #tpu.memory_space<hbm>>
    %dma_wait3A_932 = arith.constant 0 : i32
    %dma_wait3A_933 = arith.constant 0 : i32
    %dma_wait3A_934 = tpu.memref_slice %arg4[%add3A_924, %dma_wait3A_932, %dma_wait3A_933] : memref<4096x50x128xf32, #tpu.memory_space<hbm>> -> memref<1x50x128xf32, #tpu.memory_space<hbm>>
    %dma_wait3A_935 = tpu.memref_squeeze %dma_wait3A_934 : memref<1x50x128xf32, #tpu.memory_space<hbm>> -> memref<50x128xf32, #tpu.memory_space<hbm>>
    %dma_wait3A_936 = arith.constant 0 : i32
    %dma_wait3A_937 = arith.constant 0 : i32
    %dma_wait3A_938 = tpu.memref_slice %arg6[%dma_wait3A_936, %dma_wait3A_937] : memref<100x128xf32, #tpu.memory_space<vmem>> -> memref<50x128xf32, #tpu.memory_space<vmem>>
    tpu.wait_dma2 semaphore(%arg22 : memref<!tpu.dma_semaphore, #tpu.memory_space<semaphore_mem>>) src(%dma_wait3A_938 : memref<50x128xf32, #tpu.memory_space<vmem>>) dst(%dma_wait3A_935 : memref<50x128xf32, #tpu.memory_space<hbm>>)
    %add3A_939 = arith.constant 112 : i32
    %add3A_940 = arith.addi %mul3A_2, %add3A_939 : i32
    %add3A_941 = arith.constant 1 : i32
    %add3A_942 = arith.addi %add3A_940, %add3A_941 : i32
    %dma_wait3A_943 = arith.constant 50 : i32
    %dma_wait3A_944 = arith.constant 0 : i32
    %dma_wait3A_945 = tpu.memref_slice %arg6[%dma_wait3A_943, %dma_wait3A_944] : memref<100x128xf32, #tpu.memory_space<vmem>> -> memref<50x128xf32, #tpu.memory_space<vmem>>
    %dma_wait3A_946 = arith.constant 0 : i32
    %dma_wait3A_947 = arith.constant 0 : i32
    %dma_wait3A_948 = tpu.memref_slice %arg4[%add3A_942, %dma_wait3A_946, %dma_wait3A_947] : memref<4096x50x128xf32, #tpu.memory_space<hbm>> -> memref<1x50x128xf32, #tpu.memory_space<hbm>>
    %dma_wait3A_949 = tpu.memref_squeeze %dma_wait3A_948 : memref<1x50x128xf32, #tpu.memory_space<hbm>> -> memref<50x128xf32, #tpu.memory_space<hbm>>
    %dma_wait3A_950 = arith.constant 0 : i32
    %dma_wait3A_951 = arith.constant 0 : i32
    %dma_wait3A_952 = tpu.memref_slice %arg4[%add3A_942, %dma_wait3A_950, %dma_wait3A_951] : memref<4096x50x128xf32, #tpu.memory_space<hbm>> -> memref<1x50x128xf32, #tpu.memory_space<hbm>>
    %dma_wait3A_953 = tpu.memref_squeeze %dma_wait3A_952 : memref<1x50x128xf32, #tpu.memory_space<hbm>> -> memref<50x128xf32, #tpu.memory_space<hbm>>
    %dma_wait3A_954 = arith.constant 50 : i32
    %dma_wait3A_955 = arith.constant 0 : i32
    %dma_wait3A_956 = tpu.memref_slice %arg6[%dma_wait3A_954, %dma_wait3A_955] : memref<100x128xf32, #tpu.memory_space<vmem>> -> memref<50x128xf32, #tpu.memory_space<vmem>>
    tpu.wait_dma2 semaphore(%arg30 : memref<!tpu.dma_semaphore, #tpu.memory_space<semaphore_mem>>) src(%dma_wait3A_956 : memref<50x128xf32, #tpu.memory_space<vmem>>) dst(%dma_wait3A_953 : memref<50x128xf32, #tpu.memory_space<hbm>>)
    %dma_wait3A_957 = arith.constant 61 : i32
    %dma_wait3A_958 = arith.constant 0 : i32
    %dma_wait3A_959 = tpu.memref_slice %arg5[%dma_wait3A_957, %dma_wait3A_958] : memref<64x100xi32, #tpu.memory_space<vmem>> -> memref<1x100xi32, #tpu.memory_space<vmem>>
    %dma_wait3A_960 = tpu.memref_squeeze %dma_wait3A_959 : memref<1x100xi32, #tpu.memory_space<vmem>> -> memref<100xi32, #tpu.memory_space<vmem>>
    %dma_wait3A_961 = arith.constant 0 : i32
    %dma_wait3A_962 = arith.constant 0 : i32
    %dma_wait3A_963 = tpu.memref_slice %arg2[%dma_wait3A_961, %dma_wait3A_962] : memref<100000x128xf32, #tpu.memory_space<hbm>> -> memref<100000x128xf32, #tpu.memory_space<hbm>>
    tpu.wait_indirect_dma semaphore(%arg19 : memref<!tpu.dma_semaphore, #tpu.memory_space<semaphore_mem>>) src(%dma_wait3A_963 : memref<100000x128xf32, #tpu.memory_space<hbm>>) dst(%arg11 : memref<100x128xf32, #tpu.memory_space<vmem>>)
    %add3A_964 = arith.constant 122 : i32
    %add3A_965 = arith.addi %mul3A_2, %add3A_964 : i32
    %dma_start3A_966 = arith.constant 0 : i32
    %dma_start3A_967 = arith.constant 0 : i32
    %dma_start3A_968 = tpu.memref_slice %arg11[%dma_start3A_966, %dma_start3A_967] : memref<100x128xf32, #tpu.memory_space<vmem>> -> memref<50x128xf32, #tpu.memory_space<vmem>>
    %dma_start3A_969 = arith.constant 0 : i32
    %dma_start3A_970 = arith.constant 0 : i32
    %dma_start3A_971 = tpu.memref_slice %arg4[%add3A_965, %dma_start3A_969, %dma_start3A_970] : memref<4096x50x128xf32, #tpu.memory_space<hbm>> -> memref<1x50x128xf32, #tpu.memory_space<hbm>>
    %dma_start3A_972 = tpu.memref_squeeze %dma_start3A_971 : memref<1x50x128xf32, #tpu.memory_space<hbm>> -> memref<50x128xf32, #tpu.memory_space<hbm>>
    %dma_start3A_973 = arith.constant 0 : i32
    %dma_start3A_974 = arith.constant 0 : i32
    %dma_start3A_975 = tpu.memref_slice %arg4[%add3A_965, %dma_start3A_973, %dma_start3A_974] : memref<4096x50x128xf32, #tpu.memory_space<hbm>> -> memref<1x50x128xf32, #tpu.memory_space<hbm>>
    %dma_start3A_976 = tpu.memref_squeeze %dma_start3A_975 : memref<1x50x128xf32, #tpu.memory_space<hbm>> -> memref<50x128xf32, #tpu.memory_space<hbm>>
    %dma_start3A_977 = arith.constant 0 : i32
    %dma_start3A_978 = arith.constant 0 : i32
    %dma_start3A_979 = tpu.memref_slice %arg11[%dma_start3A_977, %dma_start3A_978] : memref<100x128xf32, #tpu.memory_space<vmem>> -> memref<50x128xf32, #tpu.memory_space<vmem>>
    tpu.enqueue_dma source(%dma_start3A_979 : memref<50x128xf32, #tpu.memory_space<vmem>>) target(%dma_start3A_976 : memref<50x128xf32, #tpu.memory_space<hbm>>) target_semaphore(%arg27 : memref<!tpu.dma_semaphore, #tpu.memory_space<semaphore_mem>>)
    %add3A_980 = arith.constant 122 : i32
    %add3A_981 = arith.addi %mul3A_2, %add3A_980 : i32
    %add3A_982 = arith.constant 1 : i32
    %add3A_983 = arith.addi %add3A_981, %add3A_982 : i32
    %dma_start3A_984 = arith.constant 50 : i32
    %dma_start3A_985 = arith.constant 0 : i32
    %dma_start3A_986 = tpu.memref_slice %arg11[%dma_start3A_984, %dma_start3A_985] : memref<100x128xf32, #tpu.memory_space<vmem>> -> memref<50x128xf32, #tpu.memory_space<vmem>>
    %dma_start3A_987 = arith.constant 0 : i32
    %dma_start3A_988 = arith.constant 0 : i32
    %dma_start3A_989 = tpu.memref_slice %arg4[%add3A_983, %dma_start3A_987, %dma_start3A_988] : memref<4096x50x128xf32, #tpu.memory_space<hbm>> -> memref<1x50x128xf32, #tpu.memory_space<hbm>>
    %dma_start3A_990 = tpu.memref_squeeze %dma_start3A_989 : memref<1x50x128xf32, #tpu.memory_space<hbm>> -> memref<50x128xf32, #tpu.memory_space<hbm>>
    %dma_start3A_991 = arith.constant 0 : i32
    %dma_start3A_992 = arith.constant 0 : i32
    %dma_start3A_993 = tpu.memref_slice %arg4[%add3A_983, %dma_start3A_991, %dma_start3A_992] : memref<4096x50x128xf32, #tpu.memory_space<hbm>> -> memref<1x50x128xf32, #tpu.memory_space<hbm>>
    %dma_start3A_994 = tpu.memref_squeeze %dma_start3A_993 : memref<1x50x128xf32, #tpu.memory_space<hbm>> -> memref<50x128xf32, #tpu.memory_space<hbm>>
    %dma_start3A_995 = arith.constant 50 : i32
    %dma_start3A_996 = arith.constant 0 : i32
    %dma_start3A_997 = tpu.memref_slice %arg11[%dma_start3A_995, %dma_start3A_996] : memref<100x128xf32, #tpu.memory_space<vmem>> -> memref<50x128xf32, #tpu.memory_space<vmem>>
    tpu.enqueue_dma source(%dma_start3A_997 : memref<50x128xf32, #tpu.memory_space<vmem>>) target(%dma_start3A_994 : memref<50x128xf32, #tpu.memory_space<hbm>>) target_semaphore(%arg35 : memref<!tpu.dma_semaphore, #tpu.memory_space<semaphore_mem>>)
    %add3A_998 = arith.constant 114 : i32
    %add3A_999 = arith.addi %mul3A_2, %add3A_998 : i32
    %dma_wait3A_1000 = arith.constant 0 : i32
    %dma_wait3A_1001 = arith.constant 0 : i32
    %dma_wait3A_1002 = tpu.memref_slice %arg7[%dma_wait3A_1000, %dma_wait3A_1001] : memref<100x128xf32, #tpu.memory_space<vmem>> -> memref<50x128xf32, #tpu.memory_space<vmem>>
    %dma_wait3A_1003 = arith.constant 0 : i32
    %dma_wait3A_1004 = arith.constant 0 : i32
    %dma_wait3A_1005 = tpu.memref_slice %arg4[%add3A_999, %dma_wait3A_1003, %dma_wait3A_1004] : memref<4096x50x128xf32, #tpu.memory_space<hbm>> -> memref<1x50x128xf32, #tpu.memory_space<hbm>>
    %dma_wait3A_1006 = tpu.memref_squeeze %dma_wait3A_1005 : memref<1x50x128xf32, #tpu.memory_space<hbm>> -> memref<50x128xf32, #tpu.memory_space<hbm>>
    %dma_wait3A_1007 = arith.constant 0 : i32
    %dma_wait3A_1008 = arith.constant 0 : i32
    %dma_wait3A_1009 = tpu.memref_slice %arg4[%add3A_999, %dma_wait3A_1007, %dma_wait3A_1008] : memref<4096x50x128xf32, #tpu.memory_space<hbm>> -> memref<1x50x128xf32, #tpu.memory_space<hbm>>
    %dma_wait3A_1010 = tpu.memref_squeeze %dma_wait3A_1009 : memref<1x50x128xf32, #tpu.memory_space<hbm>> -> memref<50x128xf32, #tpu.memory_space<hbm>>
    %dma_wait3A_1011 = arith.constant 0 : i32
    %dma_wait3A_1012 = arith.constant 0 : i32
    %dma_wait3A_1013 = tpu.memref_slice %arg7[%dma_wait3A_1011, %dma_wait3A_1012] : memref<100x128xf32, #tpu.memory_space<vmem>> -> memref<50x128xf32, #tpu.memory_space<vmem>>
    tpu.wait_dma2 semaphore(%arg23 : memref<!tpu.dma_semaphore, #tpu.memory_space<semaphore_mem>>) src(%dma_wait3A_1013 : memref<50x128xf32, #tpu.memory_space<vmem>>) dst(%dma_wait3A_1010 : memref<50x128xf32, #tpu.memory_space<hbm>>)
    %add3A_1014 = arith.constant 114 : i32
    %add3A_1015 = arith.addi %mul3A_2, %add3A_1014 : i32
    %add3A_1016 = arith.constant 1 : i32
    %add3A_1017 = arith.addi %add3A_1015, %add3A_1016 : i32
    %dma_wait3A_1018 = arith.constant 50 : i32
    %dma_wait3A_1019 = arith.constant 0 : i32
    %dma_wait3A_1020 = tpu.memref_slice %arg7[%dma_wait3A_1018, %dma_wait3A_1019] : memref<100x128xf32, #tpu.memory_space<vmem>> -> memref<50x128xf32, #tpu.memory_space<vmem>>
    %dma_wait3A_1021 = arith.constant 0 : i32
    %dma_wait3A_1022 = arith.constant 0 : i32
    %dma_wait3A_1023 = tpu.memref_slice %arg4[%add3A_1017, %dma_wait3A_1021, %dma_wait3A_1022] : memref<4096x50x128xf32, #tpu.memory_space<hbm>> -> memref<1x50x128xf32, #tpu.memory_space<hbm>>
    %dma_wait3A_1024 = tpu.memref_squeeze %dma_wait3A_1023 : memref<1x50x128xf32, #tpu.memory_space<hbm>> -> memref<50x128xf32, #tpu.memory_space<hbm>>
    %dma_wait3A_1025 = arith.constant 0 : i32
    %dma_wait3A_1026 = arith.constant 0 : i32
    %dma_wait3A_1027 = tpu.memref_slice %arg4[%add3A_1017, %dma_wait3A_1025, %dma_wait3A_1026] : memref<4096x50x128xf32, #tpu.memory_space<hbm>> -> memref<1x50x128xf32, #tpu.memory_space<hbm>>
    %dma_wait3A_1028 = tpu.memref_squeeze %dma_wait3A_1027 : memref<1x50x128xf32, #tpu.memory_space<hbm>> -> memref<50x128xf32, #tpu.memory_space<hbm>>
    %dma_wait3A_1029 = arith.constant 50 : i32
    %dma_wait3A_1030 = arith.constant 0 : i32
    %dma_wait3A_1031 = tpu.memref_slice %arg7[%dma_wait3A_1029, %dma_wait3A_1030] : memref<100x128xf32, #tpu.memory_space<vmem>> -> memref<50x128xf32, #tpu.memory_space<vmem>>
    tpu.wait_dma2 semaphore(%arg31 : memref<!tpu.dma_semaphore, #tpu.memory_space<semaphore_mem>>) src(%dma_wait3A_1031 : memref<50x128xf32, #tpu.memory_space<vmem>>) dst(%dma_wait3A_1028 : memref<50x128xf32, #tpu.memory_space<hbm>>)
    %dma_wait3A_1032 = arith.constant 62 : i32
    %dma_wait3A_1033 = arith.constant 0 : i32
    %dma_wait3A_1034 = tpu.memref_slice %arg5[%dma_wait3A_1032, %dma_wait3A_1033] : memref<64x100xi32, #tpu.memory_space<vmem>> -> memref<1x100xi32, #tpu.memory_space<vmem>>
    %dma_wait3A_1035 = tpu.memref_squeeze %dma_wait3A_1034 : memref<1x100xi32, #tpu.memory_space<vmem>> -> memref<100xi32, #tpu.memory_space<vmem>>
    %dma_wait3A_1036 = arith.constant 0 : i32
    %dma_wait3A_1037 = arith.constant 0 : i32
    %dma_wait3A_1038 = tpu.memref_slice %arg2[%dma_wait3A_1036, %dma_wait3A_1037] : memref<100000x128xf32, #tpu.memory_space<hbm>> -> memref<100000x128xf32, #tpu.memory_space<hbm>>
    tpu.wait_indirect_dma semaphore(%arg20 : memref<!tpu.dma_semaphore, #tpu.memory_space<semaphore_mem>>) src(%dma_wait3A_1038 : memref<100000x128xf32, #tpu.memory_space<hbm>>) dst(%arg12 : memref<100x128xf32, #tpu.memory_space<vmem>>)
    %add3A_1039 = arith.constant 124 : i32
    %add3A_1040 = arith.addi %mul3A_2, %add3A_1039 : i32
    %dma_start3A_1041 = arith.constant 0 : i32
    %dma_start3A_1042 = arith.constant 0 : i32
    %dma_start3A_1043 = tpu.memref_slice %arg12[%dma_start3A_1041, %dma_start3A_1042] : memref<100x128xf32, #tpu.memory_space<vmem>> -> memref<50x128xf32, #tpu.memory_space<vmem>>
    %dma_start3A_1044 = arith.constant 0 : i32
    %dma_start3A_1045 = arith.constant 0 : i32
    %dma_start3A_1046 = tpu.memref_slice %arg4[%add3A_1040, %dma_start3A_1044, %dma_start3A_1045] : memref<4096x50x128xf32, #tpu.memory_space<hbm>> -> memref<1x50x128xf32, #tpu.memory_space<hbm>>
    %dma_start3A_1047 = tpu.memref_squeeze %dma_start3A_1046 : memref<1x50x128xf32, #tpu.memory_space<hbm>> -> memref<50x128xf32, #tpu.memory_space<hbm>>
    %dma_start3A_1048 = arith.constant 0 : i32
    %dma_start3A_1049 = arith.constant 0 : i32
    %dma_start3A_1050 = tpu.memref_slice %arg4[%add3A_1040, %dma_start3A_1048, %dma_start3A_1049] : memref<4096x50x128xf32, #tpu.memory_space<hbm>> -> memref<1x50x128xf32, #tpu.memory_space<hbm>>
    %dma_start3A_1051 = tpu.memref_squeeze %dma_start3A_1050 : memref<1x50x128xf32, #tpu.memory_space<hbm>> -> memref<50x128xf32, #tpu.memory_space<hbm>>
    %dma_start3A_1052 = arith.constant 0 : i32
    %dma_start3A_1053 = arith.constant 0 : i32
    %dma_start3A_1054 = tpu.memref_slice %arg12[%dma_start3A_1052, %dma_start3A_1053] : memref<100x128xf32, #tpu.memory_space<vmem>> -> memref<50x128xf32, #tpu.memory_space<vmem>>
    tpu.enqueue_dma source(%dma_start3A_1054 : memref<50x128xf32, #tpu.memory_space<vmem>>) target(%dma_start3A_1051 : memref<50x128xf32, #tpu.memory_space<hbm>>) target_semaphore(%arg28 : memref<!tpu.dma_semaphore, #tpu.memory_space<semaphore_mem>>)
    %add3A_1055 = arith.constant 124 : i32
    %add3A_1056 = arith.addi %mul3A_2, %add3A_1055 : i32
    %add3A_1057 = arith.constant 1 : i32
    %add3A_1058 = arith.addi %add3A_1056, %add3A_1057 : i32
    %dma_start3A_1059 = arith.constant 50 : i32
    %dma_start3A_1060 = arith.constant 0 : i32
    %dma_start3A_1061 = tpu.memref_slice %arg12[%dma_start3A_1059, %dma_start3A_1060] : memref<100x128xf32, #tpu.memory_space<vmem>> -> memref<50x128xf32, #tpu.memory_space<vmem>>
    %dma_start3A_1062 = arith.constant 0 : i32
    %dma_start3A_1063 = arith.constant 0 : i32
    %dma_start3A_1064 = tpu.memref_slice %arg4[%add3A_1058, %dma_start3A_1062, %dma_start3A_1063] : memref<4096x50x128xf32, #tpu.memory_space<hbm>> -> memref<1x50x128xf32, #tpu.memory_space<hbm>>
    %dma_start3A_1065 = tpu.memref_squeeze %dma_start3A_1064 : memref<1x50x128xf32, #tpu.memory_space<hbm>> -> memref<50x128xf32, #tpu.memory_space<hbm>>
    %dma_start3A_1066 = arith.constant 0 : i32
    %dma_start3A_1067 = arith.constant 0 : i32
    %dma_start3A_1068 = tpu.memref_slice %arg4[%add3A_1058, %dma_start3A_1066, %dma_start3A_1067] : memref<4096x50x128xf32, #tpu.memory_space<hbm>> -> memref<1x50x128xf32, #tpu.memory_space<hbm>>
    %dma_start3A_1069 = tpu.memref_squeeze %dma_start3A_1068 : memref<1x50x128xf32, #tpu.memory_space<hbm>> -> memref<50x128xf32, #tpu.memory_space<hbm>>
    %dma_start3A_1070 = arith.constant 50 : i32
    %dma_start3A_1071 = arith.constant 0 : i32
    %dma_start3A_1072 = tpu.memref_slice %arg12[%dma_start3A_1070, %dma_start3A_1071] : memref<100x128xf32, #tpu.memory_space<vmem>> -> memref<50x128xf32, #tpu.memory_space<vmem>>
    tpu.enqueue_dma source(%dma_start3A_1072 : memref<50x128xf32, #tpu.memory_space<vmem>>) target(%dma_start3A_1069 : memref<50x128xf32, #tpu.memory_space<hbm>>) target_semaphore(%arg36 : memref<!tpu.dma_semaphore, #tpu.memory_space<semaphore_mem>>)
    %add3A_1073 = arith.constant 116 : i32
    %add3A_1074 = arith.addi %mul3A_2, %add3A_1073 : i32
    %dma_wait3A_1075 = arith.constant 0 : i32
    %dma_wait3A_1076 = arith.constant 0 : i32
    %dma_wait3A_1077 = tpu.memref_slice %arg8[%dma_wait3A_1075, %dma_wait3A_1076] : memref<100x128xf32, #tpu.memory_space<vmem>> -> memref<50x128xf32, #tpu.memory_space<vmem>>
    %dma_wait3A_1078 = arith.constant 0 : i32
    %dma_wait3A_1079 = arith.constant 0 : i32
    %dma_wait3A_1080 = tpu.memref_slice %arg4[%add3A_1074, %dma_wait3A_1078, %dma_wait3A_1079] : memref<4096x50x128xf32, #tpu.memory_space<hbm>> -> memref<1x50x128xf32, #tpu.memory_space<hbm>>
    %dma_wait3A_1081 = tpu.memref_squeeze %dma_wait3A_1080 : memref<1x50x128xf32, #tpu.memory_space<hbm>> -> memref<50x128xf32, #tpu.memory_space<hbm>>
    %dma_wait3A_1082 = arith.constant 0 : i32
    %dma_wait3A_1083 = arith.constant 0 : i32
    %dma_wait3A_1084 = tpu.memref_slice %arg4[%add3A_1074, %dma_wait3A_1082, %dma_wait3A_1083] : memref<4096x50x128xf32, #tpu.memory_space<hbm>> -> memref<1x50x128xf32, #tpu.memory_space<hbm>>
    %dma_wait3A_1085 = tpu.memref_squeeze %dma_wait3A_1084 : memref<1x50x128xf32, #tpu.memory_space<hbm>> -> memref<50x128xf32, #tpu.memory_space<hbm>>
    %dma_wait3A_1086 = arith.constant 0 : i32
    %dma_wait3A_1087 = arith.constant 0 : i32
    %dma_wait3A_1088 = tpu.memref_slice %arg8[%dma_wait3A_1086, %dma_wait3A_1087] : memref<100x128xf32, #tpu.memory_space<vmem>> -> memref<50x128xf32, #tpu.memory_space<vmem>>
    tpu.wait_dma2 semaphore(%arg24 : memref<!tpu.dma_semaphore, #tpu.memory_space<semaphore_mem>>) src(%dma_wait3A_1088 : memref<50x128xf32, #tpu.memory_space<vmem>>) dst(%dma_wait3A_1085 : memref<50x128xf32, #tpu.memory_space<hbm>>)
    %add3A_1089 = arith.constant 116 : i32
    %add3A_1090 = arith.addi %mul3A_2, %add3A_1089 : i32
    %add3A_1091 = arith.constant 1 : i32
    %add3A_1092 = arith.addi %add3A_1090, %add3A_1091 : i32
    %dma_wait3A_1093 = arith.constant 50 : i32
    %dma_wait3A_1094 = arith.constant 0 : i32
    %dma_wait3A_1095 = tpu.memref_slice %arg8[%dma_wait3A_1093, %dma_wait3A_1094] : memref<100x128xf32, #tpu.memory_space<vmem>> -> memref<50x128xf32, #tpu.memory_space<vmem>>
    %dma_wait3A_1096 = arith.constant 0 : i32
    %dma_wait3A_1097 = arith.constant 0 : i32
    %dma_wait3A_1098 = tpu.memref_slice %arg4[%add3A_1092, %dma_wait3A_1096, %dma_wait3A_1097] : memref<4096x50x128xf32, #tpu.memory_space<hbm>> -> memref<1x50x128xf32, #tpu.memory_space<hbm>>
    %dma_wait3A_1099 = tpu.memref_squeeze %dma_wait3A_1098 : memref<1x50x128xf32, #tpu.memory_space<hbm>> -> memref<50x128xf32, #tpu.memory_space<hbm>>
    %dma_wait3A_1100 = arith.constant 0 : i32
    %dma_wait3A_1101 = arith.constant 0 : i32
    %dma_wait3A_1102 = tpu.memref_slice %arg4[%add3A_1092, %dma_wait3A_1100, %dma_wait3A_1101] : memref<4096x50x128xf32, #tpu.memory_space<hbm>> -> memref<1x50x128xf32, #tpu.memory_space<hbm>>
    %dma_wait3A_1103 = tpu.memref_squeeze %dma_wait3A_1102 : memref<1x50x128xf32, #tpu.memory_space<hbm>> -> memref<50x128xf32, #tpu.memory_space<hbm>>
    %dma_wait3A_1104 = arith.constant 50 : i32
    %dma_wait3A_1105 = arith.constant 0 : i32
    %dma_wait3A_1106 = tpu.memref_slice %arg8[%dma_wait3A_1104, %dma_wait3A_1105] : memref<100x128xf32, #tpu.memory_space<vmem>> -> memref<50x128xf32, #tpu.memory_space<vmem>>
    tpu.wait_dma2 semaphore(%arg32 : memref<!tpu.dma_semaphore, #tpu.memory_space<semaphore_mem>>) src(%dma_wait3A_1106 : memref<50x128xf32, #tpu.memory_space<vmem>>) dst(%dma_wait3A_1103 : memref<50x128xf32, #tpu.memory_space<hbm>>)
    %dma_wait3A_1107 = arith.constant 63 : i32
    %dma_wait3A_1108 = arith.constant 0 : i32
    %dma_wait3A_1109 = tpu.memref_slice %arg5[%dma_wait3A_1107, %dma_wait3A_1108] : memref<64x100xi32, #tpu.memory_space<vmem>> -> memref<1x100xi32, #tpu.memory_space<vmem>>
    %dma_wait3A_1110 = tpu.memref_squeeze %dma_wait3A_1109 : memref<1x100xi32, #tpu.memory_space<vmem>> -> memref<100xi32, #tpu.memory_space<vmem>>
    %dma_wait3A_1111 = arith.constant 0 : i32
    %dma_wait3A_1112 = arith.constant 0 : i32
    %dma_wait3A_1113 = tpu.memref_slice %arg2[%dma_wait3A_1111, %dma_wait3A_1112] : memref<100000x128xf32, #tpu.memory_space<hbm>> -> memref<100000x128xf32, #tpu.memory_space<hbm>>
    tpu.wait_indirect_dma semaphore(%arg21 : memref<!tpu.dma_semaphore, #tpu.memory_space<semaphore_mem>>) src(%dma_wait3A_1113 : memref<100000x128xf32, #tpu.memory_space<hbm>>) dst(%arg13 : memref<100x128xf32, #tpu.memory_space<vmem>>)
    %add3A_1114 = arith.constant 126 : i32
    %add3A_1115 = arith.addi %mul3A_2, %add3A_1114 : i32
    %dma_start3A_1116 = arith.constant 0 : i32
    %dma_start3A_1117 = arith.constant 0 : i32
    %dma_start3A_1118 = tpu.memref_slice %arg13[%dma_start3A_1116, %dma_start3A_1117] : memref<100x128xf32, #tpu.memory_space<vmem>> -> memref<50x128xf32, #tpu.memory_space<vmem>>
    %dma_start3A_1119 = arith.constant 0 : i32
    %dma_start3A_1120 = arith.constant 0 : i32
    %dma_start3A_1121 = tpu.memref_slice %arg4[%add3A_1115, %dma_start3A_1119, %dma_start3A_1120] : memref<4096x50x128xf32, #tpu.memory_space<hbm>> -> memref<1x50x128xf32, #tpu.memory_space<hbm>>
    %dma_start3A_1122 = tpu.memref_squeeze %dma_start3A_1121 : memref<1x50x128xf32, #tpu.memory_space<hbm>> -> memref<50x128xf32, #tpu.memory_space<hbm>>
    %dma_start3A_1123 = arith.constant 0 : i32
    %dma_start3A_1124 = arith.constant 0 : i32
    %dma_start3A_1125 = tpu.memref_slice %arg4[%add3A_1115, %dma_start3A_1123, %dma_start3A_1124] : memref<4096x50x128xf32, #tpu.memory_space<hbm>> -> memref<1x50x128xf32, #tpu.memory_space<hbm>>
    %dma_start3A_1126 = tpu.memref_squeeze %dma_start3A_1125 : memref<1x50x128xf32, #tpu.memory_space<hbm>> -> memref<50x128xf32, #tpu.memory_space<hbm>>
    %dma_start3A_1127 = arith.constant 0 : i32
    %dma_start3A_1128 = arith.constant 0 : i32
    %dma_start3A_1129 = tpu.memref_slice %arg13[%dma_start3A_1127, %dma_start3A_1128] : memref<100x128xf32, #tpu.memory_space<vmem>> -> memref<50x128xf32, #tpu.memory_space<vmem>>
    tpu.enqueue_dma source(%dma_start3A_1129 : memref<50x128xf32, #tpu.memory_space<vmem>>) target(%dma_start3A_1126 : memref<50x128xf32, #tpu.memory_space<hbm>>) target_semaphore(%arg29 : memref<!tpu.dma_semaphore, #tpu.memory_space<semaphore_mem>>)
    %add3A_1130 = arith.constant 126 : i32
    %add3A_1131 = arith.addi %mul3A_2, %add3A_1130 : i32
    %add3A_1132 = arith.constant 1 : i32
    %add3A_1133 = arith.addi %add3A_1131, %add3A_1132 : i32
    %dma_start3A_1134 = arith.constant 50 : i32
    %dma_start3A_1135 = arith.constant 0 : i32
    %dma_start3A_1136 = tpu.memref_slice %arg13[%dma_start3A_1134, %dma_start3A_1135] : memref<100x128xf32, #tpu.memory_space<vmem>> -> memref<50x128xf32, #tpu.memory_space<vmem>>
    %dma_start3A_1137 = arith.constant 0 : i32
    %dma_start3A_1138 = arith.constant 0 : i32
    %dma_start3A_1139 = tpu.memref_slice %arg4[%add3A_1133, %dma_start3A_1137, %dma_start3A_1138] : memref<4096x50x128xf32, #tpu.memory_space<hbm>> -> memref<1x50x128xf32, #tpu.memory_space<hbm>>
    %dma_start3A_1140 = tpu.memref_squeeze %dma_start3A_1139 : memref<1x50x128xf32, #tpu.memory_space<hbm>> -> memref<50x128xf32, #tpu.memory_space<hbm>>
    %dma_start3A_1141 = arith.constant 0 : i32
    %dma_start3A_1142 = arith.constant 0 : i32
    %dma_start3A_1143 = tpu.memref_slice %arg4[%add3A_1133, %dma_start3A_1141, %dma_start3A_1142] : memref<4096x50x128xf32, #tpu.memory_space<hbm>> -> memref<1x50x128xf32, #tpu.memory_space<hbm>>
    %dma_start3A_1144 = tpu.memref_squeeze %dma_start3A_1143 : memref<1x50x128xf32, #tpu.memory_space<hbm>> -> memref<50x128xf32, #tpu.memory_space<hbm>>
    %dma_start3A_1145 = arith.constant 50 : i32
    %dma_start3A_1146 = arith.constant 0 : i32
    %dma_start3A_1147 = tpu.memref_slice %arg13[%dma_start3A_1145, %dma_start3A_1146] : memref<100x128xf32, #tpu.memory_space<vmem>> -> memref<50x128xf32, #tpu.memory_space<vmem>>
    tpu.enqueue_dma source(%dma_start3A_1147 : memref<50x128xf32, #tpu.memory_space<vmem>>) target(%dma_start3A_1144 : memref<50x128xf32, #tpu.memory_space<hbm>>) target_semaphore(%arg37 : memref<!tpu.dma_semaphore, #tpu.memory_space<semaphore_mem>>)
    %add3A_1148 = arith.constant 118 : i32
    %add3A_1149 = arith.addi %mul3A_2, %add3A_1148 : i32
    %dma_wait3A_1150 = arith.constant 0 : i32
    %dma_wait3A_1151 = arith.constant 0 : i32
    %dma_wait3A_1152 = tpu.memref_slice %arg9[%dma_wait3A_1150, %dma_wait3A_1151] : memref<100x128xf32, #tpu.memory_space<vmem>> -> memref<50x128xf32, #tpu.memory_space<vmem>>
    %dma_wait3A_1153 = arith.constant 0 : i32
    %dma_wait3A_1154 = arith.constant 0 : i32
    %dma_wait3A_1155 = tpu.memref_slice %arg4[%add3A_1149, %dma_wait3A_1153, %dma_wait3A_1154] : memref<4096x50x128xf32, #tpu.memory_space<hbm>> -> memref<1x50x128xf32, #tpu.memory_space<hbm>>
    %dma_wait3A_1156 = tpu.memref_squeeze %dma_wait3A_1155 : memref<1x50x128xf32, #tpu.memory_space<hbm>> -> memref<50x128xf32, #tpu.memory_space<hbm>>
    %dma_wait3A_1157 = arith.constant 0 : i32
    %dma_wait3A_1158 = arith.constant 0 : i32
    %dma_wait3A_1159 = tpu.memref_slice %arg4[%add3A_1149, %dma_wait3A_1157, %dma_wait3A_1158] : memref<4096x50x128xf32, #tpu.memory_space<hbm>> -> memref<1x50x128xf32, #tpu.memory_space<hbm>>
    %dma_wait3A_1160 = tpu.memref_squeeze %dma_wait3A_1159 : memref<1x50x128xf32, #tpu.memory_space<hbm>> -> memref<50x128xf32, #tpu.memory_space<hbm>>
    %dma_wait3A_1161 = arith.constant 0 : i32
    %dma_wait3A_1162 = arith.constant 0 : i32
    %dma_wait3A_1163 = tpu.memref_slice %arg9[%dma_wait3A_1161, %dma_wait3A_1162] : memref<100x128xf32, #tpu.memory_space<vmem>> -> memref<50x128xf32, #tpu.memory_space<vmem>>
    tpu.wait_dma2 semaphore(%arg25 : memref<!tpu.dma_semaphore, #tpu.memory_space<semaphore_mem>>) src(%dma_wait3A_1163 : memref<50x128xf32, #tpu.memory_space<vmem>>) dst(%dma_wait3A_1160 : memref<50x128xf32, #tpu.memory_space<hbm>>)
    %add3A_1164 = arith.constant 118 : i32
    %add3A_1165 = arith.addi %mul3A_2, %add3A_1164 : i32
    %add3A_1166 = arith.constant 1 : i32
    %add3A_1167 = arith.addi %add3A_1165, %add3A_1166 : i32
    %dma_wait3A_1168 = arith.constant 50 : i32
    %dma_wait3A_1169 = arith.constant 0 : i32
    %dma_wait3A_1170 = tpu.memref_slice %arg9[%dma_wait3A_1168, %dma_wait3A_1169] : memref<100x128xf32, #tpu.memory_space<vmem>> -> memref<50x128xf32, #tpu.memory_space<vmem>>
    %dma_wait3A_1171 = arith.constant 0 : i32
    %dma_wait3A_1172 = arith.constant 0 : i32
    %dma_wait3A_1173 = tpu.memref_slice %arg4[%add3A_1167, %dma_wait3A_1171, %dma_wait3A_1172] : memref<4096x50x128xf32, #tpu.memory_space<hbm>> -> memref<1x50x128xf32, #tpu.memory_space<hbm>>
    %dma_wait3A_1174 = tpu.memref_squeeze %dma_wait3A_1173 : memref<1x50x128xf32, #tpu.memory_space<hbm>> -> memref<50x128xf32, #tpu.memory_space<hbm>>
    %dma_wait3A_1175 = arith.constant 0 : i32
    %dma_wait3A_1176 = arith.constant 0 : i32
    %dma_wait3A_1177 = tpu.memref_slice %arg4[%add3A_1167, %dma_wait3A_1175, %dma_wait3A_1176] : memref<4096x50x128xf32, #tpu.memory_space<hbm>> -> memref<1x50x128xf32, #tpu.memory_space<hbm>>
    %dma_wait3A_1178 = tpu.memref_squeeze %dma_wait3A_1177 : memref<1x50x128xf32, #tpu.memory_space<hbm>> -> memref<50x128xf32, #tpu.memory_space<hbm>>
    %dma_wait3A_1179 = arith.constant 50 : i32
    %dma_wait3A_1180 = arith.constant 0 : i32
    %dma_wait3A_1181 = tpu.memref_slice %arg9[%dma_wait3A_1179, %dma_wait3A_1180] : memref<100x128xf32, #tpu.memory_space<vmem>> -> memref<50x128xf32, #tpu.memory_space<vmem>>
    tpu.wait_dma2 semaphore(%arg33 : memref<!tpu.dma_semaphore, #tpu.memory_space<semaphore_mem>>) src(%dma_wait3A_1181 : memref<50x128xf32, #tpu.memory_space<vmem>>) dst(%dma_wait3A_1178 : memref<50x128xf32, #tpu.memory_space<hbm>>)
    %add3A_1182 = arith.constant 120 : i32
    %add3A_1183 = arith.addi %mul3A_2, %add3A_1182 : i32
    %dma_wait3A_1184 = arith.constant 0 : i32
    %dma_wait3A_1185 = arith.constant 0 : i32
    %dma_wait3A_1186 = tpu.memref_slice %arg10[%dma_wait3A_1184, %dma_wait3A_1185] : memref<100x128xf32, #tpu.memory_space<vmem>> -> memref<50x128xf32, #tpu.memory_space<vmem>>
    %dma_wait3A_1187 = arith.constant 0 : i32
    %dma_wait3A_1188 = arith.constant 0 : i32
    %dma_wait3A_1189 = tpu.memref_slice %arg4[%add3A_1183, %dma_wait3A_1187, %dma_wait3A_1188] : memref<4096x50x128xf32, #tpu.memory_space<hbm>> -> memref<1x50x128xf32, #tpu.memory_space<hbm>>
    %dma_wait3A_1190 = tpu.memref_squeeze %dma_wait3A_1189 : memref<1x50x128xf32, #tpu.memory_space<hbm>> -> memref<50x128xf32, #tpu.memory_space<hbm>>
    %dma_wait3A_1191 = arith.constant 0 : i32
    %dma_wait3A_1192 = arith.constant 0 : i32
    %dma_wait3A_1193 = tpu.memref_slice %arg4[%add3A_1183, %dma_wait3A_1191, %dma_wait3A_1192] : memref<4096x50x128xf32, #tpu.memory_space<hbm>> -> memref<1x50x128xf32, #tpu.memory_space<hbm>>
    %dma_wait3A_1194 = tpu.memref_squeeze %dma_wait3A_1193 : memref<1x50x128xf32, #tpu.memory_space<hbm>> -> memref<50x128xf32, #tpu.memory_space<hbm>>
    %dma_wait3A_1195 = arith.constant 0 : i32
    %dma_wait3A_1196 = arith.constant 0 : i32
    %dma_wait3A_1197 = tpu.memref_slice %arg10[%dma_wait3A_1195, %dma_wait3A_1196] : memref<100x128xf32, #tpu.memory_space<vmem>> -> memref<50x128xf32, #tpu.memory_space<vmem>>
    tpu.wait_dma2 semaphore(%arg26 : memref<!tpu.dma_semaphore, #tpu.memory_space<semaphore_mem>>) src(%dma_wait3A_1197 : memref<50x128xf32, #tpu.memory_space<vmem>>) dst(%dma_wait3A_1194 : memref<50x128xf32, #tpu.memory_space<hbm>>)
    %add3A_1198 = arith.constant 120 : i32
    %add3A_1199 = arith.addi %mul3A_2, %add3A_1198 : i32
    %add3A_1200 = arith.constant 1 : i32
    %add3A_1201 = arith.addi %add3A_1199, %add3A_1200 : i32
    %dma_wait3A_1202 = arith.constant 50 : i32
    %dma_wait3A_1203 = arith.constant 0 : i32
    %dma_wait3A_1204 = tpu.memref_slice %arg10[%dma_wait3A_1202, %dma_wait3A_1203] : memref<100x128xf32, #tpu.memory_space<vmem>> -> memref<50x128xf32, #tpu.memory_space<vmem>>
    %dma_wait3A_1205 = arith.constant 0 : i32
    %dma_wait3A_1206 = arith.constant 0 : i32
    %dma_wait3A_1207 = tpu.memref_slice %arg4[%add3A_1201, %dma_wait3A_1205, %dma_wait3A_1206] : memref<4096x50x128xf32, #tpu.memory_space<hbm>> -> memref<1x50x128xf32, #tpu.memory_space<hbm>>
    %dma_wait3A_1208 = tpu.memref_squeeze %dma_wait3A_1207 : memref<1x50x128xf32, #tpu.memory_space<hbm>> -> memref<50x128xf32, #tpu.memory_space<hbm>>
    %dma_wait3A_1209 = arith.constant 0 : i32
    %dma_wait3A_1210 = arith.constant 0 : i32
    %dma_wait3A_1211 = tpu.memref_slice %arg4[%add3A_1201, %dma_wait3A_1209, %dma_wait3A_1210] : memref<4096x50x128xf32, #tpu.memory_space<hbm>> -> memref<1x50x128xf32, #tpu.memory_space<hbm>>
    %dma_wait3A_1212 = tpu.memref_squeeze %dma_wait3A_1211 : memref<1x50x128xf32, #tpu.memory_space<hbm>> -> memref<50x128xf32, #tpu.memory_space<hbm>>
    %dma_wait3A_1213 = arith.constant 50 : i32
    %dma_wait3A_1214 = arith.constant 0 : i32
    %dma_wait3A_1215 = tpu.memref_slice %arg10[%dma_wait3A_1213, %dma_wait3A_1214] : memref<100x128xf32, #tpu.memory_space<vmem>> -> memref<50x128xf32, #tpu.memory_space<vmem>>
    tpu.wait_dma2 semaphore(%arg34 : memref<!tpu.dma_semaphore, #tpu.memory_space<semaphore_mem>>) src(%dma_wait3A_1215 : memref<50x128xf32, #tpu.memory_space<vmem>>) dst(%dma_wait3A_1212 : memref<50x128xf32, #tpu.memory_space<hbm>>)
    %add3A_1216 = arith.constant 122 : i32
    %add3A_1217 = arith.addi %mul3A_2, %add3A_1216 : i32
    %dma_wait3A_1218 = arith.constant 0 : i32
    %dma_wait3A_1219 = arith.constant 0 : i32
    %dma_wait3A_1220 = tpu.memref_slice %arg11[%dma_wait3A_1218, %dma_wait3A_1219] : memref<100x128xf32, #tpu.memory_space<vmem>> -> memref<50x128xf32, #tpu.memory_space<vmem>>
    %dma_wait3A_1221 = arith.constant 0 : i32
    %dma_wait3A_1222 = arith.constant 0 : i32
    %dma_wait3A_1223 = tpu.memref_slice %arg4[%add3A_1217, %dma_wait3A_1221, %dma_wait3A_1222] : memref<4096x50x128xf32, #tpu.memory_space<hbm>> -> memref<1x50x128xf32, #tpu.memory_space<hbm>>
    %dma_wait3A_1224 = tpu.memref_squeeze %dma_wait3A_1223 : memref<1x50x128xf32, #tpu.memory_space<hbm>> -> memref<50x128xf32, #tpu.memory_space<hbm>>
    %dma_wait3A_1225 = arith.constant 0 : i32
    %dma_wait3A_1226 = arith.constant 0 : i32
    %dma_wait3A_1227 = tpu.memref_slice %arg4[%add3A_1217, %dma_wait3A_1225, %dma_wait3A_1226] : memref<4096x50x128xf32, #tpu.memory_space<hbm>> -> memref<1x50x128xf32, #tpu.memory_space<hbm>>
    %dma_wait3A_1228 = tpu.memref_squeeze %dma_wait3A_1227 : memref<1x50x128xf32, #tpu.memory_space<hbm>> -> memref<50x128xf32, #tpu.memory_space<hbm>>
    %dma_wait3A_1229 = arith.constant 0 : i32
    %dma_wait3A_1230 = arith.constant 0 : i32
    %dma_wait3A_1231 = tpu.memref_slice %arg11[%dma_wait3A_1229, %dma_wait3A_1230] : memref<100x128xf32, #tpu.memory_space<vmem>> -> memref<50x128xf32, #tpu.memory_space<vmem>>
    tpu.wait_dma2 semaphore(%arg27 : memref<!tpu.dma_semaphore, #tpu.memory_space<semaphore_mem>>) src(%dma_wait3A_1231 : memref<50x128xf32, #tpu.memory_space<vmem>>) dst(%dma_wait3A_1228 : memref<50x128xf32, #tpu.memory_space<hbm>>)
    %add3A_1232 = arith.constant 122 : i32
    %add3A_1233 = arith.addi %mul3A_2, %add3A_1232 : i32
    %add3A_1234 = arith.constant 1 : i32
    %add3A_1235 = arith.addi %add3A_1233, %add3A_1234 : i32
    %dma_wait3A_1236 = arith.constant 50 : i32
    %dma_wait3A_1237 = arith.constant 0 : i32
    %dma_wait3A_1238 = tpu.memref_slice %arg11[%dma_wait3A_1236, %dma_wait3A_1237] : memref<100x128xf32, #tpu.memory_space<vmem>> -> memref<50x128xf32, #tpu.memory_space<vmem>>
    %dma_wait3A_1239 = arith.constant 0 : i32
    %dma_wait3A_1240 = arith.constant 0 : i32
    %dma_wait3A_1241 = tpu.memref_slice %arg4[%add3A_1235, %dma_wait3A_1239, %dma_wait3A_1240] : memref<4096x50x128xf32, #tpu.memory_space<hbm>> -> memref<1x50x128xf32, #tpu.memory_space<hbm>>
    %dma_wait3A_1242 = tpu.memref_squeeze %dma_wait3A_1241 : memref<1x50x128xf32, #tpu.memory_space<hbm>> -> memref<50x128xf32, #tpu.memory_space<hbm>>
    %dma_wait3A_1243 = arith.constant 0 : i32
    %dma_wait3A_1244 = arith.constant 0 : i32
    %dma_wait3A_1245 = tpu.memref_slice %arg4[%add3A_1235, %dma_wait3A_1243, %dma_wait3A_1244] : memref<4096x50x128xf32, #tpu.memory_space<hbm>> -> memref<1x50x128xf32, #tpu.memory_space<hbm>>
    %dma_wait3A_1246 = tpu.memref_squeeze %dma_wait3A_1245 : memref<1x50x128xf32, #tpu.memory_space<hbm>> -> memref<50x128xf32, #tpu.memory_space<hbm>>
    %dma_wait3A_1247 = arith.constant 50 : i32
    %dma_wait3A_1248 = arith.constant 0 : i32
    %dma_wait3A_1249 = tpu.memref_slice %arg11[%dma_wait3A_1247, %dma_wait3A_1248] : memref<100x128xf32, #tpu.memory_space<vmem>> -> memref<50x128xf32, #tpu.memory_space<vmem>>
    tpu.wait_dma2 semaphore(%arg35 : memref<!tpu.dma_semaphore, #tpu.memory_space<semaphore_mem>>) src(%dma_wait3A_1249 : memref<50x128xf32, #tpu.memory_space<vmem>>) dst(%dma_wait3A_1246 : memref<50x128xf32, #tpu.memory_space<hbm>>)
    %add3A_1250 = arith.constant 124 : i32
    %add3A_1251 = arith.addi %mul3A_2, %add3A_1250 : i32
    %dma_wait3A_1252 = arith.constant 0 : i32
    %dma_wait3A_1253 = arith.constant 0 : i32
    %dma_wait3A_1254 = tpu.memref_slice %arg12[%dma_wait3A_1252, %dma_wait3A_1253] : memref<100x128xf32, #tpu.memory_space<vmem>> -> memref<50x128xf32, #tpu.memory_space<vmem>>
    %dma_wait3A_1255 = arith.constant 0 : i32
    %dma_wait3A_1256 = arith.constant 0 : i32
    %dma_wait3A_1257 = tpu.memref_slice %arg4[%add3A_1251, %dma_wait3A_1255, %dma_wait3A_1256] : memref<4096x50x128xf32, #tpu.memory_space<hbm>> -> memref<1x50x128xf32, #tpu.memory_space<hbm>>
    %dma_wait3A_1258 = tpu.memref_squeeze %dma_wait3A_1257 : memref<1x50x128xf32, #tpu.memory_space<hbm>> -> memref<50x128xf32, #tpu.memory_space<hbm>>
    %dma_wait3A_1259 = arith.constant 0 : i32
    %dma_wait3A_1260 = arith.constant 0 : i32
    %dma_wait3A_1261 = tpu.memref_slice %arg4[%add3A_1251, %dma_wait3A_1259, %dma_wait3A_1260] : memref<4096x50x128xf32, #tpu.memory_space<hbm>> -> memref<1x50x128xf32, #tpu.memory_space<hbm>>
    %dma_wait3A_1262 = tpu.memref_squeeze %dma_wait3A_1261 : memref<1x50x128xf32, #tpu.memory_space<hbm>> -> memref<50x128xf32, #tpu.memory_space<hbm>>
    %dma_wait3A_1263 = arith.constant 0 : i32
    %dma_wait3A_1264 = arith.constant 0 : i32
    %dma_wait3A_1265 = tpu.memref_slice %arg12[%dma_wait3A_1263, %dma_wait3A_1264] : memref<100x128xf32, #tpu.memory_space<vmem>> -> memref<50x128xf32, #tpu.memory_space<vmem>>
    tpu.wait_dma2 semaphore(%arg28 : memref<!tpu.dma_semaphore, #tpu.memory_space<semaphore_mem>>) src(%dma_wait3A_1265 : memref<50x128xf32, #tpu.memory_space<vmem>>) dst(%dma_wait3A_1262 : memref<50x128xf32, #tpu.memory_space<hbm>>)
    %add3A_1266 = arith.constant 124 : i32
    %add3A_1267 = arith.addi %mul3A_2, %add3A_1266 : i32
    %add3A_1268 = arith.constant 1 : i32
    %add3A_1269 = arith.addi %add3A_1267, %add3A_1268 : i32
    %dma_wait3A_1270 = arith.constant 50 : i32
    %dma_wait3A_1271 = arith.constant 0 : i32
    %dma_wait3A_1272 = tpu.memref_slice %arg12[%dma_wait3A_1270, %dma_wait3A_1271] : memref<100x128xf32, #tpu.memory_space<vmem>> -> memref<50x128xf32, #tpu.memory_space<vmem>>
    %dma_wait3A_1273 = arith.constant 0 : i32
    %dma_wait3A_1274 = arith.constant 0 : i32
    %dma_wait3A_1275 = tpu.memref_slice %arg4[%add3A_1269, %dma_wait3A_1273, %dma_wait3A_1274] : memref<4096x50x128xf32, #tpu.memory_space<hbm>> -> memref<1x50x128xf32, #tpu.memory_space<hbm>>
    %dma_wait3A_1276 = tpu.memref_squeeze %dma_wait3A_1275 : memref<1x50x128xf32, #tpu.memory_space<hbm>> -> memref<50x128xf32, #tpu.memory_space<hbm>>
    %dma_wait3A_1277 = arith.constant 0 : i32
    %dma_wait3A_1278 = arith.constant 0 : i32
    %dma_wait3A_1279 = tpu.memref_slice %arg4[%add3A_1269, %dma_wait3A_1277, %dma_wait3A_1278] : memref<4096x50x128xf32, #tpu.memory_space<hbm>> -> memref<1x50x128xf32, #tpu.memory_space<hbm>>
    %dma_wait3A_1280 = tpu.memref_squeeze %dma_wait3A_1279 : memref<1x50x128xf32, #tpu.memory_space<hbm>> -> memref<50x128xf32, #tpu.memory_space<hbm>>
    %dma_wait3A_1281 = arith.constant 50 : i32
    %dma_wait3A_1282 = arith.constant 0 : i32
    %dma_wait3A_1283 = tpu.memref_slice %arg12[%dma_wait3A_1281, %dma_wait3A_1282] : memref<100x128xf32, #tpu.memory_space<vmem>> -> memref<50x128xf32, #tpu.memory_space<vmem>>
    tpu.wait_dma2 semaphore(%arg36 : memref<!tpu.dma_semaphore, #tpu.memory_space<semaphore_mem>>) src(%dma_wait3A_1283 : memref<50x128xf32, #tpu.memory_space<vmem>>) dst(%dma_wait3A_1280 : memref<50x128xf32, #tpu.memory_space<hbm>>)
    %add3A_1284 = arith.constant 126 : i32
    %add3A_1285 = arith.addi %mul3A_2, %add3A_1284 : i32
    %dma_wait3A_1286 = arith.constant 0 : i32
    %dma_wait3A_1287 = arith.constant 0 : i32
    %dma_wait3A_1288 = tpu.memref_slice %arg13[%dma_wait3A_1286, %dma_wait3A_1287] : memref<100x128xf32, #tpu.memory_space<vmem>> -> memref<50x128xf32, #tpu.memory_space<vmem>>
    %dma_wait3A_1289 = arith.constant 0 : i32
    %dma_wait3A_1290 = arith.constant 0 : i32
    %dma_wait3A_1291 = tpu.memref_slice %arg4[%add3A_1285, %dma_wait3A_1289, %dma_wait3A_1290] : memref<4096x50x128xf32, #tpu.memory_space<hbm>> -> memref<1x50x128xf32, #tpu.memory_space<hbm>>
    %dma_wait3A_1292 = tpu.memref_squeeze %dma_wait3A_1291 : memref<1x50x128xf32, #tpu.memory_space<hbm>> -> memref<50x128xf32, #tpu.memory_space<hbm>>
    %dma_wait3A_1293 = arith.constant 0 : i32
    %dma_wait3A_1294 = arith.constant 0 : i32
    %dma_wait3A_1295 = tpu.memref_slice %arg4[%add3A_1285, %dma_wait3A_1293, %dma_wait3A_1294] : memref<4096x50x128xf32, #tpu.memory_space<hbm>> -> memref<1x50x128xf32, #tpu.memory_space<hbm>>
    %dma_wait3A_1296 = tpu.memref_squeeze %dma_wait3A_1295 : memref<1x50x128xf32, #tpu.memory_space<hbm>> -> memref<50x128xf32, #tpu.memory_space<hbm>>
    %dma_wait3A_1297 = arith.constant 0 : i32
    %dma_wait3A_1298 = arith.constant 0 : i32
    %dma_wait3A_1299 = tpu.memref_slice %arg13[%dma_wait3A_1297, %dma_wait3A_1298] : memref<100x128xf32, #tpu.memory_space<vmem>> -> memref<50x128xf32, #tpu.memory_space<vmem>>
    tpu.wait_dma2 semaphore(%arg29 : memref<!tpu.dma_semaphore, #tpu.memory_space<semaphore_mem>>) src(%dma_wait3A_1299 : memref<50x128xf32, #tpu.memory_space<vmem>>) dst(%dma_wait3A_1296 : memref<50x128xf32, #tpu.memory_space<hbm>>)
    %add3A_1300 = arith.constant 126 : i32
    %add3A_1301 = arith.addi %mul3A_2, %add3A_1300 : i32
    %add3A_1302 = arith.constant 1 : i32
    %add3A_1303 = arith.addi %add3A_1301, %add3A_1302 : i32
    %dma_wait3A_1304 = arith.constant 50 : i32
    %dma_wait3A_1305 = arith.constant 0 : i32
    %dma_wait3A_1306 = tpu.memref_slice %arg13[%dma_wait3A_1304, %dma_wait3A_1305] : memref<100x128xf32, #tpu.memory_space<vmem>> -> memref<50x128xf32, #tpu.memory_space<vmem>>
    %dma_wait3A_1307 = arith.constant 0 : i32
    %dma_wait3A_1308 = arith.constant 0 : i32
    %dma_wait3A_1309 = tpu.memref_slice %arg4[%add3A_1303, %dma_wait3A_1307, %dma_wait3A_1308] : memref<4096x50x128xf32, #tpu.memory_space<hbm>> -> memref<1x50x128xf32, #tpu.memory_space<hbm>>
    %dma_wait3A_1310 = tpu.memref_squeeze %dma_wait3A_1309 : memref<1x50x128xf32, #tpu.memory_space<hbm>> -> memref<50x128xf32, #tpu.memory_space<hbm>>
    %dma_wait3A_1311 = arith.constant 0 : i32
    %dma_wait3A_1312 = arith.constant 0 : i32
    %dma_wait3A_1313 = tpu.memref_slice %arg4[%add3A_1303, %dma_wait3A_1311, %dma_wait3A_1312] : memref<4096x50x128xf32, #tpu.memory_space<hbm>> -> memref<1x50x128xf32, #tpu.memory_space<hbm>>
    %dma_wait3A_1314 = tpu.memref_squeeze %dma_wait3A_1313 : memref<1x50x128xf32, #tpu.memory_space<hbm>> -> memref<50x128xf32, #tpu.memory_space<hbm>>
    %dma_wait3A_1315 = arith.constant 50 : i32
    %dma_wait3A_1316 = arith.constant 0 : i32
    %dma_wait3A_1317 = tpu.memref_slice %arg13[%dma_wait3A_1315, %dma_wait3A_1316] : memref<100x128xf32, #tpu.memory_space<vmem>> -> memref<50x128xf32, #tpu.memory_space<vmem>>
    tpu.wait_dma2 semaphore(%arg37 : memref<!tpu.dma_semaphore, #tpu.memory_space<semaphore_mem>>) src(%dma_wait3A_1317 : memref<50x128xf32, #tpu.memory_space<vmem>>) dst(%dma_wait3A_1314 : memref<50x128xf32, #tpu.memory_space<hbm>>)
    return
  }
}

</mosaic_0001>

<sc_bundles>
// kernel: _embed.3.cloned.1.call-start
scs
__scs_entry_jumppad:
0x0: {  	(pc) =	sbr.rel $0x88, $3  }
0x1: {  	(tag) =	ssettag $0x0;
	lr =	simm.s32 $0x1  }
0x2: {  	[smem:$0x3F9F] =	sst lr;
	_ =	strace $0xD0000000  }
0x3: {  	_ = 	snop  }
0x4: {  	_ = 	snop  }
0x5: {  	_ = 	snop  }
0x6: {  	_ = 	snop  }
0x7: {  	_ = 	snop  }
__scs_overlays_trampoline_lowered:
0x8: {  	[smem:$0x3FAE] =	sst s0  }
0x9: {  	[smem:$0x3FAF] =	sst s1  }
0xa: {  	[smem:$0x3FB0] =	sst s2  }
0xb: {  	[smem:$0x3FB1] =	sst s3  }
0xc: {  	[smem:$0x3FB2] =	sst s4  }
0xd: {  	[smem:$0x3FB3] =	sst s5  }
0xe: {  	[smem:$0x3FB4] =	sst s6  }
0xf: {  	[smem:$0x3FB5] =	sst s7  }
0x10: {  	[smem:$0x3FB6] =	sst s8  }
0x11: {  	[smem:$0x3FB7] =	sst s9;
	s0 =	simm.s32 @!p0 $0x0  }
0x12: {  	s1 =	sld [smem:$0x3F9D];
	s0 =	simm.s32 @p0 $0x1  }
0x13: {  	[smem:$0x3FB8] =	sst s0;
	s0 =	simm.s32 @!p1 $0x0  }
0x14: {  	s2 =	sld [smem:$0x3F9C];
	s0 =	simm.s32 @p1 $0x1  }
0x15: {  	[smem:$0x3FB9] =	sst s0;
	s0 =	simm.s32 @!p2 $0x0  }
0x16: {  	s3 =	sld [smem:$0x3FDB];
	s0 =	simm.s32 @p2 $0x1  }
0x17: {  	s4 =	simm.s32 $0x1BF5;
	[smem:$0x3FBB] =	sst s0  }
0x18: {  	s0 =	sld [smem:$0x3F9E];
	_ =	swait.ge [sflag:s4], $0x0  }
0x19: {  	s7 =	sld [smem:$0x3F9F]  }
0x1a: {  	s8 =	sadd.s32 $0xFFFFE003, lr  }
0x1b: {  	s9 =	sadd.s32 $0xFFFFFEF7, lr;
	s5 =	simm.s32 $0xFFFFFFFF;
	p2 =	slt.u32 s8, $0xFFFFF086  }
0x1c: {  	p1 =	slt.u32 s9, $0xF7A;
	s5 =	simm.s32 @!p2 $0x0  }
0x1d: {  	s5 =	simm.s32 @p1 $0x1;
	p0 =	seq.s32 s7, s2  }
0x1e: {  	s7 =	smul.u32 @!p0 $0xF7A, s2;
	p2 =	seq.s32 @!p0 s5, $0x0  }
0x1f: {  	s9 =	smul.u32 $0xF7A, s1;
	s8 =	simm.s32 @!p0 $0x1BF5;
	p2 =	por !p2, p0  }
0x20: {  	[sflag:s8] =	ssyncset.s32 @!p0 $0xFFFFF086;
	s6 =	sadd.s32 @!p0 s3, s7;
	s7 =	simm.s32 @!p0 $0x108  }
0x21: {  	s3 =	sadd.s32 s3, s9;
	s6 =	sadd.s32 @!p0 $0x88, s6;
	s7 =	simm.s32 @p2 $0x1082  }
0x22: {  	[simem:s7], [sflag:s8] =	dma.local @!p0 [hbm:s6], $0xF7A  }
0x23: {  	s9 =	sor.u32 $0xD0000000, s2;
	s6 =	simm.s32 $0x108;
	_ =	swait.ge @!p0 [sflag:s8], $0x0  }
0x24: {  	s3 =	sadd.s32 $0x88, s3;
	s6 =	simm.s32 @!p1 $0x1082;
	[sflag:s4] =	ssyncset.s32 $0xFFFFF086  }
0x25: {  	[simem:s6], [sflag:s4] =	dma.local [hbm:s3], $0xF7A  }
0x26: {  	[smem:$0x3F9F] =	sst s1;
	(tag) =	ssettag s2;
	_ =	strace s9  }
0x27: {  	s1 =	sld [smem:$0x3FAF]  }
0x28: {  	s2 =	sld [smem:$0x3FB0]  }
0x29: {  	s4 =	sld [smem:$0x3FB2]  }
0x2a: {  	p0 =	seq.s32 s5, $0x0;
	s5 =	sld [smem:$0x3FB3]  }
0x2b: {  	s6 =	sld [smem:$0x3FB4]  }
0x2c: {  	s7 =	sld [smem:$0x3FB5]  }
0x2d: {  	s3 =	simm.s32 $0x108;
	s8 =	sld [smem:$0x3FB6]  }
0x2e: {  	s3 =	simm.s32 @!p0 $0x1082;
	s9 =	sld [smem:$0x3FB7]  }
0x2f: {  	lr =	sadd.s32 s0, s3;
	s0 =	sld [smem:$0x3FAE]  }
0x30: {  	s3 =	sld [smem:$0x3FB1]  }
0x31: {  	[smem:$0x3FBA] =	sst s10  }
0x32: {  	s10 =	sld [smem:$0x3FB8];
	_ =	sdelay $0x3  }
0x33: {  	p0 =	seq.s32 s10, $0x1;
	s10 =	sld [smem:$0x3FBA];
	_ =	sdelay $0x3  }
0x34: {  	[smem:$0x3FBA] =	sst s10  }
0x35: {  	s10 =	sld [smem:$0x3FB9];
	_ =	sdelay $0x3  }
0x36: {  	p1 =	seq.s32 s10, $0x1;
	s10 =	sld [smem:$0x3FBA];
	_ =	sdelay $0x3  }
0x37: {  	[smem:$0x3FBA] =	sst s10  }
0x38: {  	s10 =	sld [smem:$0x3FBB]  }
0x39: {  	_ = 	snop;
	(pc) =	sbr.ind lr, $3  }
0x3a: {  	_ = 	snop  }
0x3b: {  	_ = 	snop  }
0x3c: {  	p2 =	seq.s32 s10, $0x1;
	s10 =	sld [smem:$0x3FBA]  }
0x3d: {  	_ =	shalt  }
0x3e: {  	_ =	shalt  }
0x3f: {  	_ =	shalt  }
0x40: {  	_ =	shalt  }
0x41: {  	_ =	shalt  }
0x42: {  	_ =	shalt  }
0x43: {  	_ =	shalt  }
0x44: {  	_ =	shalt  }
0x45: {  	_ =	shalt  }
0x46: {  	_ =	shalt  }
0x47: {  	_ =	shalt  }
0x48: {  	_ =	shalt  }
0x49: {  	_ =	shalt  }
0x4a: {  	_ =	shalt  }
0x4b: {  	_ =	shalt  }
0x4c: {  	_ =	shalt  }
0x4d: {  	_ =	shalt  }
0x4e: {  	_ =	shalt  }
0x4f: {  	_ =	shalt  }
0x50: {  	_ =	shalt  }
0x51: {  	_ =	shalt  }
0x52: {  	_ =	shalt  }
0x53: {  	_ =	shalt  }
0x54: {  	_ =	shalt  }
0x55: {  	_ =	shalt  }
0x56: {  	_ =	shalt  }
0x57: {  	_ =	shalt  }
0x58: {  	_ =	shalt  }
0x59: {  	_ =	shalt  }
0x5a: {  	_ =	shalt  }
0x5b: {  	_ =	shalt  }
0x5c: {  	_ =	shalt  }
0x5d: {  	_ =	shalt  }
0x5e: {  	_ =	shalt  }
0x5f: {  	_ =	shalt  }
0x60: {  	_ =	shalt  }
0x61: {  	_ =	shalt  }
0x62: {  	_ =	shalt  }
0x63: {  	_ =	shalt  }
0x64: {  	_ =	shalt  }
0x65: {  	_ =	shalt  }
0x66: {  	_ =	shalt  }
0x67: {  	_ =	shalt  }
0x68: {  	_ =	shalt  }
0x69: {  	_ =	shalt  }
0x6a: {  	_ =	shalt  }
0x6b: {  	_ =	shalt  }
0x6c: {  	_ =	shalt  }
0x6d: {  	_ =	shalt  }
0x6e: {  	_ =	shalt  }
0x6f: {  	_ =	shalt  }
0x70: {  	_ =	shalt  }
0x71: {  	_ =	shalt  }
0x72: {  	_ =	shalt  }
0x73: {  	_ =	shalt  }
0x74: {  	_ =	shalt  }
0x75: {  	_ =	shalt  }
0x76: {  	_ =	shalt  }
0x77: {  	_ =	shalt  }
0x78: {  	_ =	shalt  }
0x79: {  	_ =	shalt  }
0x7a: {  	_ =	shalt  }
0x7b: {  	_ =	shalt  }
0x7c: {  	_ =	shalt  }
0x7d: {  	_ =	shalt  }
0x7e: {  	_ =	shalt  }
0x7f: {  	_ =	shalt  }
0x80: {  	_ =	shalt  }
0x81: {  	_ =	shalt  }
0x82: {  	_ =	shalt  }
0x83: {  	_ =	shalt  }
0x84: {  	_ =	shalt  }
0x85: {  	_ =	shalt  }
0x86: {  	_ =	shalt  }
0x87: {  	_ =	shalt  }
.Lfunc_end0:
.L_simem_size_0:
called_computation_lowered:
.L_overlay_start_0:
0x88: {  	s2 =	sld [smem:$0x3FD9]  }
0x89: {  	s3 =	sld [smem:$0x3FFE];
	_ =	sdelay $0x1  }
0x8a: {  	s1 =	srdreg.scid  }
0x8b: {  	s0 =	sand.u32 $0x1, s1  }
0x8c: {  	s17 =	sshll.u32 s0, $0xA;
	s2 =	sadd.s32 s3, s2  }
0x8d: {  	s2 =	sadd.s32 s2, s17  }
0x8e: {  	[smem:$0x3FC6] =	sst s2  }
0x8f: {  	_ = 	snop  }
0x90: {  	s2 =	sld [smem:$0x3FC8]  }
0x91: {  	s18 =	sld [smem:$0x3FD0];
	(tm) =	ssettm $0x1  }
0x92: {  	s4 =	sld [smem:$0x3FFB];
	_ =	sdelay $0x3  }
0x93: {  	_ =	strace s4  }
0x94: {  	s4 =	sld [smem:$0x3FFC];
	_ =	sdelay $0x3  }
0x95: {  	_ =	strace s4  }
0x96: {  	s4 =	sld [smem:$0x3FFD];
	_ =	sdelay $0x3  }
0x97: {  	_ =	strace s4  }
0x98: {  	_ =	strace $0x8FFFFFFF  }
0x99: {  	s19 =	sld [smem:$0x3FDB];
	_ =	sdelay $0x1  }
0x9a: {  	s5 =	simm.s32 $_scs_section_size  }
0x9b: {  	s6 =	simm.s32 $_size__tile_overlayer_lowered;
	s7 =	simm.s32 $_tile_overlayer_lowered  }
0x9c: {  	s22 =	simm.s32 $0x1BFF;
	s21 =	sshll.u32 s7, $0x1;
	s4 =	sadd.s32 s5, s19  }
0x9d: {  	s8 =	simm.s32 $0x0;
	s20 =	sshll.u32 s6, $0x1;
	s6 =	sadd.s32 s21, s4  }
0x9e: {  	[timem:s8], [sflag:s22] =	dma.local [hbm:s6], s20  }
0x9f: {  	_ =	swait.ge [sflag:s22], s20  }
0xa0: {  	s5 =	ssub.s32 $0x0, s20;
	[sflag:s22] =	ssyncset.done $0x0  }
0xa1: {  	[sflag:s22] =	ssyncadd.s32 s5;
	_ =	sdelay $0x1  }
0xa2: {  	s23 =	simm.s32 $0x1B8B  }
0xa3: {  	_ =	swait.ge [sflag:s23], $0x1  }
0xa4: {  	[sflag:s23] =	ssyncset.done $0x0  }
0xa5: {  	s25 =	simm.s32 $0x1B8E;
	s24 =	sld [smem:$0x3FFE];
	[sflag:s23] =	ssyncadd.s32 $0xFFFFFFFF  }
0xa6: {  	s26 =	simm.s32 $execute0_lowered;
	[smem:$0x3FD2] =	sst s25  }
0xa7: {  	s6 =	sshll.u32 s26, $0x1;
	_ =	strace $0x80000046;
	[dreg:$0x1] =	wrdreg $0xFFFFFFFF  }
0xa8: {  	s28 =	simm.s32 $_size_execute0_lowered;
	s4 =	sadd.s32 s4, s6;
	[dreg:$0x0] =	wrdreg $0x0  }
0xa9: {  	s6 =	sshll.u32 s28, $0x1;
	[dreg:$0x2] =	wrdreg s4  }
0xaa: {  	[dreg:$0x3] =	wrdreg s6  }
0xab: {  	[dreg:$0x4] =	wrdreg $0xC0  }
0xac: {  	_ =	task [dreg:s8], $0x5FFFF  }
0xad: {  	[dreg:$0x1] =	wrdreg $0xFFFFFFFF  }
0xae: {  	[dreg:$0x0] =	wrdreg $0x60  }
0xaf: {  	[dreg:$0x2] =	wrdreg s2  }
0xb0: {  	[dreg:$0x3] =	wrdreg s18  }
0xb1: {  	[dreg:$0x4] =	wrdreg s24  }
0xb2: {  	[dreg:$0x5] =	wrdreg $0x9  }
0xb3: {  	_ =	task.clear_ibuf [dreg:s8], $0x6FFFF;
	_ =	strace $0x90000046  }
0xb4: {  	s29 =	simm.s32 $0x9;
	_ =	strace $0x80000048  }
0xb5: {  	_ =	swait.ge [sflag:s29], $0x1  }
0xb6: {  	[sflag:s29] =	ssyncadd.s32 $0xFFFFFFFF  }
0xb7: {  	_ =	strace $0x90000048  }
0xb8: {  	_ =	sfence  }
0xb9: {  	s30 =	sld [smem:$0x0];
	_ =	sdelay $0x2  }
0xba: {  	s31 =	sshll.u32 s1, $0xD;
	s1 =	sshrl.u32 s1, $0x2  }
0xbb: {  	s3 =	sand.u32 $0x4000, s31;
	s1 =	sadd.s32 s1, s30  }
0xbc: {  	s0 =	sor.u32 s3, s0;
	s1 =	sshll.u32 s1, $0x11  }
0xbd: {  	s0 =	sor.u32 s1, s0  }
0xbe: {  	s0 =	sadd.s32 $0x8F2B, s0  }
0xbf: {  	[sflag:s0] =	ssyncadd.remote.s32 $0x1  }
0xc0: {  	_ =	sfence.sel $0xFFFF  }
0xc1: {  	[dreg:$0x0] =	wrdreg $0xFFFFFFFF;
	(pc) =	sbr.abs _section_cstart, $3  }
0xc2: {  	[dreg:$0x1] =	wrdreg $0xFFFFFFFF  }
0xc3: {  	_ =	task.clear_ibuf [dreg:s8], $0x2FFFF;
	_ =	strace $0x9FFFFFFF  }
0xc4: {  	(tm) =	ssettm $0x7FFFFFFF  }
0xc5: {  	_ =	shalt  }
tec
execute0_lowered:
.L_overlay_start_1:
0x0: {  	(tag) =	ssettag $0x1  }
0x1: {  	s1 =	rddreg [dreg:$0x0]  }
0x2: {  	s0 =	rddreg [dreg:$0x1]  }
0x3: {  	s2 =	srdreg.scid;
	s10 =	stileid.u32  }
0x4: {  	s4 =	rddreg [dreg:$0x2];
	s2 =	sand.u32 $0x1, s2;
	s15 =	smul.u32 $0x38000, s10  }
0x5: {  	s3 =	simm.s32 $0x0;
	s5 =	sshll.u32 s10, $0x1;
	s12 =	smul.u32 $0xE0000, s2  }
0x6: {  	s5 =	sor.u32 s2, s5;
	s6 =	ssub.s32 $0x2, s2;
	s2 =	smul.u32 $0x1C000, s2  }
0x7: {  	[smem:$0x7FF] =	sst s3;
	s7 =	smul.u32 $0x1C000, s5  }
0x8: {  	s4 =	sadd.s32 $0x400, s4;
	s9 =	smul.u32 $0xE0000, s5;
	s5 =	sshll.u32 s5, $0xA  }
0x9: {  	s31 =	smul.u32 $0x1C0000, s10;
	s18 =	sadd.s32 s15, s4;
	s0 =	sadd.s32 s0, s5  }
0xa: {  	_ =	strace $0x80000047;
	s2 =	sadd.s32 s2, s18;
	[dreg:$0xb] =	wrdreg s0  }
0xb: {  	s11 =	sadd.s32 s4, s7;
	[dreg:$0x4] =	wrdreg s2  }
0xc: {  	s5 =	sadd.s32 s12, s31;
	s21 =	sadd.s32 $0x380, s11;
	[dreg:$0xc] =	wrdreg s11  }
0xd: {  	s20 =	sshrl.u32 s9, $0x3;
	s22 =	sadd.s32 $0x700, s11;
	[dreg:$0xd] =	wrdreg s21  }
0xe: {  	s19 =	sadd.s32 $0x28400, s5;
	s23 =	sadd.s32 $0xA80, s11;
	[dreg:$0xe] =	wrdreg s22  }
0xf: {  	s0 =	sadd.s32 s4, s20;
	s18 =	sadd.s32 $0x1180, s11;
	[dreg:$0xf] =	wrdreg s23  }
0x10: {  	s20 =	sshrl.u32 s19, $0x3;
	s19 =	sadd.s32 $0x1500, s11;
	[smem:$0x7F3] =	sst s18  }
0x11: {  	s24 =	sadd.s32 $0x18800, s0;
	[smem:$0x7F4] =	sst s19  }
0x12: {  	s25 =	sadd.s32 $0x18B80, s0;
	[dreg:$0x10] =	wrdreg s24  }
0x13: {  	s26 =	sadd.s32 $0x18F00, s0;
	[dreg:$0x11] =	wrdreg s25  }
0x14: {  	s8 =	sshrl.u32 s6, $0x1;
	s29 =	sadd.s32 $0x19280, s0;
	[dreg:$0x12] =	wrdreg s26  }
0x15: {  	s6 =	ssub.s32 s6, s8;
	s8 =	sadd.s32 $0x19600, s0;
	[dreg:$0x13] =	wrdreg s29  }
0x16: {  	s9 =	sadd.s32 $0x19980, s0;
	[dreg:$0x14] =	wrdreg s8  }
0x17: {  	s13 =	sadd.s32 $0x19D00, s0;
	[dreg:$0x15] =	wrdreg s9  }
0x18: {  	s14 =	sadd.s32 $0x1A080, s0;
	[dreg:$0x16] =	wrdreg s13  }
0x19: {  	s16 =	sadd.s32 $0x1A400, s0;
	[dreg:$0x17] =	wrdreg s14  }
0x1a: {  	s17 =	sadd.s32 $0x1A780, s0;
	[dreg:$0x18] =	wrdreg s16  }
0x1b: {  	s28 =	simm.s32 $0x14;
	s22 =	sadd.s32 s20, s4;
	[dreg:$0x19] =	wrdreg s17  }
0x1c: {  	s30 =	simm.s32 $0xD;
	s31 =	sadd.s32 $0x1AB00, s0;
	[dreg:$0x5] =	wrdreg s22  }
0x1d: {  	s21 =	sadd.s32 $0x24C00, s5;
	s10 =	sadd.s32 $0x1AE80, s0;
	[dreg:$0x1a] =	wrdreg s31  }
0x1e: {  	s12 =	sadd.s32 $0x1B200, s0;
	s15 =	sadd.s32 $0x1B900, s0;
	[dreg:$0x1b] =	wrdreg s10  }
0x1f: {  	s20 =	sadd.s32 $0x1880, s11;
	s23 =	sshrl.u32 s21, $0x3;
	[dreg:$0x1c] =	wrdreg s12  }
0x20: {  	s25 =	sadd.s32 $0x21400, s5;
	s29 =	sadd.s32 $0x2F400, s5;
	[dreg:$0x1e] =	wrdreg s15  }
0x21: {  	s8 =	sadd.s32 $0x32C00, s5;
	s14 =	sadd.s32 $0x1B580, s0;
	[smem:$0x7F5] =	sst s20  }
0x22: {  	s5 =	sadd.s32 $0x36400, s5;
	s0 =	sadd.s32 $0x1BC80, s0;
	[dreg:$0x1d] =	wrdreg s14  }
0x23: {  	s16 =	smax.u32 s6, $0x1;
	s17 =	sadd.s32 $0xE00, s11;
	[dreg:$0x1f] =	wrdreg s0  }
0x24: {  	s21 =	sadd.s32 $0x1C00, s11;
	s22 =	sadd.s32 $0x1F80, s11;
	[smem:$0x7F1] =	sst s16  }
0x25: {  	s31 =	sadd.s32 $0x3480, s11;
	s10 =	simm.s32 $0x13;
	[smem:$0x7F2] =	sst s17  }
0x26: {  	s12 =	simm.s32 $0xF;
	s15 =	simm.s32 $0x18;
	[smem:$0x7F6] =	sst s21  }
0x27: {  	s24 =	sadd.s32 s23, s4;
	s26 =	sshrl.u32 s25, $0x3;
	[smem:$0x7F7] =	sst s22  }
0x28: {  	s7 =	sshrl.u32 s29, $0x3;
	s9 =	sshrl.u32 s8, $0x3;
	[smem:$0x7FD] =	sst s31  }
0x29: {  	s5 =	sshrl.u32 s5, $0x3;
	s23 =	sadd.s32 $0x2300, s11;
	[dreg:$0x6] =	wrdreg s24  }
0x2a: {  	s25 =	sadd.s32 $0x2A00, s11;
	s29 =	sadd.s32 $0x3100, s11;
	[smem:$0x7F8] =	sst s23  }
0x2b: {  	s21 =	simm.s32 $0x8;
	s14 =	simm.s32 $0x10;
	[smem:$0x7FA] =	sst s25  }
0x2c: {  	s0 =	simm.s32 $0x0;
	s2 =	sadd.s32 s26, s4;
	[smem:$0x7FC] =	sst s29  }
0x2d: {  	s7 =	sadd.s32 s7, s4;
	s13 =	sadd.s32 s5, s4;
	[dreg:$0x7] =	wrdreg s2  }
0x2e: {  	s24 =	sadd.s32 $0x2680, s11;
	s26 =	sadd.s32 $0x2D80, s11;
	[dreg:$0x8] =	wrdreg s7  }
0x2f: {  	s11 =	simm.s32 $0x64;
	s5 =	simm.s32 $0xB;
	[dreg:$0xa] =	wrdreg s13  }
0x30: {  	s25 =	simm.s32 $0xC;
	s23 =	simm.s32 $0x16;
	[smem:$0x7F9] =	sst s24  }
0x31: {  	s2 =	sadd.s32 s9, s4;
	[smem:$0x7FB] =	sst s26;
	s4 =	simm.s32 $0x15  }
0x32: {  	s9 =	simm.s32 $0xE;
	s13 =	simm.s32 $0x17;
	[dreg:$0x9] =	wrdreg s2  }
.LBB2_1:
0x33: {  	[smem:$0x7F0] =	sst s0  }
0x34: {  	s16 =	rddreg [dreg:$0xb];
	s26 =	simm.s32 $0x19  }
0x35: {  	[tilespmem:s3], [sflag:$0x19] =	stream.linear.gather [hbm4b:s16+s3], $0x2000, $0x38;
	[tilespmem:$0x1C000] =	vst v63  }
0x36: {  	_ =	swait.ge [sflag:s26], $0x2000  }
0x37: {  	[sflag:s26] =	ssyncset.done $0x0  }
0x38: {  	[sflag:s26] =	ssyncadd.s32 $0xFFFFE000;
	s26 =	simm.s32 $0x2000  }
0x39: {  	[tilespmem:s26], [sflag:$0x1] =	stream.indirect.gather [hbm4b:s1+s11], $0x80, s3, s11, $0xb8;
	[tilespmem:$0x1C000] =	vst v63  }
0x3a: {  	s29 =	simm.s32 $0x80;
	s31 =	simm.s32 $0x5400  }
0x3b: {  	[tilespmem:s31], [sflag:$0x2] =	stream.indirect.gather [hbm4b:s1+s11], $0x80, s29, s11, $0xb8;
	[tilespmem:$0x1C000] =	vst v63  }
0x3c: {  	s2 =	simm.s32 $0x100;
	s6 =	simm.s32 $0x8800  }
0x3d: {  	[tilespmem:s6], [sflag:$0x3] =	stream.indirect.gather [hbm4b:s1+s11], $0x80, s2, s11, $0xb8;
	[tilespmem:$0x1C000] =	vst v63  }
0x3e: {  	s29 =	simm.s32 $0xBC00;
	s2 =	simm.s32 $0x180  }
0x3f: {  	[tilespmem:s29], [sflag:$0x4] =	stream.indirect.gather [hbm4b:s1+s11], $0x80, s2, s11, $0xb8;
	[tilespmem:$0x1C000] =	vst v63  }
0x40: {  	s8 =	simm.s32 $0x200;
	s16 =	simm.s32 $0xF000  }
0x41: {  	[tilespmem:s16], [sflag:$0x5] =	stream.indirect.gather [hbm4b:s1+s11], $0x80, s8, s11, $0xb8;
	[tilespmem:$0x1C000] =	vst v63  }
0x42: {  	s17 =	simm.s32 $0x280;
	s18 =	simm.s32 $0x12400  }
0x43: {  	[tilespmem:s18], [sflag:$0x6] =	stream.indirect.gather [hbm4b:s1+s11], $0x80, s17, s11, $0xb8;
	[tilespmem:$0x1C000] =	vst v63  }
0x44: {  	s19 =	simm.s32 $0x300;
	s22 =	simm.s32 $0x15800  }
0x45: {  	[tilespmem:s22], [sflag:$0x7] =	stream.indirect.gather [hbm4b:s1+s11], $0x80, s19, s11, $0xb8;
	[tilespmem:$0x1C000] =	vst v63  }
0x46: {  	s24 =	simm.s32 $0x380;
	s0 =	simm.s32 $0x1;
	s31 =	simm.s32 $0x18C00  }
0x47: {  	[tilespmem:s31], [sflag:$0x8] =	stream.indirect.gather [hbm4b:s1+s11], $0x80, s24, s11, $0xb8;
	[tilespmem:$0x1C000] =	vst v63  }
0x48: {  	_ =	swait.ge [sflag:s0], $0x3200  }
0x49: {  	[sflag:s0] =	ssyncset.done $0x0  }
0x4a: {  	s2 =	rddreg [dreg:$0xc];
	[sflag:s0] =	ssyncadd.s32 $0xFFFFCE00  }
0x4b: {  	[hbm4b:s2+s3] =	stream.linear.scatter [tilespmem:s26], [sflag:$0x9], $0x1900, $0x38;
	[tilespmem:$0x1C000] =	vst v63  }
0x4c: {  	s18 =	simm.s32 $0x3900;
	s17 =	rddreg [dreg:$0xd]  }
0x4d: {  	[hbm4b:s17+s3] =	stream.linear.scatter [tilespmem:s18], [sflag:$0x11], $0x1900, $0x38;
	[tilespmem:$0x1C000] =	vst v63  }
0x4e: {  	s18 =	simm.s32 $0x2  }
0x4f: {  	_ =	swait.ge [sflag:s18], $0x3200  }
0x50: {  	[sflag:s18] =	ssyncset.done $0x0  }
0x51: {  	s7 =	simm.s32 $0x5400;
	s19 =	rddreg [dreg:$0xe];
	[sflag:s18] =	ssyncadd.s32 $0xFFFFCE00  }
0x52: {  	[hbm4b:s19+s3] =	stream.linear.scatter [tilespmem:s7], [sflag:$0xA], $0x1900, $0x38;
	[tilespmem:$0x1C000] =	vst v63  }
0x53: {  	s31 =	simm.s32 $0x6D00;
	s22 =	rddreg [dreg:$0xf]  }
0x54: {  	[hbm4b:s22+s3] =	stream.linear.scatter [tilespmem:s31], [sflag:$0x12], $0x1900, $0x38;
	[tilespmem:$0x1C000] =	vst v63  }
0x55: {  	s31 =	simm.s32 $0x3  }
0x56: {  	_ =	swait.ge [sflag:s31], $0x3200  }
0x57: {  	s2 =	sld [smem:$0x7F2]  }
0x58: {  	[sflag:s31] =	ssyncset.done $0x0  }
0x59: {  	s6 =	simm.s32 $0x8800;
	[sflag:s31] =	ssyncadd.s32 $0xFFFFCE00  }
0x5a: {  	[hbm4b:s2+s3] =	stream.linear.scatter [tilespmem:s6], [sflag:$0xB], $0x1900, $0x38;
	[tilespmem:$0x1C000] =	vst v63  }
0x5b: {  	s6 =	sld [smem:$0x7F3];
	_ =	sdelay $0x1  }
0x5c: {  	s7 =	simm.s32 $0xA100;
	s2 =	simm.s32 $0x4  }
0x5d: {  	[hbm4b:s6+s3] =	stream.linear.scatter [tilespmem:s7], [sflag:$0x13], $0x1900, $0x38;
	[tilespmem:$0x1C000] =	vst v63  }
0x5e: {  	_ =	swait.ge [sflag:s2], $0x3200  }
0x5f: {  	s17 =	sld [smem:$0x7F4]  }
0x60: {  	[sflag:s2] =	ssyncset.done $0x0  }
0x61: {  	s19 =	sld [smem:$0x7F5];
	[sflag:s2] =	ssyncadd.s32 $0xFFFFCE00  }
0x62: {  	[hbm4b:s17+s3] =	stream.linear.scatter [tilespmem:s29], [sflag:$0xC], $0x1900, $0x38;
	[tilespmem:$0x1C000] =	vst v63  }
0x63: {  	s22 =	simm.s32 $0xD500;
	s6 =	simm.s32 $0x5  }
0x64: {  	[hbm4b:s19+s3] =	stream.linear.scatter [tilespmem:s22], [sflag:$0x14], $0x1900, $0x38;
	[tilespmem:$0x1C000] =	vst v63  }
0x65: {  	_ =	swait.ge [sflag:s6], $0x3200  }
0x66: {  	s7 =	sld [smem:$0x7F6]  }
0x67: {  	[sflag:s6] =	ssyncset.done $0x0  }
0x68: {  	s8 =	simm.s32 $0xF000;
	s17 =	sld [smem:$0x7F7];
	[sflag:s6] =	ssyncadd.s32 $0xFFFFCE00  }
0x69: {  	[hbm4b:s7+s3] =	stream.linear.scatter [tilespmem:s8], [sflag:$0xD], $0x1900, $0x38;
	[tilespmem:$0x1C000] =	vst v63  }
0x6a: {  	s19 =	simm.s32 $0x10900;
	s7 =	simm.s32 $0x9  }
0x6b: {  	[hbm4b:s17+s3] =	stream.linear.scatter [tilespmem:s19], [sflag:$0x15], $0x1900, $0x38;
	[tilespmem:$0x1C000] =	vst v63  }
0x6c: {  	_ =	swait.ge [sflag:s7], $0x1900  }
0x6d: {  	[sflag:s7] =	ssyncset.done $0x0  }
0x6e: {  	s8 =	simm.s32 $0x11;
	[sflag:s7] =	ssyncadd.s32 $0xFFFFE700  }
0x6f: {  	_ =	swait.ge [sflag:s8], $0x1900  }
0x70: {  	[sflag:s8] =	ssyncset.done $0x0  }
0x71: {  	s22 =	simm.s32 $0x400;
	s19 =	simm.s32 $0x6;
	[sflag:s8] =	ssyncadd.s32 $0xFFFFE700  }
0x72: {  	[tilespmem:s26], [sflag:$0x1] =	stream.indirect.gather [hbm4b:s1+s11], $0x80, s22, s11, $0xb8;
	[tilespmem:$0x1C000] =	vst v63  }
0x73: {  	_ =	swait.ge [sflag:s19], $0x3200  }
0x74: {  	s17 =	sld [smem:$0x7F8]  }
0x75: {  	[sflag:s19] =	ssyncset.done $0x0  }
0x76: {  	s20 =	simm.s32 $0x12400;
	s22 =	sld [smem:$0x7F9];
	[sflag:s19] =	ssyncadd.s32 $0xFFFFCE00  }
0x77: {  	[hbm4b:s17+s3] =	stream.linear.scatter [tilespmem:s20], [sflag:$0xE], $0x1900, $0x38;
	[tilespmem:$0x1C000] =	vst v63  }
0x78: {  	s17 =	simm.s32 $0x13D00;
	s20 =	simm.s32 $0xA  }
0x79: {  	[hbm4b:s22+s3] =	stream.linear.scatter [tilespmem:s17], [sflag:$0x16], $0x1900, $0x38;
	[tilespmem:$0x1C000] =	vst v63  }
0x7a: {  	_ =	swait.ge [sflag:s20], $0x1900  }
0x7b: {  	[sflag:s20] =	ssyncset.done $0x0  }
0x7c: {  	s22 =	simm.s32 $0x12;
	[sflag:s20] =	ssyncadd.s32 $0xFFFFE700  }
0x7d: {  	_ =	swait.ge [sflag:s22], $0x1900  }
0x7e: {  	[sflag:s22] =	ssyncset.done $0x0  }
0x7f: {  	s24 =	simm.s32 $0x5400;
	s17 =	simm.s32 $0x480;
	[sflag:s22] =	ssyncadd.s32 $0xFFFFE700  }
0x80: {  	[tilespmem:s24], [sflag:$0x2] =	stream.indirect.gather [hbm4b:s1+s11], $0x80, s17, s11, $0xb8;
	[tilespmem:$0x1C000] =	vst v63  }
0x81: {  	s24 =	simm.s32 $0x7  }
0x82: {  	_ =	swait.ge [sflag:s24], $0x3200  }
0x83: {  	s16 =	sld [smem:$0x7FA]  }
0x84: {  	[sflag:s24] =	ssyncset.done $0x0  }
0x85: {  	s17 =	simm.s32 $0x15800;
	[sflag:s24] =	ssyncadd.s32 $0xFFFFCE00  }
0x86: {  	[hbm4b:s16+s3] =	stream.linear.scatter [tilespmem:s17], [sflag:$0xF], $0x1900, $0x38;
	[tilespmem:$0x1C000] =	vst v63  }
0x87: {  	s16 =	sld [smem:$0x7FB];
	_ =	sdelay $0x1  }
0x88: {  	s17 =	simm.s32 $0x17100  }
0x89: {  	[hbm4b:s16+s3] =	stream.linear.scatter [tilespmem:s17], [sflag:$0x17], $0x1900, $0x38;
	[tilespmem:$0x1C000] =	vst v63  }
0x8a: {  	_ =	swait.ge [sflag:s5], $0x1900  }
0x8b: {  	[sflag:s5] =	ssyncset.done $0x0  }
0x8c: {  	[sflag:s5] =	ssyncadd.s32 $0xFFFFE700  }
0x8d: {  	_ =	swait.ge [sflag:s10], $0x1900  }
0x8e: {  	[sflag:s10] =	ssyncset.done $0x0  }
0x8f: {  	s16 =	simm.s32 $0x500;
	s17 =	simm.s32 $0x8800;
	[sflag:s10] =	ssyncadd.s32 $0xFFFFE700  }
0x90: {  	[tilespmem:s17], [sflag:$0x3] =	stream.indirect.gather [hbm4b:s1+s11], $0x80, s16, s11, $0xb8;
	[tilespmem:$0x1C000] =	vst v63  }
0x91: {  	_ =	swait.ge [sflag:s21], $0x3200  }
0x92: {  	s16 =	sld [smem:$0x7FC]  }
0x93: {  	[sflag:s21] =	ssyncset.done $0x0  }
0x94: {  	s17 =	simm.s32 $0x18C00;
	[sflag:s21] =	ssyncadd.s32 $0xFFFFCE00  }
0x95: {  	[hbm4b:s16+s3] =	stream.linear.scatter [tilespmem:s17], [sflag:$0x10], $0x1900, $0x38;
	[tilespmem:$0x1C000] =	vst v63  }
0x96: {  	s16 =	sld [smem:$0x7FD];
	_ =	sdelay $0x1  }
0x97: {  	s17 =	simm.s32 $0x1A500  }
0x98: {  	[hbm4b:s16+s3] =	stream.linear.scatter [tilespmem:s17], [sflag:$0x18], $0x1900, $0x38;
	[tilespmem:$0x1C000] =	vst v63  }
0x99: {  	_ =	swait.ge [sflag:s25], $0x1900  }
0x9a: {  	[sflag:s25] =	ssyncset.done $0x0  }
0x9b: {  	[sflag:s25] =	ssyncadd.s32 $0xFFFFE700  }
0x9c: {  	_ =	swait.ge [sflag:s28], $0x1900  }
0x9d: {  	[sflag:s28] =	ssyncset.done $0x0  }
0x9e: {  	s17 =	simm.s32 $0x580;
	[sflag:s28] =	ssyncadd.s32 $0xFFFFE700  }
0x9f: {  	[tilespmem:s29], [sflag:$0x4] =	stream.indirect.gather [hbm4b:s1+s11], $0x80, s17, s11, $0xb8;
	[tilespmem:$0x1C000] =	vst v63  }
0xa0: {  	_ =	swait.ge [sflag:s0], $0x3200  }
0xa1: {  	s17 =	rddreg [dreg:$0x4]  }
0xa2: {  	[sflag:s0] =	ssyncset.done $0x0;
	s16 =	sadd.s32 $0x0, s17  }
0xa3: {  	[sflag:s0] =	ssyncadd.s32 $0xFFFFCE00;
	s0 =	sadd.s32 $0x3800, s16  }
0xa4: {  	[hbm4b:s0+s3] =	stream.linear.scatter [tilespmem:s26], [sflag:$0x9], $0x1900, $0x38;
	[tilespmem:$0x1C000] =	vst v63  }
0xa5: {  	s17 =	sadd.s32 $0x3B80, s16;
	s0 =	simm.s32 $0x3900  }
0xa6: {  	[hbm4b:s17+s3] =	stream.linear.scatter [tilespmem:s0], [sflag:$0x11], $0x1900, $0x38;
	[tilespmem:$0x1C000] =	vst v63  }
0xa7: {  	_ =	swait.ge [sflag:s30], $0x1900  }
0xa8: {  	[sflag:s30] =	ssyncset.done $0x0  }
0xa9: {  	[sflag:s30] =	ssyncadd.s32 $0xFFFFE700  }
0xaa: {  	_ =	swait.ge [sflag:s4], $0x1900  }
0xab: {  	[sflag:s4] =	ssyncset.done $0x0  }
0xac: {  	s17 =	simm.s32 $0x600;
	s0 =	simm.s32 $0xF000;
	[sflag:s4] =	ssyncadd.s32 $0xFFFFE700  }
0xad: {  	[tilespmem:s0], [sflag:$0x5] =	stream.indirect.gather [hbm4b:s1+s11], $0x80, s17, s11, $0xb8;
	[tilespmem:$0x1C000] =	vst v63  }
0xae: {  	_ =	swait.ge [sflag:s18], $0x3200  }
0xaf: {  	s0 =	simm.s32 $0x5400;
	[sflag:s18] =	ssyncset.done $0x0  }
0xb0: {  	s17 =	rddreg [dreg:$0x7];
	[sflag:s18] =	ssyncadd.s32 $0xFFFFCE00;
	s18 =	sadd.s32 $0x3F00, s16  }
0xb1: {  	[hbm4b:s18+s3] =	stream.linear.scatter [tilespmem:s0], [sflag:$0xA], $0x1900, $0x38;
	[tilespmem:$0x1C000] =	vst v63  }
0xb2: {  	s17 =	sadd.s32 $0x0, s17;
	s18 =	simm.s32 $0x6D00  }
0xb3: {  	[hbm4b:s17+s3] =	stream.linear.scatter [tilespmem:s18], [sflag:$0x12], $0x1900, $0x38;
	[tilespmem:$0x1C000] =	vst v63  }
0xb4: {  	_ =	swait.ge [sflag:s9], $0x1900  }
0xb5: {  	[sflag:s9] =	ssyncset.done $0x0  }
0xb6: {  	[sflag:s9] =	ssyncadd.s32 $0xFFFFE700  }
0xb7: {  	_ =	swait.ge [sflag:s23], $0x1900  }
0xb8: {  	[sflag:s23] =	ssyncset.done $0x0  }
0xb9: {  	s0 =	simm.s32 $0x680;
	s18 =	simm.s32 $0x12400;
	[sflag:s23] =	ssyncadd.s32 $0xFFFFE700  }
0xba: {  	[tilespmem:s18], [sflag:$0x6] =	stream.indirect.gather [hbm4b:s1+s11], $0x80, s0, s11, $0xb8;
	[tilespmem:$0x1C000] =	vst v63  }
0xbb: {  	_ =	swait.ge [sflag:s31], $0x3200  }
0xbc: {  	s0 =	sadd.s32 $0x4600, s16;
	[sflag:s31] =	ssyncset.done $0x0  }
0xbd: {  	s17 =	rddreg [dreg:$0x6];
	[sflag:s31] =	ssyncadd.s32 $0xFFFFCE00;
	s31 =	simm.s32 $0x8800  }
0xbe: {  	[hbm4b:s0+s3] =	stream.linear.scatter [tilespmem:s31], [sflag:$0xB], $0x1900, $0x38;
	[tilespmem:$0x1C000] =	vst v63  }
0xbf: {  	s17 =	sadd.s32 $0x0, s17;
	s31 =	simm.s32 $0xA100  }
0xc0: {  	[hbm4b:s17+s3] =	stream.linear.scatter [tilespmem:s31], [sflag:$0x13], $0x1900, $0x38;
	[tilespmem:$0x1C000] =	vst v63  }
0xc1: {  	_ =	swait.ge [sflag:s12], $0x1900  }
0xc2: {  	[sflag:s12] =	ssyncset.done $0x0  }
0xc3: {  	[sflag:s12] =	ssyncadd.s32 $0xFFFFE700  }
0xc4: {  	_ =	swait.ge [sflag:s13], $0x1900  }
0xc5: {  	[sflag:s13] =	ssyncset.done $0x0  }
0xc6: {  	s18 =	simm.s32 $0x700;
	s31 =	simm.s32 $0x15800;
	[sflag:s13] =	ssyncadd.s32 $0xFFFFE700  }
0xc7: {  	[tilespmem:s31], [sflag:$0x7] =	stream.indirect.gather [hbm4b:s1+s11], $0x80, s18, s11, $0xb8;
	[tilespmem:$0x1C000] =	vst v63  }
0xc8: {  	_ =	swait.ge [sflag:s2], $0x3200  }
0xc9: {  	[sflag:s2] =	ssyncset.done $0x0  }
0xca: {  	s0 =	rddreg [dreg:$0x5];
	[sflag:s2] =	ssyncadd.s32 $0xFFFFCE00;
	s2 =	sadd.s32 $0x4D00, s16  }
0xcb: {  	[hbm4b:s2+s3] =	stream.linear.scatter [tilespmem:s29], [sflag:$0xC], $0x1900, $0x38;
	[tilespmem:$0x1C000] =	vst v63  }
0xcc: {  	s17 =	sadd.s32 $0x0, s0;
	s29 =	simm.s32 $0xD500  }
0xcd: {  	[hbm4b:s17+s3] =	stream.linear.scatter [tilespmem:s29], [sflag:$0x14], $0x1900, $0x38;
	[tilespmem:$0x1C000] =	vst v63  }
0xce: {  	_ =	swait.ge [sflag:s14], $0x1900  }
0xcf: {  	[sflag:s14] =	ssyncset.done $0x0  }
0xd0: {  	[sflag:s14] =	ssyncadd.s32 $0xFFFFE700  }
0xd1: {  	_ =	swait.ge [sflag:s15], $0x1900  }
0xd2: {  	[sflag:s15] =	ssyncset.done $0x0  }
0xd3: {  	s0 =	simm.s32 $0x18C00;
	s2 =	simm.s32 $0x780;
	[sflag:s15] =	ssyncadd.s32 $0xFFFFE700  }
0xd4: {  	[tilespmem:s0], [sflag:$0x8] =	stream.indirect.gather [hbm4b:s1+s11], $0x80, s2, s11, $0xb8;
	[tilespmem:$0x1C000] =	vst v63  }
0xd5: {  	_ =	swait.ge [sflag:s6], $0x3200  }
0xd6: {  	[sflag:s6] =	ssyncset.done $0x0  }
0xd7: {  	s18 =	sadd.s32 $0x5400, s16;
	s29 =	simm.s32 $0xF000;
	[sflag:s6] =	ssyncadd.s32 $0xFFFFCE00  }
0xd8: {  	[hbm4b:s18+s3] =	stream.linear.scatter [tilespmem:s29], [sflag:$0xD], $0x1900, $0x38;
	[tilespmem:$0x1C000] =	vst v63  }
0xd9: {  	s2 =	sadd.s32 $0x5780, s16;
	s6 =	simm.s32 $0x10900  }
0xda: {  	[hbm4b:s2+s3] =	stream.linear.scatter [tilespmem:s6], [sflag:$0x15], $0x1900, $0x38;
	[tilespmem:$0x1C000] =	vst v63  }
0xdb: {  	_ =	swait.ge [sflag:s7], $0x1900  }
0xdc: {  	[sflag:s7] =	ssyncset.done $0x0  }
0xdd: {  	[sflag:s7] =	ssyncadd.s32 $0xFFFFE700  }
0xde: {  	_ =	swait.ge [sflag:s8], $0x1900  }
0xdf: {  	[sflag:s8] =	ssyncset.done $0x0  }
0xe0: {  	s7 =	simm.s32 $0x800;
	[sflag:s8] =	ssyncadd.s32 $0xFFFFE700  }
0xe1: {  	[tilespmem:s26], [sflag:$0x1] =	stream.indirect.gather [hbm4b:s1+s11], $0x80, s7, s11, $0xb8;
	[tilespmem:$0x1C000] =	vst v63  }
0xe2: {  	_ =	swait.ge [sflag:s19], $0x3200  }
0xe3: {  	s26 =	simm.s32 $0x12400;
	[sflag:s19] =	ssyncset.done $0x0  }
0xe4: {  	s8 =	rddreg [dreg:$0x8];
	[sflag:s19] =	ssyncadd.s32 $0xFFFFCE00;
	s19 =	sadd.s32 $0x5B00, s16  }
0xe5: {  	[hbm4b:s19+s3] =	stream.linear.scatter [tilespmem:s26], [sflag:$0xE], $0x1900, $0x38;
	[tilespmem:$0x1C000] =	vst v63  }
0xe6: {  	s29 =	simm.s32 $0x13D00;
	s17 =	sadd.s32 $0x0, s8  }
0xe7: {  	[hbm4b:s17+s3] =	stream.linear.scatter [tilespmem:s29], [sflag:$0x16], $0x1900, $0x38;
	[tilespmem:$0x1C000] =	vst v63  }
0xe8: {  	_ =	swait.ge [sflag:s20], $0x1900  }
0xe9: {  	[sflag:s20] =	ssyncset.done $0x0  }
0xea: {  	[sflag:s20] =	ssyncadd.s32 $0xFFFFE700  }
0xeb: {  	_ =	swait.ge [sflag:s22], $0x1900  }
0xec: {  	[sflag:s22] =	ssyncset.done $0x0  }
0xed: {  	s6 =	simm.s32 $0x880;
	s7 =	simm.s32 $0x5400;
	[sflag:s22] =	ssyncadd.s32 $0xFFFFE700  }
0xee: {  	[tilespmem:s7], [sflag:$0x2] =	stream.indirect.gather [hbm4b:s1+s11], $0x80, s6, s11, $0xb8;
	[tilespmem:$0x1C000] =	vst v63  }
0xef: {  	_ =	swait.ge [sflag:s24], $0x3200  }
0xf0: {  	[sflag:s24] =	ssyncset.done $0x0  }
0xf1: {  	s19 =	sadd.s32 $0x6200, s16;
	s8 =	rddreg [dreg:$0x9];
	[sflag:s24] =	ssyncadd.s32 $0xFFFFCE00  }
0xf2: {  	[hbm4b:s19+s3] =	stream.linear.scatter [tilespmem:s31], [sflag:$0xF], $0x1900, $0x38;
	[tilespmem:$0x1C000] =	vst v63  }
0xf3: {  	s20 =	simm.s32 $0x17100;
	s17 =	sadd.s32 $0x0, s8  }
0xf4: {  	[hbm4b:s17+s3] =	stream.linear.scatter [tilespmem:s20], [sflag:$0x17], $0x1900, $0x38;
	[tilespmem:$0x1C000] =	vst v63  }
0xf5: {  	_ =	swait.ge [sflag:s5], $0x1900  }
0xf6: {  	[sflag:s5] =	ssyncset.done $0x0  }
0xf7: {  	[sflag:s5] =	ssyncadd.s32 $0xFFFFE700  }
0xf8: {  	_ =	swait.ge [sflag:s10], $0x1900  }
0xf9: {  	[sflag:s10] =	ssyncset.done $0x0  }
0xfa: {  	s22 =	simm.s32 $0x900;
	s24 =	simm.s32 $0x8800;
	[sflag:s10] =	ssyncadd.s32 $0xFFFFE700  }
0xfb: {  	[tilespmem:s24], [sflag:$0x3] =	stream.indirect.gather [hbm4b:s1+s11], $0x80, s22, s11, $0xb8;
	[tilespmem:$0x1C000] =	vst v63  }
0xfc: {  	_ =	swait.ge [sflag:s21], $0x3200  }
0xfd: {  	[sflag:s21] =	ssyncset.done $0x0  }
0xfe: {  	s16 =	sadd.s32 $0x6900, s16;
	s26 =	rddreg [dreg:$0xa];
	[sflag:s21] =	ssyncadd.s32 $0xFFFFCE00  }
0xff: {  	[hbm4b:s16+s3] =	stream.linear.scatter [tilespmem:s0], [sflag:$0x10], $0x1900, $0x38;
	[tilespmem:$0x1C000] =	vst v63  }
0x100: {  	s31 =	simm.s32 $0x1A500;
	s29 =	sadd.s32 $0x0, s26  }
0x101: {  	[hbm4b:s29+s3] =	stream.linear.scatter [tilespmem:s31], [sflag:$0x18], $0x1900, $0x38;
	[tilespmem:$0x1C000] =	vst v63  }
0x102: {  	_ =	swait.ge [sflag:s25], $0x1900  }
0x103: {  	[sflag:s25] =	ssyncset.done $0x0  }
0x104: {  	[sflag:s25] =	ssyncadd.s32 $0xFFFFE700  }
0x105: {  	_ =	swait.ge [sflag:s28], $0x1900  }
0x106: {  	s18 =	simm.s32 $0xD80;
	[sflag:s28] =	ssyncset.done $0x0  }
0x107: {  	s17 =	simm.s32 $0x3800;
	s16 =	simm.s32 $0x980;
	[sflag:s28] =	ssyncadd.s32 $0xFFFFE700  }
.LBB2_2:
0x108: {  	s29 =	simm.s32 $0xBC00;
	s0 =	simm.s32 $0x1  }
0x109: {  	[tilespmem:s29], [sflag:$0x4] =	stream.indirect.gather [hbm4b:s1+s11], $0x80, s16, s11, $0xb8;
	[tilespmem:$0x1C000] =	vst v63  }
0x10a: {  	_ =	swait.ge [sflag:s0], $0x3200  }
0x10b: {  	s19 =	smov.u32 s17;
	s20 =	rddreg [dreg:$0x4]  }
0x10c: {  	[sflag:s0] =	ssyncset.done $0x0;
	s20 =	sadd.s32 s19, s20  }
0x10d: {  	s26 =	simm.s32 $0x2000;
	[sflag:s0] =	ssyncadd.s32 $0xFFFFCE00;
	s22 =	sadd.s32 $0x3800, s20  }
0x10e: {  	[hbm4b:s22+s3] =	stream.linear.scatter [tilespmem:s26], [sflag:$0x9], $0x1900, $0x38;
	[tilespmem:$0x1C000] =	vst v63  }
0x10f: {  	s31 =	simm.s32 $0x3900;
	s24 =	sadd.s32 $0x3B80, s20  }
0x110: {  	[hbm4b:s24+s3] =	stream.linear.scatter [tilespmem:s31], [sflag:$0x11], $0x1900, $0x38;
	[tilespmem:$0x1C000] =	vst v63  }
0x111: {  	_ =	swait.ge [sflag:s30], $0x1900  }
0x112: {  	[sflag:s30] =	ssyncset.done $0x0  }
0x113: {  	[sflag:s30] =	ssyncadd.s32 $0xFFFFE700  }
0x114: {  	_ =	swait.ge [sflag:s4], $0x1900  }
0x115: {  	[sflag:s4] =	ssyncset.done $0x0  }
0x116: {  	s2 =	sadd.s32 $0xFFFFFC80, s18;
	s0 =	simm.s32 $0xF000;
	[sflag:s4] =	ssyncadd.s32 $0xFFFFE700  }
0x117: {  	[tilespmem:s0], [sflag:$0x5] =	stream.indirect.gather [hbm4b:s1+s11], $0x80, s2, s11, $0xb8;
	[tilespmem:$0x1C000] =	vst v63  }
0x118: {  	s2 =	simm.s32 $0x2  }
0x119: {  	_ =	swait.ge [sflag:s2], $0x3200  }
0x11a: {  	s24 =	sadd.s32 $0x3F00, s20;
	[sflag:s2] =	ssyncset.done $0x0  }
0x11b: {  	s31 =	simm.s32 $0x5400;
	s6 =	rddreg [dreg:$0x7];
	[sflag:s2] =	ssyncadd.s32 $0xFFFFCE00  }
0x11c: {  	[hbm4b:s24+s3] =	stream.linear.scatter [tilespmem:s31], [sflag:$0xA], $0x1900, $0x38;
	[tilespmem:$0x1C000] =	vst v63  }
0x11d: {  	s7 =	simm.s32 $0x6D00;
	s22 =	sadd.s32 s19, s6  }
0x11e: {  	[hbm4b:s22+s3] =	stream.linear.scatter [tilespmem:s7], [sflag:$0x12], $0x1900, $0x38;
	[tilespmem:$0x1C000] =	vst v63  }
0x11f: {  	_ =	swait.ge [sflag:s9], $0x1900  }
0x120: {  	[sflag:s9] =	ssyncset.done $0x0  }
0x121: {  	[sflag:s9] =	ssyncadd.s32 $0xFFFFE700  }
0x122: {  	_ =	swait.ge [sflag:s23], $0x1900  }
0x123: {  	s8 =	sadd.s32 $0xFFFFFD00, s18;
	[sflag:s23] =	ssyncset.done $0x0  }
0x124: {  	s6 =	simm.s32 $0x12400;
	s24 =	simm.s32 $0x3;
	[sflag:s23] =	ssyncadd.s32 $0xFFFFE700  }
0x125: {  	[tilespmem:s6], [sflag:$0x6] =	stream.indirect.gather [hbm4b:s1+s11], $0x80, s8, s11, $0xb8;
	[tilespmem:$0x1C000] =	vst v63  }
0x126: {  	_ =	swait.ge [sflag:s24], $0x3200  }
0x127: {  	s2 =	simm.s32 $0x8800;
	[sflag:s24] =	ssyncset.done $0x0  }
0x128: {  	s8 =	sadd.s32 $0x4600, s20;
	s7 =	rddreg [dreg:$0x6];
	[sflag:s24] =	ssyncadd.s32 $0xFFFFCE00  }
0x129: {  	[hbm4b:s8+s3] =	stream.linear.scatter [tilespmem:s2], [sflag:$0xB], $0x1900, $0x38;
	[tilespmem:$0x1C000] =	vst v63  }
0x12a: {  	s22 =	sadd.s32 s19, s7;
	s7 =	simm.s32 $0xA100  }
0x12b: {  	[hbm4b:s22+s3] =	stream.linear.scatter [tilespmem:s7], [sflag:$0x13], $0x1900, $0x38;
	[tilespmem:$0x1C000] =	vst v63  }
0x12c: {  	_ =	swait.ge [sflag:s12], $0x1900  }
0x12d: {  	[sflag:s12] =	ssyncset.done $0x0  }
0x12e: {  	[sflag:s12] =	ssyncadd.s32 $0xFFFFE700  }
0x12f: {  	_ =	swait.ge [sflag:s13], $0x1900  }
0x130: {  	s24 =	sadd.s32 $0xFFFFFD80, s18;
	[sflag:s13] =	ssyncset.done $0x0  }
0x131: {  	s8 =	simm.s32 $0x4;
	s7 =	simm.s32 $0x15800;
	[sflag:s13] =	ssyncadd.s32 $0xFFFFE700  }
0x132: {  	[tilespmem:s7], [sflag:$0x7] =	stream.indirect.gather [hbm4b:s1+s11], $0x80, s24, s11, $0xb8;
	[tilespmem:$0x1C000] =	vst v63  }
0x133: {  	_ =	swait.ge [sflag:s8], $0x3200  }
0x134: {  	[sflag:s8] =	ssyncset.done $0x0  }
0x135: {  	s22 =	rddreg [dreg:$0x5];
	[sflag:s8] =	ssyncadd.s32 $0xFFFFCE00;
	s8 =	sadd.s32 $0x4D00, s20  }
0x136: {  	[hbm4b:s8+s3] =	stream.linear.scatter [tilespmem:s29], [sflag:$0xC], $0x1900, $0x38;
	[tilespmem:$0x1C000] =	vst v63  }
0x137: {  	s24 =	simm.s32 $0xD500;
	s22 =	sadd.s32 s19, s22  }
0x138: {  	[hbm4b:s22+s3] =	stream.linear.scatter [tilespmem:s24], [sflag:$0x14], $0x1900, $0x38;
	[tilespmem:$0x1C000] =	vst v63  }
0x139: {  	_ =	swait.ge [sflag:s14], $0x1900  }
0x13a: {  	[sflag:s14] =	ssyncset.done $0x0  }
0x13b: {  	[sflag:s14] =	ssyncadd.s32 $0xFFFFE700  }
0x13c: {  	_ =	swait.ge [sflag:s15], $0x1900  }
0x13d: {  	[sflag:s15] =	ssyncset.done $0x0  }
0x13e: {  	s8 =	simm.s32 $0x18C00;
	s24 =	sadd.s32 $0xFFFFFE00, s18;
	[sflag:s15] =	ssyncadd.s32 $0xFFFFE700  }
0x13f: {  	[tilespmem:s8], [sflag:$0x8] =	stream.indirect.gather [hbm4b:s1+s11], $0x80, s24, s11, $0xb8;
	[tilespmem:$0x1C000] =	vst v63  }
0x140: {  	s24 =	simm.s32 $0x5  }
0x141: {  	_ =	swait.ge [sflag:s24], $0x3200  }
0x142: {  	[sflag:s24] =	ssyncset.done $0x0  }
0x143: {  	[sflag:s24] =	ssyncadd.s32 $0xFFFFCE00;
	s24 =	sadd.s32 $0x5400, s20  }
0x144: {  	[hbm4b:s24+s3] =	stream.linear.scatter [tilespmem:s0], [sflag:$0xD], $0x1900, $0x38;
	[tilespmem:$0x1C000] =	vst v63  }
0x145: {  	s22 =	simm.s32 $0x9;
	s0 =	sadd.s32 $0x5780, s20;
	s24 =	simm.s32 $0x10900  }
0x146: {  	[hbm4b:s0+s3] =	stream.linear.scatter [tilespmem:s24], [sflag:$0x15], $0x1900, $0x38;
	[tilespmem:$0x1C000] =	vst v63  }
0x147: {  	_ =	swait.ge [sflag:s22], $0x1900  }
0x148: {  	[sflag:s22] =	ssyncset.done $0x0  }
0x149: {  	s24 =	simm.s32 $0x11;
	[sflag:s22] =	ssyncadd.s32 $0xFFFFE700  }
0x14a: {  	_ =	swait.ge [sflag:s24], $0x1900  }
0x14b: {  	[sflag:s24] =	ssyncset.done $0x0  }
0x14c: {  	s0 =	sadd.s32 $0xFFFFFE80, s18;
	[sflag:s24] =	ssyncadd.s32 $0xFFFFE700;
	s24 =	simm.s32 $0x6  }
0x14d: {  	[tilespmem:s26], [sflag:$0x1] =	stream.indirect.gather [hbm4b:s1+s11], $0x80, s0, s11, $0xb8;
	[tilespmem:$0x1C000] =	vst v63  }
0x14e: {  	_ =	swait.ge [sflag:s24], $0x3200  }
0x14f: {  	[sflag:s24] =	ssyncset.done $0x0  }
0x150: {  	s0 =	sadd.s32 $0x5B00, s20;
	s26 =	rddreg [dreg:$0x8];
	[sflag:s24] =	ssyncadd.s32 $0xFFFFCE00  }
0x151: {  	[hbm4b:s0+s3] =	stream.linear.scatter [tilespmem:s6], [sflag:$0xE], $0x1900, $0x38;
	[tilespmem:$0x1C000] =	vst v63  }
0x152: {  	s22 =	sadd.s32 s19, s26;
	s24 =	simm.s32 $0xA;
	s6 =	simm.s32 $0x13D00  }
0x153: {  	[hbm4b:s22+s3] =	stream.linear.scatter [tilespmem:s6], [sflag:$0x16], $0x1900, $0x38;
	[tilespmem:$0x1C000] =	vst v63  }
0x154: {  	_ =	swait.ge [sflag:s24], $0x1900  }
0x155: {  	[sflag:s24] =	ssyncset.done $0x0  }
0x156: {  	s26 =	simm.s32 $0x12;
	[sflag:s24] =	ssyncadd.s32 $0xFFFFE700  }
0x157: {  	_ =	swait.ge [sflag:s26], $0x1900  }
0x158: {  	[sflag:s26] =	ssyncset.done $0x0  }
0x159: {  	s6 =	sadd.s32 $0xFFFFFF00, s18;
	s24 =	simm.s32 $0x7;
	[sflag:s26] =	ssyncadd.s32 $0xFFFFE700  }
0x15a: {  	[tilespmem:s31], [sflag:$0x2] =	stream.indirect.gather [hbm4b:s1+s11], $0x80, s6, s11, $0xb8;
	[tilespmem:$0x1C000] =	vst v63  }
0x15b: {  	_ =	swait.ge [sflag:s24], $0x3200  }
0x15c: {  	[sflag:s24] =	ssyncset.done $0x0  }
0x15d: {  	s6 =	sadd.s32 $0x6200, s20;
	s31 =	rddreg [dreg:$0x9];
	[sflag:s24] =	ssyncadd.s32 $0xFFFFCE00  }
0x15e: {  	[hbm4b:s6+s3] =	stream.linear.scatter [tilespmem:s7], [sflag:$0xF], $0x1900, $0x38;
	[tilespmem:$0x1C000] =	vst v63  }
0x15f: {  	s22 =	sadd.s32 s19, s31;
	s31 =	simm.s32 $0x17100  }
0x160: {  	[hbm4b:s22+s3] =	stream.linear.scatter [tilespmem:s31], [sflag:$0x17], $0x1900, $0x38;
	[tilespmem:$0x1C000] =	vst v63  }
0x161: {  	_ =	swait.ge [sflag:s5], $0x1900  }
0x162: {  	[sflag:s5] =	ssyncset.done $0x0  }
0x163: {  	[sflag:s5] =	ssyncadd.s32 $0xFFFFE700  }
0x164: {  	_ =	swait.ge [sflag:s10], $0x1900  }
0x165: {  	[sflag:s10] =	ssyncset.done $0x0  }
0x166: {  	s6 =	sadd.s32 $0xFFFFFF80, s18;
	[sflag:s10] =	ssyncadd.s32 $0xFFFFE700  }
0x167: {  	[tilespmem:s2], [sflag:$0x3] =	stream.indirect.gather [hbm4b:s1+s11], $0x80, s6, s11, $0xb8;
	[tilespmem:$0x1C000] =	vst v63  }
0x168: {  	_ =	swait.ge [sflag:s21], $0x3200  }
0x169: {  	[sflag:s21] =	ssyncset.done $0x0  }
0x16a: {  	s20 =	sadd.s32 $0x6900, s20;
	s7 =	rddreg [dreg:$0xa];
	[sflag:s21] =	ssyncadd.s32 $0xFFFFCE00  }
0x16b: {  	[hbm4b:s20+s3] =	stream.linear.scatter [tilespmem:s8], [sflag:$0x10], $0x1900, $0x38;
	[tilespmem:$0x1C000] =	vst v63  }
0x16c: {  	s31 =	simm.s32 $0x1A500;
	s19 =	sadd.s32 s19, s7  }
0x16d: {  	[hbm4b:s19+s3] =	stream.linear.scatter [tilespmem:s31], [sflag:$0x18], $0x1900, $0x38;
	[tilespmem:$0x1C000] =	vst v63  }
0x16e: {  	p0 =	sne.s32 s17, $0x11800;
	_ =	swait.ge [sflag:s25], $0x1900  }
.Ltmp0:
0x16f: {  	[sflag:s25] =	ssyncset.done $0x0;
	(pc) =	sbr.rel @p0 .LBB2_2-.Ltmp0, $4  }
0x170: {  	[sflag:s25] =	ssyncadd.s32 $0xFFFFE700  }
0x171: {  	s17 =	sadd.s32 $0x3800, s17;
	s16 =	smov.u32 s18;
	_ =	swait.ge [sflag:s28], $0x1900  }
0x172: {  	s29 =	simm.s32 $0x2000;
	s26 =	simm.s32 $0x5400;
	[sflag:s28] =	ssyncset.done $0x0  }
0x173: {  	s24 =	simm.s32 $0x8800;
	s18 =	sadd.s32 $0x400, s18;
	[sflag:s28] =	ssyncadd.s32 $0xFFFFE700  }
0x174: {  	s2 =	simm.s32 $0xBC00;
	s0 =	simm.s32 $0x1  }
0x175: {  	[tilespmem:s2], [sflag:$0x4] =	stream.indirect.gather [hbm4b:s1+s11], $0x80, s16, s11, $0xb8;
	[tilespmem:$0x1C000] =	vst v63  }
0x176: {  	_ =	swait.ge [sflag:s0], $0x3200  }
0x177: {  	[sflag:s0] =	ssyncset.done $0x0  }
0x178: {  	s6 =	rddreg [dreg:$0x10];
	[sflag:s0] =	ssyncadd.s32 $0xFFFFCE00  }
0x179: {  	[hbm4b:s6+s3] =	stream.linear.scatter [tilespmem:s29], [sflag:$0x9], $0x1900, $0x38;
	[tilespmem:$0x1C000] =	vst v63  }
0x17a: {  	s8 =	simm.s32 $0x3900;
	s7 =	rddreg [dreg:$0x11]  }
0x17b: {  	[hbm4b:s7+s3] =	stream.linear.scatter [tilespmem:s8], [sflag:$0x11], $0x1900, $0x38;
	[tilespmem:$0x1C000] =	vst v63  }
0x17c: {  	_ =	swait.ge [sflag:s30], $0x1900  }
0x17d: {  	[sflag:s30] =	ssyncset.done $0x0  }
0x17e: {  	[sflag:s30] =	ssyncadd.s32 $0xFFFFE700  }
0x17f: {  	_ =	swait.ge [sflag:s4], $0x1900  }
0x180: {  	s16 =	simm.s32 $0x2;
	[sflag:s4] =	ssyncset.done $0x0  }
0x181: {  	s0 =	simm.s32 $0xF000;
	s6 =	simm.s32 $0x1E00;
	[sflag:s4] =	ssyncadd.s32 $0xFFFFE700  }
0x182: {  	[tilespmem:s0], [sflag:$0x5] =	stream.indirect.gather [hbm4b:s1+s11], $0x80, s6, s11, $0xb8;
	[tilespmem:$0x1C000] =	vst v63  }
0x183: {  	_ =	swait.ge [sflag:s16], $0x3200  }
0x184: {  	[sflag:s16] =	ssyncset.done $0x0  }
0x185: {  	s17 =	rddreg [dreg:$0x12];
	[sflag:s16] =	ssyncadd.s32 $0xFFFFCE00  }
0x186: {  	[hbm4b:s17+s3] =	stream.linear.scatter [tilespmem:s26], [sflag:$0xA], $0x1900, $0x38;
	[tilespmem:$0x1C000] =	vst v63  }
0x187: {  	s19 =	simm.s32 $0x6D00;
	s18 =	rddreg [dreg:$0x13]  }
0x188: {  	[hbm4b:s18+s3] =	stream.linear.scatter [tilespmem:s19], [sflag:$0x12], $0x1900, $0x38;
	[tilespmem:$0x1C000] =	vst v63  }
0x189: {  	_ =	swait.ge [sflag:s9], $0x1900  }
0x18a: {  	[sflag:s9] =	ssyncset.done $0x0  }
0x18b: {  	[sflag:s9] =	ssyncadd.s32 $0xFFFFE700  }
0x18c: {  	_ =	swait.ge [sflag:s23], $0x1900  }
0x18d: {  	s20 =	simm.s32 $0x3;
	[sflag:s23] =	ssyncset.done $0x0  }
0x18e: {  	s7 =	simm.s32 $0x1E80;
	s6 =	simm.s32 $0x12400;
	[sflag:s23] =	ssyncadd.s32 $0xFFFFE700  }
0x18f: {  	[tilespmem:s6], [sflag:$0x6] =	stream.indirect.gather [hbm4b:s1+s11], $0x80, s7, s11, $0xb8;
	[tilespmem:$0x1C000] =	vst v63  }
0x190: {  	_ =	swait.ge [sflag:s20], $0x3200  }
0x191: {  	[sflag:s20] =	ssyncset.done $0x0  }
0x192: {  	s22 =	rddreg [dreg:$0x14];
	[sflag:s20] =	ssyncadd.s32 $0xFFFFCE00  }
0x193: {  	[hbm4b:s22+s3] =	stream.linear.scatter [tilespmem:s24], [sflag:$0xB], $0x1900, $0x38;
	[tilespmem:$0x1C000] =	vst v63  }
0x194: {  	s26 =	simm.s32 $0xA100;
	s24 =	rddreg [dreg:$0x15]  }
0x195: {  	[hbm4b:s24+s3] =	stream.linear.scatter [tilespmem:s26], [sflag:$0x13], $0x1900, $0x38;
	[tilespmem:$0x1C000] =	vst v63  }
0x196: {  	_ =	swait.ge [sflag:s12], $0x1900  }
0x197: {  	[sflag:s12] =	ssyncset.done $0x0  }
0x198: {  	[sflag:s12] =	ssyncadd.s32 $0xFFFFE700  }
0x199: {  	_ =	swait.ge [sflag:s13], $0x1900  }
0x19a: {  	s29 =	simm.s32 $0x4;
	[sflag:s13] =	ssyncset.done $0x0  }
0x19b: {  	s8 =	simm.s32 $0x1F00;
	s7 =	simm.s32 $0x15800;
	[sflag:s13] =	ssyncadd.s32 $0xFFFFE700  }
0x19c: {  	[tilespmem:s7], [sflag:$0x7] =	stream.indirect.gather [hbm4b:s1+s11], $0x80, s8, s11, $0xb8;
	[tilespmem:$0x1C000] =	vst v63  }
0x19d: {  	_ =	swait.ge [sflag:s29], $0x3200  }
0x19e: {  	[sflag:s29] =	ssyncset.done $0x0  }
0x19f: {  	s31 =	rddreg [dreg:$0x16];
	[sflag:s29] =	ssyncadd.s32 $0xFFFFCE00  }
0x1a0: {  	[hbm4b:s31+s3] =	stream.linear.scatter [tilespmem:s2], [sflag:$0xC], $0x1900, $0x38;
	[tilespmem:$0x1C000] =	vst v63  }
0x1a1: {  	s8 =	simm.s32 $0xD500;
	s2 =	rddreg [dreg:$0x17]  }
0x1a2: {  	[hbm4b:s2+s3] =	stream.linear.scatter [tilespmem:s8], [sflag:$0x14], $0x1900, $0x38;
	[tilespmem:$0x1C000] =	vst v63  }
0x1a3: {  	_ =	swait.ge [sflag:s14], $0x1900  }
0x1a4: {  	[sflag:s14] =	ssyncset.done $0x0  }
0x1a5: {  	[sflag:s14] =	ssyncadd.s32 $0xFFFFE700  }
0x1a6: {  	_ =	swait.ge [sflag:s15], $0x1900  }
0x1a7: {  	s17 =	simm.s32 $0x1F80;
	[sflag:s15] =	ssyncset.done $0x0  }
0x1a8: {  	s18 =	simm.s32 $0x5;
	s2 =	simm.s32 $0x18C00;
	[sflag:s15] =	ssyncadd.s32 $0xFFFFE700  }
0x1a9: {  	[tilespmem:s2], [sflag:$0x8] =	stream.indirect.gather [hbm4b:s1+s11], $0x80, s17, s11, $0xb8;
	[tilespmem:$0x1C000] =	vst v63  }
0x1aa: {  	_ =	swait.ge [sflag:s18], $0x3200  }
0x1ab: {  	[sflag:s18] =	ssyncset.done $0x0  }
0x1ac: {  	s19 =	rddreg [dreg:$0x18];
	[sflag:s18] =	ssyncadd.s32 $0xFFFFCE00  }
0x1ad: {  	[hbm4b:s19+s3] =	stream.linear.scatter [tilespmem:s0], [sflag:$0xD], $0x1900, $0x38;
	[tilespmem:$0x1C000] =	vst v63  }
0x1ae: {  	s22 =	simm.s32 $0x10900;
	s24 =	simm.s32 $0x9;
	s20 =	rddreg [dreg:$0x19]  }
0x1af: {  	[hbm4b:s20+s3] =	stream.linear.scatter [tilespmem:s22], [sflag:$0x15], $0x1900, $0x38;
	[tilespmem:$0x1C000] =	vst v63  }
0x1b0: {  	_ =	swait.ge [sflag:s24], $0x1900  }
0x1b1: {  	[sflag:s24] =	ssyncset.done $0x0  }
0x1b2: {  	s26 =	simm.s32 $0x11;
	[sflag:s24] =	ssyncadd.s32 $0xFFFFE700  }
0x1b3: {  	_ =	swait.ge [sflag:s26], $0x1900  }
0x1b4: {  	[sflag:s26] =	ssyncset.done $0x0  }
0x1b5: {  	s29 =	simm.s32 $0x6;
	[sflag:s26] =	ssyncadd.s32 $0xFFFFE700  }
0x1b6: {  	_ =	swait.ge [sflag:s29], $0x3200  }
0x1b7: {  	[sflag:s29] =	ssyncset.done $0x0  }
0x1b8: {  	s31 =	rddreg [dreg:$0x1a];
	[sflag:s29] =	ssyncadd.s32 $0xFFFFCE00  }
0x1b9: {  	[hbm4b:s31+s3] =	stream.linear.scatter [tilespmem:s6], [sflag:$0xE], $0x1900, $0x38;
	[tilespmem:$0x1C000] =	vst v63  }
0x1ba: {  	s8 =	simm.s32 $0xA;
	s0 =	rddreg [dreg:$0x1b];
	s6 =	simm.s32 $0x13D00  }
0x1bb: {  	[hbm4b:s0+s3] =	stream.linear.scatter [tilespmem:s6], [sflag:$0x16], $0x1900, $0x38;
	[tilespmem:$0x1C000] =	vst v63  }
0x1bc: {  	_ =	swait.ge [sflag:s8], $0x1900  }
0x1bd: {  	[sflag:s8] =	ssyncset.done $0x0  }
0x1be: {  	s16 =	simm.s32 $0x12;
	[sflag:s8] =	ssyncadd.s32 $0xFFFFE700  }
0x1bf: {  	_ =	swait.ge [sflag:s16], $0x1900  }
0x1c0: {  	[sflag:s16] =	ssyncset.done $0x0  }
0x1c1: {  	s17 =	simm.s32 $0x7;
	[sflag:s16] =	ssyncadd.s32 $0xFFFFE700  }
0x1c2: {  	_ =	swait.ge [sflag:s17], $0x3200  }
0x1c3: {  	[sflag:s17] =	ssyncset.done $0x0  }
0x1c4: {  	s18 =	rddreg [dreg:$0x1c];
	[sflag:s17] =	ssyncadd.s32 $0xFFFFCE00  }
0x1c5: {  	[hbm4b:s18+s3] =	stream.linear.scatter [tilespmem:s7], [sflag:$0xF], $0x1900, $0x38;
	[tilespmem:$0x1C000] =	vst v63  }
0x1c6: {  	s20 =	simm.s32 $0x17100;
	s19 =	rddreg [dreg:$0x1d]  }
0x1c7: {  	[hbm4b:s19+s3] =	stream.linear.scatter [tilespmem:s20], [sflag:$0x17], $0x1900, $0x38;
	[tilespmem:$0x1C000] =	vst v63  }
0x1c8: {  	_ =	swait.ge [sflag:s5], $0x1900  }
0x1c9: {  	[sflag:s5] =	ssyncset.done $0x0  }
0x1ca: {  	[sflag:s5] =	ssyncadd.s32 $0xFFFFE700  }
0x1cb: {  	_ =	swait.ge [sflag:s10], $0x1900  }
0x1cc: {  	[sflag:s10] =	ssyncset.done $0x0  }
0x1cd: {  	[sflag:s10] =	ssyncadd.s32 $0xFFFFE700  }
0x1ce: {  	_ =	swait.ge [sflag:s21], $0x3200  }
0x1cf: {  	[sflag:s21] =	ssyncset.done $0x0  }
0x1d0: {  	s22 =	rddreg [dreg:$0x1e];
	[sflag:s21] =	ssyncadd.s32 $0xFFFFCE00  }
0x1d1: {  	[hbm4b:s22+s3] =	stream.linear.scatter [tilespmem:s2], [sflag:$0x10], $0x1900, $0x38;
	[tilespmem:$0x1C000] =	vst v63  }
0x1d2: {  	s26 =	simm.s32 $0x1A500;
	s24 =	rddreg [dreg:$0x1f]  }
0x1d3: {  	[hbm4b:s24+s3] =	stream.linear.scatter [tilespmem:s26], [sflag:$0x18], $0x1900, $0x38;
	[tilespmem:$0x1C000] =	vst v63  }
0x1d4: {  	_ =	swait.ge [sflag:s25], $0x1900  }
0x1d5: {  	[sflag:s25] =	ssyncset.done $0x0  }
0x1d6: {  	[sflag:s25] =	ssyncadd.s32 $0xFFFFE700  }
0x1d7: {  	_ =	swait.ge [sflag:s28], $0x1900  }
0x1d8: {  	[sflag:s28] =	ssyncset.done $0x0  }
0x1d9: {  	[sflag:s28] =	ssyncadd.s32 $0xFFFFE700  }
0x1da: {  	_ =	swait.ge [sflag:s30], $0x1900  }
0x1db: {  	[sflag:s30] =	ssyncset.done $0x0  }
0x1dc: {  	[sflag:s30] =	ssyncadd.s32 $0xFFFFE700  }
0x1dd: {  	_ =	swait.ge [sflag:s4], $0x1900  }
0x1de: {  	[sflag:s4] =	ssyncset.done $0x0  }
0x1df: {  	[sflag:s4] =	ssyncadd.s32 $0xFFFFE700  }
0x1e0: {  	_ =	swait.ge [sflag:s9], $0x1900  }
0x1e1: {  	[sflag:s9] =	ssyncset.done $0x0  }
0x1e2: {  	[sflag:s9] =	ssyncadd.s32 $0xFFFFE700  }
0x1e3: {  	_ =	swait.ge [sflag:s23], $0x1900  }
0x1e4: {  	[sflag:s23] =	ssyncset.done $0x0  }
0x1e5: {  	[sflag:s23] =	ssyncadd.s32 $0xFFFFE700  }
0x1e6: {  	_ =	swait.ge [sflag:s12], $0x1900  }
0x1e7: {  	[sflag:s12] =	ssyncset.done $0x0  }
0x1e8: {  	[sflag:s12] =	ssyncadd.s32 $0xFFFFE700  }
0x1e9: {  	_ =	swait.ge [sflag:s13], $0x1900  }
0x1ea: {  	[sflag:s13] =	ssyncset.done $0x0  }
0x1eb: {  	[sflag:s13] =	ssyncadd.s32 $0xFFFFE700  }
0x1ec: {  	_ =	swait.ge [sflag:s14], $0x1900  }
0x1ed: {  	[sflag:s14] =	ssyncset.done $0x0  }
0x1ee: {  	[sflag:s14] =	ssyncadd.s32 $0xFFFFE700  }
0x1ef: {  	_ =	swait.ge [sflag:s15], $0x1900  }
0x1f0: {  	s29 =	sld [smem:$0x7F0]  }
0x1f1: {  	s31 =	sld [smem:$0x7F1];
	_ =	sdelay $0x1  }
0x1f2: {  	s0 =	sadd.s32 $0x1, s29  }
0x1f3: {  	p0 =	sne.s32 s0, s31  }
.Ltmp1:
0x1f4: {  	_ = 	snop;
	(pc) =	sbr.rel @p0 .LBB2_1-.Ltmp1, $3  }
0x1f5: {  	_ =	sdelay $0x1  }
0x1f6: {  	[sflag:s15] =	ssyncset.done $0x0  }
0x1f7: {  	[sflag:s15] =	ssyncadd.s32 $0xFFFFE700  }
0x1f8: {  	_ =	sfence.sel $0x180000  }
0x1f9: {  	[bflag:$0x0] =	sbarrier.arrive $0xFFFF  }
0x1fa: {  	_ =	strace $0x90000047  }
0x1fb: {  	s0 =	stileid.u32;
	[bflag:$0x2] =	sbarrier.arrive $0xFFFF  }
0x1fc: {  	p0 =	sne.s32 s0, $0x0;
	s0 =	rddreg [dreg:$0x3]  }
0x1fd: {  	s0 =	sadd.s32 @!p0 $0x100000, s0  }
0x1fe: {  	[sflag:s0] =	ssyncadd.tile.s32 @!p0 $0x1;
	_ =	shalt  }
.Lfunc_end2:
_tile_overlayer_lowered:
.L_overlay_start_2:
0x1ff: {  	(tag) =	ssettag $0x2  }
0x200: {  	s0 =	rddreg [dreg:$0x0];
	s2 =	stileid.u32  }
0x201: {  	s1 =	rddreg [dreg:$0x1];
	p0 =	sne.s32 s2, $0x0  }
0x202: {  	s3 =	rddreg [dreg:$0x2];
	[bflag:$0x3] =	sbarrier.arrive $0xFFFF;
	s2 =	simm.s32 @!p0 $0x1C19  }
0x203: {  	[timem:s3], [sflag:s2] =	dma.local @!p0 [hbm:s0], s1  }
0x204: {  	s0 =	simm.s32 @!p0 $0x19  }
0x205: {  	_ =	swait.ge @!p0 [sflag:s0], s1  }
0x206: {  	s1 =	ssub.s32 @!p0 $0x0, s1;
	[sflag:s0] =	ssyncset.done @!p0 $0x0  }
0x207: {  	[sflag:s0] =	ssyncadd.s32 @!p0 s1  }
0x208: {  	[bflag:$0x3] =	sbarrier.arrive $0xFFFF  }
0x209: {  	_ =	shalt  }

</sc_bundles>
